<compile_context>
chip_gen: v7x
topology: tpu7x:2x2x1
jax: 0.10.2.dev20260603
libtpu: 0.0.44.dev20260713+nightly
codegen_flags: <defaults>
</compile_context>

<pallas_src>
import functools

import jax
import jax.numpy as jnp
from jax import lax
from jax.experimental import pallas as pl
from jax.experimental.pallas import tpu as pltpu
from jax.experimental.pallas import tpu_sc as plsc

N = 10000
E = 320000
D = 128
DH = 64
ALPHA_LRELU = 0.2

NS = 16
CHUNK = 128
EPT = 20096
NCHUNK = EPT // CHUNK
EPAD = EPT * NS
NB = 10240
NPT = NB // NS
ROWS_PER_STAGE = 624


def _tc_body(h_ref, ht_ref, w_ref, p_ref, whl_ref, whh_ref, f_ref):
    hblk = h_ref[...]
    w = w_ref[...]
    wh = lax.dot_general(hblk, w, (((1,), (1,)), ((), ())),
                         preferred_element_type=jnp.float32)
    whl_ref[...] = wh[:, :DH]
    whh_ref[...] = wh[:, DH:]
    b = lax.dot_general(p_ref[...], w, (((1,), (0,)), ((), ())),
                        preferred_element_type=jnp.float32)
    f_ref[...] = lax.dot_general(b, ht_ref[...], (((1,), (0,)), ((), ())),
                                 preferred_element_type=jnp.float32)


def _tc_matmuls(h, ht, W, P):
    grid = 10
    blk = N // grid
    return pl.pallas_call(
        _tc_body,
        grid=(grid,),
        in_specs=[
            pl.BlockSpec((blk, D), lambda i: (i, 0)),
            pl.BlockSpec((D, N), lambda i: (0, 0)),
            pl.BlockSpec((D, D), lambda i: (0, 0)),
            pl.BlockSpec((8, D), lambda i: (0, 0)),
        ],
        out_specs=[
            pl.BlockSpec((blk, DH), lambda i: (i, 0)),
            pl.BlockSpec((blk, DH), lambda i: (i, 0)),
            pl.BlockSpec((8, N), lambda i: (0, 0)),
        ],
        out_shape=[
            jax.ShapeDtypeStruct((N, DH), jnp.float32),
            jax.ShapeDtypeStruct((N, DH), jnp.float32),
            jax.ShapeDtypeStruct((8, N), jnp.float32),
        ],
    )(h, ht, W, P)


def _edge_weight(f1_v, f2_v, row_v, col_v, k, off, gid_base, iota16):
    r = row_v[k, pl.ds(off, 16)]
    cc = col_v[k, pl.ds(off, 16)]
    a = plsc.load_gather(f1_v, [r])
    b = plsc.load_gather(f2_v, [cc])
    e = a + b
    e = jnp.maximum(e, ALPHA_LRELU * e)
    pe = jnp.exp(e)
    gid = gid_base + off + iota16
    return jnp.where(gid < E, pe, 0.0), r


def _sc_body(whl, whh, f1h, f2h, rowsh, colsh, outl, outh,
             row_v, col_v, f1_v, f2_v, es_v, gbuf, zvec, pbuf,
             acc_s, es_s, sem):
    c = lax.axis_index("c")
    s = lax.axis_index("s")


    pltpu.sync_copy(rowsh.at[s], row_v)
    pltpu.sync_copy(colsh.at[s], col_v)
    pltpu.sync_copy(f1h, f1_v)
    pltpu.sync_copy(f2h, f2_v)

    zeros16 = jnp.zeros((16,), jnp.float32)

    def _zero_zvec(i, carry):
        zvec[pl.ds(i * 16, 16)] = zeros16
        return carry
    lax.fori_loop(0, NPT // 16, _zero_zvec, 0)

    def _zero_gbuf(i, carry):
        for q in range(DH // 16):
            gbuf[i, pl.ds(q * 16, 16)] = zeros16
        return carry
    lax.fori_loop(0, CHUNK, _zero_gbuf, 0)

    pltpu.sync_copy(zvec, es_s.at[pl.ds(s * NPT, NPT)])
    for b in range(NPT // CHUNK):
        pltpu.sync_copy(gbuf, acc_s.at[pl.ds(s * NPT + b * CHUNK, CHUNK)])

    plsc.subcore_barrier()

    tile_base = s * EPT
    iota16 = lax.broadcasted_iota(jnp.int32, (16,), 0)

    def _chunk_p(k, carry):
        for v in range(CHUNK // 16):
            off = v * 16
            pe, _ = _edge_weight(f1_v, f2_v, row_v, col_v, k, off,
                                 tile_base + k * CHUNK, iota16)
            pbuf[pl.ds(off, 16)] = pe
        pltpu.sync_copy(pbuf, es_s.at[row_v.at[k]], add=True)
        return carry
    lax.fori_loop(0, NCHUNK, _chunk_p, 0)

    plsc.subcore_barrier()

    pltpu.sync_copy(es_s, es_v)

    dn = lax.GatherDimensionNumbers(
        offset_dims=(), collapsed_slice_dims=(0,), start_index_map=(0,))

    def _chunk_b(k, carry):
        @pl.when(c == 0)
        def _():
            pltpu.async_copy(whl.at[col_v.at[k]], gbuf, sem).wait()

        @pl.when(c == 1)
        def _():
            pltpu.async_copy(whh.at[col_v.at[k]], gbuf, sem).wait()

        def _scale(g, carry2):
            off = g * 16
            pe, r = _edge_weight(f1_v, f2_v, row_v, col_v, k, off,
                                 tile_base + k * CHUNK, iota16)
            ssum = plsc.load_gather(es_v, [r])
            attn = pe / (ssum + 1e-10)
            for r2 in range(16):
                w = lax.gather(attn, jnp.full((16, 1), r2, jnp.int32), dn,
                               slice_sizes=(1,),
                               mode=lax.GatherScatterMode.PROMISE_IN_BOUNDS)
                row_i = off + r2
                for q in range(DH // 16):
                    gbuf[row_i, pl.ds(q * 16, 16)] = (
                        gbuf[row_i, pl.ds(q * 16, 16)] * w)
            return carry2
        lax.fori_loop(0, CHUNK // 16, _scale, 0)

        pltpu.sync_copy(gbuf, acc_s.at[row_v.at[k]], add=True)
        return carry
    lax.fori_loop(0, NCHUNK, _chunk_b, 0)

    plsc.subcore_barrier()

    for b in range(NPT // CHUNK):
        base = s * NPT + b * CHUNK
        pltpu.sync_copy(acc_s.at[pl.ds(base, CHUNK)], gbuf)

        def _elu(i, carry):
            for q in range(DH // 16):
                x = gbuf[i, pl.ds(q * 16, 16)]
                gbuf[i, pl.ds(q * 16, 16)] = jnp.where(
                    x > 0, x, jnp.exp(x) - 1.0)
            return carry
        lax.fori_loop(0, CHUNK, _elu, 0)

        @pl.when(c == 0)
        def _():
            pltpu.sync_copy(gbuf, outl.at[pl.ds(base, CHUNK)])

        @pl.when(c == 1)
        def _():
            pltpu.sync_copy(gbuf, outh.at[pl.ds(base, CHUNK)])


_sc_call = functools.partial(
    pl.kernel,
    out_type=(
        jax.ShapeDtypeStruct((NB, DH), jnp.float32),
        jax.ShapeDtypeStruct((NB, DH), jnp.float32),
    ),
    mesh=plsc.VectorSubcoreMesh(core_axis_name="c", subcore_axis_name="s"),
    compiler_params=pltpu.CompilerParams(needs_layout_passes=False,
                                         use_tc_tiling_on_sc=False),
    scratch_types=[
        pltpu.VMEM((NCHUNK, CHUNK), jnp.int32),
        pltpu.VMEM((NCHUNK, CHUNK), jnp.int32),
        pltpu.VMEM((NB,), jnp.float32),
        pltpu.VMEM((NB,), jnp.float32),
        pltpu.VMEM((NB,), jnp.float32),
        pltpu.VMEM((CHUNK, DH), jnp.float32),
        pltpu.VMEM((NPT,), jnp.float32),
        pltpu.VMEM((CHUNK,), jnp.float32),
        pltpu.VMEM_SHARED((NB, DH), jnp.float32),
        pltpu.VMEM_SHARED((NB,), jnp.float32),
        pltpu.SemaphoreType.DMA,
    ],
)(_sc_body)


def kernel(h, adj, W, a1, a2):
    adj = adj.astype(jnp.int32)
    row = adj[0]
    col = adj[1]
    npad = EPAD - E
    pad_idx = (jnp.arange(npad, dtype=jnp.int32) % N)
    rows3 = jnp.concatenate([row, pad_idx]).reshape(NS, NCHUNK, CHUNK)
    cols3 = jnp.concatenate([col, pad_idx]).reshape(NS, NCHUNK, CHUNK)

    ht = h.T
    P = jnp.zeros((8, D), jnp.float32)
    P = P.at[0].set(a1[:, 0]).at[1].set(a2[:, 0])

    wh_lo, wh_hi, F = _tc_matmuls(h, ht, W, P)
    zpad = jnp.zeros((NB - N,), jnp.float32)
    f1 = jnp.concatenate([F[0], zpad])
    f2 = jnp.concatenate([F[1], zpad])

    out_lo, out_hi = _sc_call(wh_lo, wh_hi, f1, f2, rows3, cols3)
    return jnp.concatenate([out_lo[:N], out_hi[:N]], axis=1)

# --- scband reference (transcript-rebuilt; emitter-appended) ---
"""Pipeline reference for scband-gatlayer-63136019251381 (READ-ONLY COPY).

The authoritative reference and input builder live on the scoring server;
editing this copy changes nothing except your own understanding.
"""

import jax, jax.numpy as jnp
import numpy as np

N_NODES = 10000
N_EDGES = 320000
D_IN = 128
D_OUT = 128
ALPHA = 0.2

def setup_inputs(seed: int = 0) -> dict:
    key = jax.random.key(seed)
    k1, k2, k3, k4, k5 = jax.random.split(key, 5)
    h = jax.random.normal(k1, (N_NODES, D_IN), dtype=jnp.float32)
    adj = jax.random.randint(k2, (2, N_EDGES), 0, N_NODES, dtype=jnp.int64)
    # nn.Linear weight: [out_features, in_features]
    lim = 1.0 / np.sqrt(D_IN)
    W = jax.random.uniform(k3, (D_OUT, D_IN), dtype=jnp.float32, minval=-lim, maxval=lim)
    # xavier_uniform with gain=1.414 on (D_OUT, 1)
    a_lim = 1.414 * np.sqrt(6.0 / (D_OUT + 1))
    a1 = jax.random.uniform(k4, (D_OUT, 1), dtype=jnp.float32, minval=-a_lim, maxval=a_lim)
    a2 = jax.random.uniform(k5, (D_OUT, 1), dtype=jnp.float32, minval=-a_lim, maxval=a_lim)
    return {"h": h, "adj": adj, "W": W, "a1": a1, "a2": a2}

def reference(h, adj, W, a1, a2):
    Wh = h @ W.T
    N = Wh.shape[0]
    row = adj[0]
    col = adj[1]
    f1 = (Wh @ a1).squeeze(-1)
    f2 = (Wh @ a2).squeeze(-1)
    edge_e = jax.nn.leaky_relu(f1[row] + f2[col], negative_slope=ALPHA)
    edge_e_exp = jnp.exp(edge_e - jnp.max(edge_e))
    exp_sum = jax.ops.segment_sum(edge_e_exp, row, num_segments=N)
    attn = edge_e_exp / (exp_sum[row] + 1e-10)
    # dropout p=0.0 (inference): identity
    weighted_Wh = Wh[col] * attn[:, None]
    h_prime = jax.ops.segment_sum(weighted_Wh, row, num_segments=N)
    return jax.nn.elu(h_prime)

if __name__ == "__main__":
    import jax
    _d = setup_inputs()
    print(jax.jit(kernel)(*tuple(_d.values())))

</pallas_src>

<mosaic_0001>
#map = affine_map<(d0, d1) -> (0, 0)>
#map1 = affine_map<(d0, d1) -> (0)>
#map2 = affine_map<(d0, d1) -> (0, 0, 0)>
module attributes {stable_mosaic.version = 14 : i64} {
  func.func @_sc_body(%arg0: i32, %arg1: i32, %arg2: memref<10000x64xf32, #tpu.memory_space<hbm>>, %arg3: memref<10000x64xf32, #tpu.memory_space<hbm>>, %arg4: memref<10240xf32, #tpu.memory_space<hbm>>, %arg5: memref<10240xf32, #tpu.memory_space<hbm>>, %arg6: memref<16x157x128xi32, #tpu.memory_space<hbm>>, %arg7: memref<16x157x128xi32, #tpu.memory_space<hbm>>, %arg8: memref<10240x64xf32, #tpu.memory_space<hbm>>, %arg9: memref<10240x64xf32, #tpu.memory_space<hbm>>, %arg10: memref<157x128xi32, #tpu.memory_space<vmem>>, %arg11: memref<157x128xi32, #tpu.memory_space<vmem>>, %arg12: memref<10240xf32, #tpu.memory_space<vmem>>, %arg13: memref<10240xf32, #tpu.memory_space<vmem>>, %arg14: memref<10240xf32, #tpu.memory_space<vmem>>, %arg15: memref<128x64xf32, #tpu.memory_space<vmem>>, %arg16: memref<640xf32, #tpu.memory_space<vmem>>, %arg17: memref<128xf32, #tpu.memory_space<vmem>>, %arg18: memref<10240x64xf32, #tpu.memory_space<vmem_shared>>, %arg19: memref<10240xf32, #tpu.memory_space<vmem_shared>>, %arg20: memref<!tpu.dma_semaphore, #tpu.memory_space<semaphore_mem>>) attributes {dimension_semantics = [#tpu.dimension_semantics<core_parallel>, #tpu.dimension_semantics<subcore_parallel>], iteration_bounds = array<i64: 2, 16>, scalar_prefetch = 0 : i64, scratch_operands = 11 : i64, tpu.core_type = #tpu.core_type<sc_vector_subcore>, window_params = [{transform_indices = #map}, {transform_indices = #map}, {transform_indices = #map1}, {transform_indices = #map1}, {transform_indices = #map2}, {transform_indices = #map2}, {transform_indices = #map}, {transform_indices = #map}]} {
    "tpu.region"() ({
      %run_scoped3A = tpu.sem_alloc : memref<!tpu.dma_semaphore, #tpu.memory_space<semaphore_mem>>
      %dma_start3A = arith.constant 0 : i32
      %dma_start3A_145 = arith.constant 0 : i32
      %dma_start3A_146 = tpu.memref_slice %arg6[%arg1, %dma_start3A, %dma_start3A_145] : memref<16x157x128xi32, #tpu.memory_space<hbm>> -> memref<1x157x128xi32, #tpu.memory_space<hbm>>
      %dma_start3A_147 = tpu.memref_squeeze %dma_start3A_146 : memref<1x157x128xi32, #tpu.memory_space<hbm>> -> memref<157x128xi32, #tpu.memory_space<hbm>>
      %dma_start3A_148 = arith.constant 0 : i32
      %dma_start3A_149 = arith.constant 0 : i32
      %dma_start3A_150 = tpu.memref_slice %arg6[%arg1, %dma_start3A_148, %dma_start3A_149] : memref<16x157x128xi32, #tpu.memory_space<hbm>> -> memref<1x157x128xi32, #tpu.memory_space<hbm>>
      %dma_start3A_151 = tpu.memref_squeeze %dma_start3A_150 : memref<1x157x128xi32, #tpu.memory_space<hbm>> -> memref<157x128xi32, #tpu.memory_space<hbm>>
      tpu.enqueue_dma source(%dma_start3A_151 : memref<157x128xi32, #tpu.memory_space<hbm>>) target(%arg10 : memref<157x128xi32, #tpu.memory_space<vmem>>) target_semaphore(%run_scoped3A : memref<!tpu.dma_semaphore, #tpu.memory_space<semaphore_mem>>)
      %dma_wait3A = arith.constant 0 : i32
      %dma_wait3A_152 = arith.constant 0 : i32
      %dma_wait3A_153 = tpu.memref_slice %arg6[%arg1, %dma_wait3A, %dma_wait3A_152] : memref<16x157x128xi32, #tpu.memory_space<hbm>> -> memref<1x157x128xi32, #tpu.memory_space<hbm>>
      %dma_wait3A_154 = tpu.memref_squeeze %dma_wait3A_153 : memref<1x157x128xi32, #tpu.memory_space<hbm>> -> memref<157x128xi32, #tpu.memory_space<hbm>>
      %dma_wait3A_155 = arith.constant 0 : i32
      %dma_wait3A_156 = arith.constant 0 : i32
      %dma_wait3A_157 = tpu.memref_slice %arg6[%arg1, %dma_wait3A_155, %dma_wait3A_156] : memref<16x157x128xi32, #tpu.memory_space<hbm>> -> memref<1x157x128xi32, #tpu.memory_space<hbm>>
      %dma_wait3A_158 = tpu.memref_squeeze %dma_wait3A_157 : memref<1x157x128xi32, #tpu.memory_space<hbm>> -> memref<157x128xi32, #tpu.memory_space<hbm>>
      tpu.wait_dma2 semaphore(%run_scoped3A : memref<!tpu.dma_semaphore, #tpu.memory_space<semaphore_mem>>) src(%dma_wait3A_158 : memref<157x128xi32, #tpu.memory_space<hbm>>) dst(%arg10 : memref<157x128xi32, #tpu.memory_space<vmem>>)
      tpu.yield
    }) : () -> ()
    "tpu.region"() ({
      %run_scoped3A = tpu.sem_alloc : memref<!tpu.dma_semaphore, #tpu.memory_space<semaphore_mem>>
      %dma_start3A = arith.constant 0 : i32
      %dma_start3A_145 = arith.constant 0 : i32
      %dma_start3A_146 = tpu.memref_slice %arg7[%arg1, %dma_start3A, %dma_start3A_145] : memref<16x157x128xi32, #tpu.memory_space<hbm>> -> memref<1x157x128xi32, #tpu.memory_space<hbm>>
      %dma_start3A_147 = tpu.memref_squeeze %dma_start3A_146 : memref<1x157x128xi32, #tpu.memory_space<hbm>> -> memref<157x128xi32, #tpu.memory_space<hbm>>
      %dma_start3A_148 = arith.constant 0 : i32
      %dma_start3A_149 = arith.constant 0 : i32
      %dma_start3A_150 = tpu.memref_slice %arg7[%arg1, %dma_start3A_148, %dma_start3A_149] : memref<16x157x128xi32, #tpu.memory_space<hbm>> -> memref<1x157x128xi32, #tpu.memory_space<hbm>>
      %dma_start3A_151 = tpu.memref_squeeze %dma_start3A_150 : memref<1x157x128xi32, #tpu.memory_space<hbm>> -> memref<157x128xi32, #tpu.memory_space<hbm>>
      tpu.enqueue_dma source(%dma_start3A_151 : memref<157x128xi32, #tpu.memory_space<hbm>>) target(%arg11 : memref<157x128xi32, #tpu.memory_space<vmem>>) target_semaphore(%run_scoped3A : memref<!tpu.dma_semaphore, #tpu.memory_space<semaphore_mem>>)
      %dma_wait3A = arith.constant 0 : i32
      %dma_wait3A_152 = arith.constant 0 : i32
      %dma_wait3A_153 = tpu.memref_slice %arg7[%arg1, %dma_wait3A, %dma_wait3A_152] : memref<16x157x128xi32, #tpu.memory_space<hbm>> -> memref<1x157x128xi32, #tpu.memory_space<hbm>>
      %dma_wait3A_154 = tpu.memref_squeeze %dma_wait3A_153 : memref<1x157x128xi32, #tpu.memory_space<hbm>> -> memref<157x128xi32, #tpu.memory_space<hbm>>
      %dma_wait3A_155 = arith.constant 0 : i32
      %dma_wait3A_156 = arith.constant 0 : i32
      %dma_wait3A_157 = tpu.memref_slice %arg7[%arg1, %dma_wait3A_155, %dma_wait3A_156] : memref<16x157x128xi32, #tpu.memory_space<hbm>> -> memref<1x157x128xi32, #tpu.memory_space<hbm>>
      %dma_wait3A_158 = tpu.memref_squeeze %dma_wait3A_157 : memref<1x157x128xi32, #tpu.memory_space<hbm>> -> memref<157x128xi32, #tpu.memory_space<hbm>>
      tpu.wait_dma2 semaphore(%run_scoped3A : memref<!tpu.dma_semaphore, #tpu.memory_space<semaphore_mem>>) src(%dma_wait3A_158 : memref<157x128xi32, #tpu.memory_space<hbm>>) dst(%arg11 : memref<157x128xi32, #tpu.memory_space<vmem>>)
      tpu.yield
    }) : () -> ()
    "tpu.region"() ({
      %run_scoped3A = tpu.sem_alloc : memref<!tpu.dma_semaphore, #tpu.memory_space<semaphore_mem>>
      tpu.enqueue_dma source(%arg4 : memref<10240xf32, #tpu.memory_space<hbm>>) target(%arg12 : memref<10240xf32, #tpu.memory_space<vmem>>) target_semaphore(%run_scoped3A : memref<!tpu.dma_semaphore, #tpu.memory_space<semaphore_mem>>)
      tpu.wait_dma2 semaphore(%run_scoped3A : memref<!tpu.dma_semaphore, #tpu.memory_space<semaphore_mem>>) src(%arg4 : memref<10240xf32, #tpu.memory_space<hbm>>) dst(%arg12 : memref<10240xf32, #tpu.memory_space<vmem>>)
      tpu.yield
    }) : () -> ()
    "tpu.region"() ({
      %run_scoped3A = tpu.sem_alloc : memref<!tpu.dma_semaphore, #tpu.memory_space<semaphore_mem>>
      tpu.enqueue_dma source(%arg5 : memref<10240xf32, #tpu.memory_space<hbm>>) target(%arg13 : memref<10240xf32, #tpu.memory_space<vmem>>) target_semaphore(%run_scoped3A : memref<!tpu.dma_semaphore, #tpu.memory_space<semaphore_mem>>)
      tpu.wait_dma2 semaphore(%run_scoped3A : memref<!tpu.dma_semaphore, #tpu.memory_space<semaphore_mem>>) src(%arg5 : memref<10240xf32, #tpu.memory_space<hbm>>) dst(%arg13 : memref<10240xf32, #tpu.memory_space<vmem>>)
      tpu.yield
    }) : () -> ()
    %broadcast_in_dim3A = arith.constant 0.000000e+00 : f32
    %broadcast_in_dim3A_0 = vector.broadcast %broadcast_in_dim3A : f32 to vector<16xf32>
    %scan3A = arith.constant 0 : i32
    %scan3A_1 = arith.constant 0 : i32
    %scan3A_2 = arith.constant 40 : i32
    %scan3A_3 = arith.addi %scan3A_1, %scan3A_2 : i32
    %scan3A_4 = arith.constant 1 : i32
    scf.for %scan3A_145 = %scan3A_1 to %scan3A_3 step %scan3A_4  : i32 {
      %mul3A_146 = arith.constant 16 : i32
      %mul3A_147 = arith.muli %scan3A_145, %mul3A_146 : i32
      %swap3A = arith.index_cast %mul3A_147 : i32 to index
      %swap3A_148 = tpu.vector_load %arg16[%swap3A] {strides = array<i32>} : memref<640xf32, #tpu.memory_space<vmem>>, vector<16xf32>,
      tpu.vector_store %arg16[%swap3A], %broadcast_in_dim3A_0 {strides = array<i32>} : memref<640xf32, #tpu.memory_space<vmem>>, vector<16xf32>,
    }
    %scan3A_5 = arith.constant 40 : i32
    %scan3A_6 = arith.constant 0 : i32
    %scan3A_7 = arith.constant 0 : i32
    %scan3A_8 = arith.constant 128 : i32
    %scan3A_9 = arith.addi %scan3A_7, %scan3A_8 : i32
    %scan3A_10 = arith.constant 1 : i32
    scf.for %scan3A_145 = %scan3A_7 to %scan3A_9 step %scan3A_10  : i32 {
      %swap3A = arith.index_cast %scan3A_145 : i32 to index
      %swap3A_146 = arith.constant 0 : index
      %swap3A_147 = tpu.vector_load %arg15[%swap3A, %swap3A_146] {strides = array<i32>} : memref<128x64xf32, #tpu.memory_space<vmem>>, vector<16xf32>,
      tpu.vector_store %arg15[%swap3A, %swap3A_146], %broadcast_in_dim3A_0 {strides = array<i32>} : memref<128x64xf32, #tpu.memory_space<vmem>>, vector<16xf32>,
      %swap3A_148 = arith.index_cast %scan3A_145 : i32 to index
      %swap3A_149 = arith.constant 16 : index
      %swap3A_150 = tpu.vector_load %arg15[%swap3A_148, %swap3A_149] {strides = array<i32>} : memref<128x64xf32, #tpu.memory_space<vmem>>, vector<16xf32>,
      tpu.vector_store %arg15[%swap3A_148, %swap3A_149], %broadcast_in_dim3A_0 {strides = array<i32>} : memref<128x64xf32, #tpu.memory_space<vmem>>, vector<16xf32>,
      %swap3A_151 = arith.index_cast %scan3A_145 : i32 to index
      %swap3A_152 = arith.constant 32 : index
      %swap3A_153 = tpu.vector_load %arg15[%swap3A_151, %swap3A_152] {strides = array<i32>} : memref<128x64xf32, #tpu.memory_space<vmem>>, vector<16xf32>,
      tpu.vector_store %arg15[%swap3A_151, %swap3A_152], %broadcast_in_dim3A_0 {strides = array<i32>} : memref<128x64xf32, #tpu.memory_space<vmem>>, vector<16xf32>,
      %swap3A_154 = arith.index_cast %scan3A_145 : i32 to index
      %swap3A_155 = arith.constant 48 : index
      %swap3A_156 = tpu.vector_load %arg15[%swap3A_154, %swap3A_155] {strides = array<i32>} : memref<128x64xf32, #tpu.memory_space<vmem>>, vector<16xf32>,
      tpu.vector_store %arg15[%swap3A_154, %swap3A_155], %broadcast_in_dim3A_0 {strides = array<i32>} : memref<128x64xf32, #tpu.memory_space<vmem>>, vector<16xf32>,
    }
    %scan3A_11 = arith.constant 128 : i32
    %mul3A = arith.constant 640 : i32
    %mul3A_12 = arith.muli %arg1, %mul3A : i32
    "tpu.region"() ({
      %run_scoped3A = tpu.sem_alloc : memref<!tpu.dma_semaphore, #tpu.memory_space<semaphore_mem>>
      %dma_start3A = tpu.memref_slice %arg19[%mul3A_12] : memref<10240xf32, #tpu.memory_space<vmem_shared>> -> memref<640xf32, #tpu.memory_space<vmem_shared>>
      %dma_start3A_145 = tpu.memref_slice %arg19[%mul3A_12] : memref<10240xf32, #tpu.memory_space<vmem_shared>> -> memref<640xf32, #tpu.memory_space<vmem_shared>>
      tpu.enqueue_dma source(%arg16 : memref<640xf32, #tpu.memory_space<vmem>>) target(%dma_start3A_145 : memref<640xf32, #tpu.memory_space<vmem_shared>>) target_semaphore(%run_scoped3A : memref<!tpu.dma_semaphore, #tpu.memory_space<semaphore_mem>>)
      %dma_wait3A = tpu.memref_slice %arg19[%mul3A_12] : memref<10240xf32, #tpu.memory_space<vmem_shared>> -> memref<640xf32, #tpu.memory_space<vmem_shared>>
      %dma_wait3A_146 = tpu.memref_slice %arg19[%mul3A_12] : memref<10240xf32, #tpu.memory_space<vmem_shared>> -> memref<640xf32, #tpu.memory_space<vmem_shared>>
      tpu.wait_dma2 semaphore(%run_scoped3A : memref<!tpu.dma_semaphore, #tpu.memory_space<semaphore_mem>>) src(%arg16 : memref<640xf32, #tpu.memory_space<vmem>>) dst(%dma_wait3A_146 : memref<640xf32, #tpu.memory_space<vmem_shared>>)
      tpu.yield
    }) : () -> ()
    %mul3A_13 = arith.constant 640 : i32
    %mul3A_14 = arith.muli %arg1, %mul3A_13 : i32
    %add3A = arith.constant 0 : i32
    %add3A_15 = arith.addi %mul3A_14, %add3A : i32
    "tpu.region"() ({
      %run_scoped3A = tpu.sem_alloc : memref<!tpu.dma_semaphore, #tpu.memory_space<semaphore_mem>>
      %dma_start3A = arith.constant 0 : i32
      %dma_start3A_145 = tpu.memref_slice %arg18[%add3A_15, %dma_start3A] : memref<10240x64xf32, #tpu.memory_space<vmem_shared>> -> memref<128x64xf32, #tpu.memory_space<vmem_shared>>
      %dma_start3A_146 = arith.constant 0 : i32
      %dma_start3A_147 = tpu.memref_slice %arg18[%add3A_15, %dma_start3A_146] : memref<10240x64xf32, #tpu.memory_space<vmem_shared>> -> memref<128x64xf32, #tpu.memory_space<vmem_shared>>
      tpu.enqueue_dma source(%arg15 : memref<128x64xf32, #tpu.memory_space<vmem>>) target(%dma_start3A_147 : memref<128x64xf32, #tpu.memory_space<vmem_shared>>) target_semaphore(%run_scoped3A : memref<!tpu.dma_semaphore, #tpu.memory_space<semaphore_mem>>)
      %dma_wait3A = arith.constant 0 : i32
      %dma_wait3A_148 = tpu.memref_slice %arg18[%add3A_15, %dma_wait3A] : memref<10240x64xf32, #tpu.memory_space<vmem_shared>> -> memref<128x64xf32, #tpu.memory_space<vmem_shared>>
      %dma_wait3A_149 = arith.constant 0 : i32
      %dma_wait3A_150 = tpu.memref_slice %arg18[%add3A_15, %dma_wait3A_149] : memref<10240x64xf32, #tpu.memory_space<vmem_shared>> -> memref<128x64xf32, #tpu.memory_space<vmem_shared>>
      tpu.wait_dma2 semaphore(%run_scoped3A : memref<!tpu.dma_semaphore, #tpu.memory_space<semaphore_mem>>) src(%arg15 : memref<128x64xf32, #tpu.memory_space<vmem>>) dst(%dma_wait3A_150 : memref<128x64xf32, #tpu.memory_space<vmem_shared>>)
      tpu.yield
    }) : () -> ()
    %mul3A_16 = arith.constant 640 : i32
    %mul3A_17 = arith.muli %arg1, %mul3A_16 : i32
    %add3A_18 = arith.constant 128 : i32
    %add3A_19 = arith.addi %mul3A_17, %add3A_18 : i32
    "tpu.region"() ({
      %run_scoped3A = tpu.sem_alloc : memref<!tpu.dma_semaphore, #tpu.memory_space<semaphore_mem>>
      %dma_start3A = arith.constant 0 : i32
      %dma_start3A_145 = tpu.memref_slice %arg18[%add3A_19, %dma_start3A] : memref<10240x64xf32, #tpu.memory_space<vmem_shared>> -> memref<128x64xf32, #tpu.memory_space<vmem_shared>>
      %dma_start3A_146 = arith.constant 0 : i32
      %dma_start3A_147 = tpu.memref_slice %arg18[%add3A_19, %dma_start3A_146] : memref<10240x64xf32, #tpu.memory_space<vmem_shared>> -> memref<128x64xf32, #tpu.memory_space<vmem_shared>>
      tpu.enqueue_dma source(%arg15 : memref<128x64xf32, #tpu.memory_space<vmem>>) target(%dma_start3A_147 : memref<128x64xf32, #tpu.memory_space<vmem_shared>>) target_semaphore(%run_scoped3A : memref<!tpu.dma_semaphore, #tpu.memory_space<semaphore_mem>>)
      %dma_wait3A = arith.constant 0 : i32
      %dma_wait3A_148 = tpu.memref_slice %arg18[%add3A_19, %dma_wait3A] : memref<10240x64xf32, #tpu.memory_space<vmem_shared>> -> memref<128x64xf32, #tpu.memory_space<vmem_shared>>
      %dma_wait3A_149 = arith.constant 0 : i32
      %dma_wait3A_150 = tpu.memref_slice %arg18[%add3A_19, %dma_wait3A_149] : memref<10240x64xf32, #tpu.memory_space<vmem_shared>> -> memref<128x64xf32, #tpu.memory_space<vmem_shared>>
      tpu.wait_dma2 semaphore(%run_scoped3A : memref<!tpu.dma_semaphore, #tpu.memory_space<semaphore_mem>>) src(%arg15 : memref<128x64xf32, #tpu.memory_space<vmem>>) dst(%dma_wait3A_150 : memref<128x64xf32, #tpu.memory_space<vmem_shared>>)
      tpu.yield
    }) : () -> ()
    %mul3A_20 = arith.constant 640 : i32
    %mul3A_21 = arith.muli %arg1, %mul3A_20 : i32
    %add3A_22 = arith.constant 256 : i32
    %add3A_23 = arith.addi %mul3A_21, %add3A_22 : i32
    "tpu.region"() ({
      %run_scoped3A = tpu.sem_alloc : memref<!tpu.dma_semaphore, #tpu.memory_space<semaphore_mem>>
      %dma_start3A = arith.constant 0 : i32
      %dma_start3A_145 = tpu.memref_slice %arg18[%add3A_23, %dma_start3A] : memref<10240x64xf32, #tpu.memory_space<vmem_shared>> -> memref<128x64xf32, #tpu.memory_space<vmem_shared>>
      %dma_start3A_146 = arith.constant 0 : i32
      %dma_start3A_147 = tpu.memref_slice %arg18[%add3A_23, %dma_start3A_146] : memref<10240x64xf32, #tpu.memory_space<vmem_shared>> -> memref<128x64xf32, #tpu.memory_space<vmem_shared>>
      tpu.enqueue_dma source(%arg15 : memref<128x64xf32, #tpu.memory_space<vmem>>) target(%dma_start3A_147 : memref<128x64xf32, #tpu.memory_space<vmem_shared>>) target_semaphore(%run_scoped3A : memref<!tpu.dma_semaphore, #tpu.memory_space<semaphore_mem>>)
      %dma_wait3A = arith.constant 0 : i32
      %dma_wait3A_148 = tpu.memref_slice %arg18[%add3A_23, %dma_wait3A] : memref<10240x64xf32, #tpu.memory_space<vmem_shared>> -> memref<128x64xf32, #tpu.memory_space<vmem_shared>>
      %dma_wait3A_149 = arith.constant 0 : i32
      %dma_wait3A_150 = tpu.memref_slice %arg18[%add3A_23, %dma_wait3A_149] : memref<10240x64xf32, #tpu.memory_space<vmem_shared>> -> memref<128x64xf32, #tpu.memory_space<vmem_shared>>
      tpu.wait_dma2 semaphore(%run_scoped3A : memref<!tpu.dma_semaphore, #tpu.memory_space<semaphore_mem>>) src(%arg15 : memref<128x64xf32, #tpu.memory_space<vmem>>) dst(%dma_wait3A_150 : memref<128x64xf32, #tpu.memory_space<vmem_shared>>)
      tpu.yield
    }) : () -> ()
    %mul3A_24 = arith.constant 640 : i32
    %mul3A_25 = arith.muli %arg1, %mul3A_24 : i32
    %add3A_26 = arith.constant 384 : i32
    %add3A_27 = arith.addi %mul3A_25, %add3A_26 : i32
    "tpu.region"() ({
      %run_scoped3A = tpu.sem_alloc : memref<!tpu.dma_semaphore, #tpu.memory_space<semaphore_mem>>
      %dma_start3A = arith.constant 0 : i32
      %dma_start3A_145 = tpu.memref_slice %arg18[%add3A_27, %dma_start3A] : memref<10240x64xf32, #tpu.memory_space<vmem_shared>> -> memref<128x64xf32, #tpu.memory_space<vmem_shared>>
      %dma_start3A_146 = arith.constant 0 : i32
      %dma_start3A_147 = tpu.memref_slice %arg18[%add3A_27, %dma_start3A_146] : memref<10240x64xf32, #tpu.memory_space<vmem_shared>> -> memref<128x64xf32, #tpu.memory_space<vmem_shared>>
      tpu.enqueue_dma source(%arg15 : memref<128x64xf32, #tpu.memory_space<vmem>>) target(%dma_start3A_147 : memref<128x64xf32, #tpu.memory_space<vmem_shared>>) target_semaphore(%run_scoped3A : memref<!tpu.dma_semaphore, #tpu.memory_space<semaphore_mem>>)
      %dma_wait3A = arith.constant 0 : i32
      %dma_wait3A_148 = tpu.memref_slice %arg18[%add3A_27, %dma_wait3A] : memref<10240x64xf32, #tpu.memory_space<vmem_shared>> -> memref<128x64xf32, #tpu.memory_space<vmem_shared>>
      %dma_wait3A_149 = arith.constant 0 : i32
      %dma_wait3A_150 = tpu.memref_slice %arg18[%add3A_27, %dma_wait3A_149] : memref<10240x64xf32, #tpu.memory_space<vmem_shared>> -> memref<128x64xf32, #tpu.memory_space<vmem_shared>>
      tpu.wait_dma2 semaphore(%run_scoped3A : memref<!tpu.dma_semaphore, #tpu.memory_space<semaphore_mem>>) src(%arg15 : memref<128x64xf32, #tpu.memory_space<vmem>>) dst(%dma_wait3A_150 : memref<128x64xf32, #tpu.memory_space<vmem_shared>>)
      tpu.yield
    }) : () -> ()
    %mul3A_28 = arith.constant 640 : i32
    %mul3A_29 = arith.muli %arg1, %mul3A_28 : i32
    %add3A_30 = arith.constant 512 : i32
    %add3A_31 = arith.addi %mul3A_29, %add3A_30 : i32
    "tpu.region"() ({
      %run_scoped3A = tpu.sem_alloc : memref<!tpu.dma_semaphore, #tpu.memory_space<semaphore_mem>>
      %dma_start3A = arith.constant 0 : i32
      %dma_start3A_145 = tpu.memref_slice %arg18[%add3A_31, %dma_start3A] : memref<10240x64xf32, #tpu.memory_space<vmem_shared>> -> memref<128x64xf32, #tpu.memory_space<vmem_shared>>
      %dma_start3A_146 = arith.constant 0 : i32
      %dma_start3A_147 = tpu.memref_slice %arg18[%add3A_31, %dma_start3A_146] : memref<10240x64xf32, #tpu.memory_space<vmem_shared>> -> memref<128x64xf32, #tpu.memory_space<vmem_shared>>
      tpu.enqueue_dma source(%arg15 : memref<128x64xf32, #tpu.memory_space<vmem>>) target(%dma_start3A_147 : memref<128x64xf32, #tpu.memory_space<vmem_shared>>) target_semaphore(%run_scoped3A : memref<!tpu.dma_semaphore, #tpu.memory_space<semaphore_mem>>)
      %dma_wait3A = arith.constant 0 : i32
      %dma_wait3A_148 = tpu.memref_slice %arg18[%add3A_31, %dma_wait3A] : memref<10240x64xf32, #tpu.memory_space<vmem_shared>> -> memref<128x64xf32, #tpu.memory_space<vmem_shared>>
      %dma_wait3A_149 = arith.constant 0 : i32
      %dma_wait3A_150 = tpu.memref_slice %arg18[%add3A_31, %dma_wait3A_149] : memref<10240x64xf32, #tpu.memory_space<vmem_shared>> -> memref<128x64xf32, #tpu.memory_space<vmem_shared>>
      tpu.wait_dma2 semaphore(%run_scoped3A : memref<!tpu.dma_semaphore, #tpu.memory_space<semaphore_mem>>) src(%arg15 : memref<128x64xf32, #tpu.memory_space<vmem>>) dst(%dma_wait3A_150 : memref<128x64xf32, #tpu.memory_space<vmem_shared>>)
      tpu.yield
    }) : () -> ()
    %barrier3A = arith.constant 0 : index
    tpu.barrier barrier_id(%barrier3A)
    %mul3A_32 = arith.constant 20096 : i32
    %mul3A_33 = arith.muli %arg1, %mul3A_32 : i32
    %iota3A = tpu.iota {dimensions = array<i32: 0>} : vector<16xi32>
    %scan3A_34 = arith.constant 0 : i32
    %scan3A_35 = arith.constant 0 : i32
    %scan3A_36 = arith.constant 157 : i32
    %scan3A_37 = arith.addi %scan3A_35, %scan3A_36 : i32
    %scan3A_38 = arith.constant 1 : i32
    scf.for %scan3A_145 = %scan3A_35 to %scan3A_37 step %scan3A_38  : i32 {
      %mul3A_146 = arith.constant 128 : i32
      %mul3A_147 = arith.muli %scan3A_145, %mul3A_146 : i32
      %add3A_148 = arith.addi %mul3A_33, %mul3A_147 : i32
      %get3A = arith.index_cast %scan3A_145 : i32 to index
      %get3A_149 = arith.constant 0 : index
      %get3A_150 = tpu.vector_load %arg10[%get3A, %get3A_149] {strides = array<i32>} : memref<157x128xi32, #tpu.memory_space<vmem>>, vector<16xi32>,
      %get3A_151 = arith.index_cast %scan3A_145 : i32 to index
      %get3A_152 = arith.constant 0 : index
      %get3A_153 = tpu.vector_load %arg11[%get3A_151, %get3A_152] {strides = array<i32>} : memref<157x128xi32, #tpu.memory_space<vmem>>, vector<16xi32>,
      %gather3A = tpu.vector_load_idx %arg12[%get3A_150] : memref<10240xf32, #tpu.memory_space<vmem>>[vector<16xi32>], vector<16xf32>,
      %gather3A_154 = tpu.vector_load_idx %arg13[%get3A_153] : memref<10240xf32, #tpu.memory_space<vmem>>[vector<16xi32>], vector<16xf32>,
      %add3A_155 = arith.addf %gather3A, %gather3A_154 : vector<16xf32>
      %mul3A_156 = arith.constant 2.000000e-01 : f32
      %mul3A_157 = vector.broadcast %mul3A_156 : f32 to vector<16xf32>
      %mul3A_158 = arith.mulf %mul3A_157, %add3A_155 : vector<16xf32>
      %max3A = arith.maximumf %add3A_155, %mul3A_158 : vector<16xf32>
      %exp3A = math.exp %max3A : vector<16xf32>
      %add3A_159 = arith.constant 0 : i32
      %add3A_160 = arith.addi %add3A_148, %add3A_159 : i32
      %add3A_161 = vector.broadcast %add3A_160 : i32 to vector<16xi32>
      %add3A_162 = arith.addi %add3A_161, %iota3A : vector<16xi32>
      %lt3A = arith.constant 320000 : i32
      %lt3A_163 = vector.broadcast %lt3A : i32 to vector<16xi32>
      %lt3A_164 = arith.cmpi slt, %add3A_162, %lt3A_163 : vector<16xi32>
      %jit3A = arith.constant 0.000000e+00 : f32
      %broadcast_in_dim3A_165 = vector.broadcast %jit3A : f32 to vector<16xf32>
      %select_n3A = arith.select %lt3A_164, %exp3A, %broadcast_in_dim3A_165 : vector<16xi1>, vector<16xf32>
      %swap3A = arith.constant 0 : index
      %swap3A_166 = tpu.vector_load %arg17[%swap3A] {strides = array<i32>} : memref<128xf32, #tpu.memory_space<vmem>>, vector<16xf32>,
      tpu.vector_store %arg17[%swap3A], %select_n3A {strides = array<i32>} : memref<128xf32, #tpu.memory_space<vmem>>, vector<16xf32>,
      %mul3A_167 = arith.constant 128 : i32
      %mul3A_168 = arith.muli %scan3A_145, %mul3A_167 : i32
      %add3A_169 = arith.addi %mul3A_33, %mul3A_168 : i32
      %get3A_170 = arith.index_cast %scan3A_145 : i32 to index
      %get3A_171 = arith.constant 16 : index
      %get3A_172 = tpu.vector_load %arg10[%get3A_170, %get3A_171] {strides = array<i32>} : memref<157x128xi32, #tpu.memory_space<vmem>>, vector<16xi32>,
      %get3A_173 = arith.index_cast %scan3A_145 : i32 to index
      %get3A_174 = arith.constant 16 : index
      %get3A_175 = tpu.vector_load %arg11[%get3A_173, %get3A_174] {strides = array<i32>} : memref<157x128xi32, #tpu.memory_space<vmem>>, vector<16xi32>,
      %gather3A_176 = tpu.vector_load_idx %arg12[%get3A_172] : memref<10240xf32, #tpu.memory_space<vmem>>[vector<16xi32>], vector<16xf32>,
      %gather3A_177 = tpu.vector_load_idx %arg13[%get3A_175] : memref<10240xf32, #tpu.memory_space<vmem>>[vector<16xi32>], vector<16xf32>,
      %add3A_178 = arith.addf %gather3A_176, %gather3A_177 : vector<16xf32>
      %mul3A_179 = arith.constant 2.000000e-01 : f32
      %mul3A_180 = vector.broadcast %mul3A_179 : f32 to vector<16xf32>
      %mul3A_181 = arith.mulf %mul3A_180, %add3A_178 : vector<16xf32>
      %max3A_182 = arith.maximumf %add3A_178, %mul3A_181 : vector<16xf32>
      %exp3A_183 = math.exp %max3A_182 : vector<16xf32>
      %add3A_184 = arith.constant 16 : i32
      %add3A_185 = arith.addi %add3A_169, %add3A_184 : i32
      %add3A_186 = vector.broadcast %add3A_185 : i32 to vector<16xi32>
      %add3A_187 = arith.addi %add3A_186, %iota3A : vector<16xi32>
      %lt3A_188 = arith.constant 320000 : i32
      %lt3A_189 = vector.broadcast %lt3A_188 : i32 to vector<16xi32>
      %lt3A_190 = arith.cmpi slt, %add3A_187, %lt3A_189 : vector<16xi32>
      %jit3A_191 = arith.constant 0.000000e+00 : f32
      %broadcast_in_dim3A_192 = vector.broadcast %jit3A_191 : f32 to vector<16xf32>
      %select_n3A_193 = arith.select %lt3A_190, %exp3A_183, %broadcast_in_dim3A_192 : vector<16xi1>, vector<16xf32>
      %swap3A_194 = arith.constant 16 : index
      %swap3A_195 = tpu.vector_load %arg17[%swap3A_194] {strides = array<i32>} : memref<128xf32, #tpu.memory_space<vmem>>, vector<16xf32>,
      tpu.vector_store %arg17[%swap3A_194], %select_n3A_193 {strides = array<i32>} : memref<128xf32, #tpu.memory_space<vmem>>, vector<16xf32>,
      %mul3A_196 = arith.constant 128 : i32
      %mul3A_197 = arith.muli %scan3A_145, %mul3A_196 : i32
      %add3A_198 = arith.addi %mul3A_33, %mul3A_197 : i32
      %get3A_199 = arith.index_cast %scan3A_145 : i32 to index
      %get3A_200 = arith.constant 32 : index
      %get3A_201 = tpu.vector_load %arg10[%get3A_199, %get3A_200] {strides = array<i32>} : memref<157x128xi32, #tpu.memory_space<vmem>>, vector<16xi32>,
      %get3A_202 = arith.index_cast %scan3A_145 : i32 to index
      %get3A_203 = arith.constant 32 : index
      %get3A_204 = tpu.vector_load %arg11[%get3A_202, %get3A_203] {strides = array<i32>} : memref<157x128xi32, #tpu.memory_space<vmem>>, vector<16xi32>,
      %gather3A_205 = tpu.vector_load_idx %arg12[%get3A_201] : memref<10240xf32, #tpu.memory_space<vmem>>[vector<16xi32>], vector<16xf32>,
      %gather3A_206 = tpu.vector_load_idx %arg13[%get3A_204] : memref<10240xf32, #tpu.memory_space<vmem>>[vector<16xi32>], vector<16xf32>,
      %add3A_207 = arith.addf %gather3A_205, %gather3A_206 : vector<16xf32>
      %mul3A_208 = arith.constant 2.000000e-01 : f32
      %mul3A_209 = vector.broadcast %mul3A_208 : f32 to vector<16xf32>
      %mul3A_210 = arith.mulf %mul3A_209, %add3A_207 : vector<16xf32>
      %max3A_211 = arith.maximumf %add3A_207, %mul3A_210 : vector<16xf32>
      %exp3A_212 = math.exp %max3A_211 : vector<16xf32>
      %add3A_213 = arith.constant 32 : i32
      %add3A_214 = arith.addi %add3A_198, %add3A_213 : i32
      %add3A_215 = vector.broadcast %add3A_214 : i32 to vector<16xi32>
      %add3A_216 = arith.addi %add3A_215, %iota3A : vector<16xi32>
      %lt3A_217 = arith.constant 320000 : i32
      %lt3A_218 = vector.broadcast %lt3A_217 : i32 to vector<16xi32>
      %lt3A_219 = arith.cmpi slt, %add3A_216, %lt3A_218 : vector<16xi32>
      %jit3A_220 = arith.constant 0.000000e+00 : f32
      %broadcast_in_dim3A_221 = vector.broadcast %jit3A_220 : f32 to vector<16xf32>
      %select_n3A_222 = arith.select %lt3A_219, %exp3A_212, %broadcast_in_dim3A_221 : vector<16xi1>, vector<16xf32>
      %swap3A_223 = arith.constant 32 : index
      %swap3A_224 = tpu.vector_load %arg17[%swap3A_223] {strides = array<i32>} : memref<128xf32, #tpu.memory_space<vmem>>, vector<16xf32>,
      tpu.vector_store %arg17[%swap3A_223], %select_n3A_222 {strides = array<i32>} : memref<128xf32, #tpu.memory_space<vmem>>, vector<16xf32>,
      %mul3A_225 = arith.constant 128 : i32
      %mul3A_226 = arith.muli %scan3A_145, %mul3A_225 : i32
      %add3A_227 = arith.addi %mul3A_33, %mul3A_226 : i32
      %get3A_228 = arith.index_cast %scan3A_145 : i32 to index
      %get3A_229 = arith.constant 48 : index
      %get3A_230 = tpu.vector_load %arg10[%get3A_228, %get3A_229] {strides = array<i32>} : memref<157x128xi32, #tpu.memory_space<vmem>>, vector<16xi32>,
      %get3A_231 = arith.index_cast %scan3A_145 : i32 to index
      %get3A_232 = arith.constant 48 : index
      %get3A_233 = tpu.vector_load %arg11[%get3A_231, %get3A_232] {strides = array<i32>} : memref<157x128xi32, #tpu.memory_space<vmem>>, vector<16xi32>,
      %gather3A_234 = tpu.vector_load_idx %arg12[%get3A_230] : memref<10240xf32, #tpu.memory_space<vmem>>[vector<16xi32>], vector<16xf32>,
      %gather3A_235 = tpu.vector_load_idx %arg13[%get3A_233] : memref<10240xf32, #tpu.memory_space<vmem>>[vector<16xi32>], vector<16xf32>,
      %add3A_236 = arith.addf %gather3A_234, %gather3A_235 : vector<16xf32>
      %mul3A_237 = arith.constant 2.000000e-01 : f32
      %mul3A_238 = vector.broadcast %mul3A_237 : f32 to vector<16xf32>
      %mul3A_239 = arith.mulf %mul3A_238, %add3A_236 : vector<16xf32>
      %max3A_240 = arith.maximumf %add3A_236, %mul3A_239 : vector<16xf32>
      %exp3A_241 = math.exp %max3A_240 : vector<16xf32>
      %add3A_242 = arith.constant 48 : i32
      %add3A_243 = arith.addi %add3A_227, %add3A_242 : i32
      %add3A_244 = vector.broadcast %add3A_243 : i32 to vector<16xi32>
      %add3A_245 = arith.addi %add3A_244, %iota3A : vector<16xi32>
      %lt3A_246 = arith.constant 320000 : i32
      %lt3A_247 = vector.broadcast %lt3A_246 : i32 to vector<16xi32>
      %lt3A_248 = arith.cmpi slt, %add3A_245, %lt3A_247 : vector<16xi32>
      %jit3A_249 = arith.constant 0.000000e+00 : f32
      %broadcast_in_dim3A_250 = vector.broadcast %jit3A_249 : f32 to vector<16xf32>
      %select_n3A_251 = arith.select %lt3A_248, %exp3A_241, %broadcast_in_dim3A_250 : vector<16xi1>, vector<16xf32>
      %swap3A_252 = arith.constant 48 : index
      %swap3A_253 = tpu.vector_load %arg17[%swap3A_252] {strides = array<i32>} : memref<128xf32, #tpu.memory_space<vmem>>, vector<16xf32>,
      tpu.vector_store %arg17[%swap3A_252], %select_n3A_251 {strides = array<i32>} : memref<128xf32, #tpu.memory_space<vmem>>, vector<16xf32>,
      %mul3A_254 = arith.constant 128 : i32
      %mul3A_255 = arith.muli %scan3A_145, %mul3A_254 : i32
      %add3A_256 = arith.addi %mul3A_33, %mul3A_255 : i32
      %get3A_257 = arith.index_cast %scan3A_145 : i32 to index
      %get3A_258 = arith.constant 64 : index
      %get3A_259 = tpu.vector_load %arg10[%get3A_257, %get3A_258] {strides = array<i32>} : memref<157x128xi32, #tpu.memory_space<vmem>>, vector<16xi32>,
      %get3A_260 = arith.index_cast %scan3A_145 : i32 to index
      %get3A_261 = arith.constant 64 : index
      %get3A_262 = tpu.vector_load %arg11[%get3A_260, %get3A_261] {strides = array<i32>} : memref<157x128xi32, #tpu.memory_space<vmem>>, vector<16xi32>,
      %gather3A_263 = tpu.vector_load_idx %arg12[%get3A_259] : memref<10240xf32, #tpu.memory_space<vmem>>[vector<16xi32>], vector<16xf32>,
      %gather3A_264 = tpu.vector_load_idx %arg13[%get3A_262] : memref<10240xf32, #tpu.memory_space<vmem>>[vector<16xi32>], vector<16xf32>,
      %add3A_265 = arith.addf %gather3A_263, %gather3A_264 : vector<16xf32>
      %mul3A_266 = arith.constant 2.000000e-01 : f32
      %mul3A_267 = vector.broadcast %mul3A_266 : f32 to vector<16xf32>
      %mul3A_268 = arith.mulf %mul3A_267, %add3A_265 : vector<16xf32>
      %max3A_269 = arith.maximumf %add3A_265, %mul3A_268 : vector<16xf32>
      %exp3A_270 = math.exp %max3A_269 : vector<16xf32>
      %add3A_271 = arith.constant 64 : i32
      %add3A_272 = arith.addi %add3A_256, %add3A_271 : i32
      %add3A_273 = vector.broadcast %add3A_272 : i32 to vector<16xi32>
      %add3A_274 = arith.addi %add3A_273, %iota3A : vector<16xi32>
      %lt3A_275 = arith.constant 320000 : i32
      %lt3A_276 = vector.broadcast %lt3A_275 : i32 to vector<16xi32>
      %lt3A_277 = arith.cmpi slt, %add3A_274, %lt3A_276 : vector<16xi32>
      %jit3A_278 = arith.constant 0.000000e+00 : f32
      %broadcast_in_dim3A_279 = vector.broadcast %jit3A_278 : f32 to vector<16xf32>
      %select_n3A_280 = arith.select %lt3A_277, %exp3A_270, %broadcast_in_dim3A_279 : vector<16xi1>, vector<16xf32>
      %swap3A_281 = arith.constant 64 : index
      %swap3A_282 = tpu.vector_load %arg17[%swap3A_281] {strides = array<i32>} : memref<128xf32, #tpu.memory_space<vmem>>, vector<16xf32>,
      tpu.vector_store %arg17[%swap3A_281], %select_n3A_280 {strides = array<i32>} : memref<128xf32, #tpu.memory_space<vmem>>, vector<16xf32>,
      %mul3A_283 = arith.constant 128 : i32
      %mul3A_284 = arith.muli %scan3A_145, %mul3A_283 : i32
      %add3A_285 = arith.addi %mul3A_33, %mul3A_284 : i32
      %get3A_286 = arith.index_cast %scan3A_145 : i32 to index
      %get3A_287 = arith.constant 80 : index
      %get3A_288 = tpu.vector_load %arg10[%get3A_286, %get3A_287] {strides = array<i32>} : memref<157x128xi32, #tpu.memory_space<vmem>>, vector<16xi32>,
      %get3A_289 = arith.index_cast %scan3A_145 : i32 to index
      %get3A_290 = arith.constant 80 : index
      %get3A_291 = tpu.vector_load %arg11[%get3A_289, %get3A_290] {strides = array<i32>} : memref<157x128xi32, #tpu.memory_space<vmem>>, vector<16xi32>,
      %gather3A_292 = tpu.vector_load_idx %arg12[%get3A_288] : memref<10240xf32, #tpu.memory_space<vmem>>[vector<16xi32>], vector<16xf32>,
      %gather3A_293 = tpu.vector_load_idx %arg13[%get3A_291] : memref<10240xf32, #tpu.memory_space<vmem>>[vector<16xi32>], vector<16xf32>,
      %add3A_294 = arith.addf %gather3A_292, %gather3A_293 : vector<16xf32>
      %mul3A_295 = arith.constant 2.000000e-01 : f32
      %mul3A_296 = vector.broadcast %mul3A_295 : f32 to vector<16xf32>
      %mul3A_297 = arith.mulf %mul3A_296, %add3A_294 : vector<16xf32>
      %max3A_298 = arith.maximumf %add3A_294, %mul3A_297 : vector<16xf32>
      %exp3A_299 = math.exp %max3A_298 : vector<16xf32>
      %add3A_300 = arith.constant 80 : i32
      %add3A_301 = arith.addi %add3A_285, %add3A_300 : i32
      %add3A_302 = vector.broadcast %add3A_301 : i32 to vector<16xi32>
      %add3A_303 = arith.addi %add3A_302, %iota3A : vector<16xi32>
      %lt3A_304 = arith.constant 320000 : i32
      %lt3A_305 = vector.broadcast %lt3A_304 : i32 to vector<16xi32>
      %lt3A_306 = arith.cmpi slt, %add3A_303, %lt3A_305 : vector<16xi32>
      %jit3A_307 = arith.constant 0.000000e+00 : f32
      %broadcast_in_dim3A_308 = vector.broadcast %jit3A_307 : f32 to vector<16xf32>
      %select_n3A_309 = arith.select %lt3A_306, %exp3A_299, %broadcast_in_dim3A_308 : vector<16xi1>, vector<16xf32>
      %swap3A_310 = arith.constant 80 : index
      %swap3A_311 = tpu.vector_load %arg17[%swap3A_310] {strides = array<i32>} : memref<128xf32, #tpu.memory_space<vmem>>, vector<16xf32>,
      tpu.vector_store %arg17[%swap3A_310], %select_n3A_309 {strides = array<i32>} : memref<128xf32, #tpu.memory_space<vmem>>, vector<16xf32>,
      %mul3A_312 = arith.constant 128 : i32
      %mul3A_313 = arith.muli %scan3A_145, %mul3A_312 : i32
      %add3A_314 = arith.addi %mul3A_33, %mul3A_313 : i32
      %get3A_315 = arith.index_cast %scan3A_145 : i32 to index
      %get3A_316 = arith.constant 96 : index
      %get3A_317 = tpu.vector_load %arg10[%get3A_315, %get3A_316] {strides = array<i32>} : memref<157x128xi32, #tpu.memory_space<vmem>>, vector<16xi32>,
      %get3A_318 = arith.index_cast %scan3A_145 : i32 to index
      %get3A_319 = arith.constant 96 : index
      %get3A_320 = tpu.vector_load %arg11[%get3A_318, %get3A_319] {strides = array<i32>} : memref<157x128xi32, #tpu.memory_space<vmem>>, vector<16xi32>,
      %gather3A_321 = tpu.vector_load_idx %arg12[%get3A_317] : memref<10240xf32, #tpu.memory_space<vmem>>[vector<16xi32>], vector<16xf32>,
      %gather3A_322 = tpu.vector_load_idx %arg13[%get3A_320] : memref<10240xf32, #tpu.memory_space<vmem>>[vector<16xi32>], vector<16xf32>,
      %add3A_323 = arith.addf %gather3A_321, %gather3A_322 : vector<16xf32>
      %mul3A_324 = arith.constant 2.000000e-01 : f32
      %mul3A_325 = vector.broadcast %mul3A_324 : f32 to vector<16xf32>
      %mul3A_326 = arith.mulf %mul3A_325, %add3A_323 : vector<16xf32>
      %max3A_327 = arith.maximumf %add3A_323, %mul3A_326 : vector<16xf32>
      %exp3A_328 = math.exp %max3A_327 : vector<16xf32>
      %add3A_329 = arith.constant 96 : i32
      %add3A_330 = arith.addi %add3A_314, %add3A_329 : i32
      %add3A_331 = vector.broadcast %add3A_330 : i32 to vector<16xi32>
      %add3A_332 = arith.addi %add3A_331, %iota3A : vector<16xi32>
      %lt3A_333 = arith.constant 320000 : i32
      %lt3A_334 = vector.broadcast %lt3A_333 : i32 to vector<16xi32>
      %lt3A_335 = arith.cmpi slt, %add3A_332, %lt3A_334 : vector<16xi32>
      %jit3A_336 = arith.constant 0.000000e+00 : f32
      %broadcast_in_dim3A_337 = vector.broadcast %jit3A_336 : f32 to vector<16xf32>
      %select_n3A_338 = arith.select %lt3A_335, %exp3A_328, %broadcast_in_dim3A_337 : vector<16xi1>, vector<16xf32>
      %swap3A_339 = arith.constant 96 : index
      %swap3A_340 = tpu.vector_load %arg17[%swap3A_339] {strides = array<i32>} : memref<128xf32, #tpu.memory_space<vmem>>, vector<16xf32>,
      tpu.vector_store %arg17[%swap3A_339], %select_n3A_338 {strides = array<i32>} : memref<128xf32, #tpu.memory_space<vmem>>, vector<16xf32>,
      %mul3A_341 = arith.constant 128 : i32
      %mul3A_342 = arith.muli %scan3A_145, %mul3A_341 : i32
      %add3A_343 = arith.addi %mul3A_33, %mul3A_342 : i32
      %get3A_344 = arith.index_cast %scan3A_145 : i32 to index
      %get3A_345 = arith.constant 112 : index
      %get3A_346 = tpu.vector_load %arg10[%get3A_344, %get3A_345] {strides = array<i32>} : memref<157x128xi32, #tpu.memory_space<vmem>>, vector<16xi32>,
      %get3A_347 = arith.index_cast %scan3A_145 : i32 to index
      %get3A_348 = arith.constant 112 : index
      %get3A_349 = tpu.vector_load %arg11[%get3A_347, %get3A_348] {strides = array<i32>} : memref<157x128xi32, #tpu.memory_space<vmem>>, vector<16xi32>,
      %gather3A_350 = tpu.vector_load_idx %arg12[%get3A_346] : memref<10240xf32, #tpu.memory_space<vmem>>[vector<16xi32>], vector<16xf32>,
      %gather3A_351 = tpu.vector_load_idx %arg13[%get3A_349] : memref<10240xf32, #tpu.memory_space<vmem>>[vector<16xi32>], vector<16xf32>,
      %add3A_352 = arith.addf %gather3A_350, %gather3A_351 : vector<16xf32>
      %mul3A_353 = arith.constant 2.000000e-01 : f32
      %mul3A_354 = vector.broadcast %mul3A_353 : f32 to vector<16xf32>
      %mul3A_355 = arith.mulf %mul3A_354, %add3A_352 : vector<16xf32>
      %max3A_356 = arith.maximumf %add3A_352, %mul3A_355 : vector<16xf32>
      %exp3A_357 = math.exp %max3A_356 : vector<16xf32>
      %add3A_358 = arith.constant 112 : i32
      %add3A_359 = arith.addi %add3A_343, %add3A_358 : i32
      %add3A_360 = vector.broadcast %add3A_359 : i32 to vector<16xi32>
      %add3A_361 = arith.addi %add3A_360, %iota3A : vector<16xi32>
      %lt3A_362 = arith.constant 320000 : i32
      %lt3A_363 = vector.broadcast %lt3A_362 : i32 to vector<16xi32>
      %lt3A_364 = arith.cmpi slt, %add3A_361, %lt3A_363 : vector<16xi32>
      %jit3A_365 = arith.constant 0.000000e+00 : f32
      %broadcast_in_dim3A_366 = vector.broadcast %jit3A_365 : f32 to vector<16xf32>
      %select_n3A_367 = arith.select %lt3A_364, %exp3A_357, %broadcast_in_dim3A_366 : vector<16xi1>, vector<16xf32>
      %swap3A_368 = arith.constant 112 : index
      %swap3A_369 = tpu.vector_load %arg17[%swap3A_368] {strides = array<i32>} : memref<128xf32, #tpu.memory_space<vmem>>, vector<16xf32>,
      tpu.vector_store %arg17[%swap3A_368], %select_n3A_367 {strides = array<i32>} : memref<128xf32, #tpu.memory_space<vmem>>, vector<16xf32>,
      "tpu.region"() ({
        %run_scoped3A = tpu.sem_alloc : memref<!tpu.dma_semaphore, #tpu.memory_space<semaphore_mem>>
        %dma_start3A = arith.constant 0 : i32
        %dma_start3A_370 = tpu.memref_slice %arg10[%scan3A_145, %dma_start3A] : memref<157x128xi32, #tpu.memory_space<vmem>> -> memref<1x128xi32, #tpu.memory_space<vmem>>
        %dma_start3A_371 = tpu.memref_squeeze %dma_start3A_370 : memref<1x128xi32, #tpu.memory_space<vmem>> -> memref<128xi32, #tpu.memory_space<vmem>>
        %dma_start3A_372 = arith.constant 0 : i32
        %dma_start3A_373 = tpu.memref_slice %arg19[%dma_start3A_372] : memref<10240xf32, #tpu.memory_space<vmem_shared>> -> memref<10240xf32, #tpu.memory_space<vmem_shared>>
        tpu.enqueue_indirect_dma source(%arg17 : memref<128xf32, #tpu.memory_space<vmem>>) target(%dma_start3A_373 : memref<10240xf32, #tpu.memory_space<vmem_shared>>) offsets(%dma_start3A_371 : memref<128xi32, #tpu.memory_space<vmem>>) semaphore(%run_scoped3A : memref<!tpu.dma_semaphore, #tpu.memory_space<semaphore_mem>>) {add = true}
        %dma_wait3A = arith.constant 0 : i32
        %dma_wait3A_374 = tpu.memref_slice %arg10[%scan3A_145, %dma_wait3A] : memref<157x128xi32, #tpu.memory_space<vmem>> -> memref<1x128xi32, #tpu.memory_space<vmem>>
        %dma_wait3A_375 = tpu.memref_squeeze %dma_wait3A_374 : memref<1x128xi32, #tpu.memory_space<vmem>> -> memref<128xi32, #tpu.memory_space<vmem>>
        %dma_wait3A_376 = arith.constant 0 : i32
        %dma_wait3A_377 = tpu.memref_slice %arg19[%dma_wait3A_376] : memref<10240xf32, #tpu.memory_space<vmem_shared>> -> memref<10240xf32, #tpu.memory_space<vmem_shared>>
        tpu.wait_indirect_dma semaphore(%run_scoped3A : memref<!tpu.dma_semaphore, #tpu.memory_space<semaphore_mem>>) src(%arg17 : memref<128xf32, #tpu.memory_space<vmem>>) dst(%dma_wait3A_377 : memref<10240xf32, #tpu.memory_space<vmem_shared>>)
        tpu.yield
      }) : () -> ()
    }
    %scan3A_39 = arith.constant 157 : i32
    %barrier3A_40 = arith.constant 0 : index
    tpu.barrier barrier_id(%barrier3A_40)
    "tpu.region"() ({
      %run_scoped3A = tpu.sem_alloc : memref<!tpu.dma_semaphore, #tpu.memory_space<semaphore_mem>>
      tpu.enqueue_dma source(%arg19 : memref<10240xf32, #tpu.memory_space<vmem_shared>>) target(%arg14 : memref<10240xf32, #tpu.memory_space<vmem>>) target_semaphore(%run_scoped3A : memref<!tpu.dma_semaphore, #tpu.memory_space<semaphore_mem>>)
      tpu.wait_dma2 semaphore(%run_scoped3A : memref<!tpu.dma_semaphore, #tpu.memory_space<semaphore_mem>>) src(%arg19 : memref<10240xf32, #tpu.memory_space<vmem_shared>>) dst(%arg14 : memref<10240xf32, #tpu.memory_space<vmem>>)
      tpu.yield
    }) : () -> ()
    %scan3A_41 = arith.constant 0 : i32
    %scan3A_42 = arith.constant 0 : i32
    %scan3A_43 = arith.constant 157 : i32
    %scan3A_44 = arith.addi %scan3A_42, %scan3A_43 : i32
    %scan3A_45 = arith.constant 1 : i32
    scf.for %scan3A_145 = %scan3A_42 to %scan3A_44 step %scan3A_45  : i32 {
      %eq3A_146 = arith.constant 0 : i32
      %eq3A_147 = arith.cmpi eq, %arg0, %eq3A_146 : i32
      %convert_element_type3A_148 = arith.extui %eq3A_147 : i1 to i32
      %cond3A_149 = arith.constant 0 : i32
      %cond3A_150 = arith.cmpi ne, %convert_element_type3A_148, %cond3A_149 : i32
      scf.if %cond3A_150 {
        %dma_start3A = arith.constant 0 : i32
        %dma_start3A_162 = tpu.memref_slice %arg11[%scan3A_145, %dma_start3A] : memref<157x128xi32, #tpu.memory_space<vmem>> -> memref<1x128xi32, #tpu.memory_space<vmem>>
        %dma_start3A_163 = tpu.memref_squeeze %dma_start3A_162 : memref<1x128xi32, #tpu.memory_space<vmem>> -> memref<128xi32, #tpu.memory_space<vmem>>
        %dma_start3A_164 = arith.constant 0 : i32
        %dma_start3A_165 = arith.constant 0 : i32
        %dma_start3A_166 = tpu.memref_slice %arg2[%dma_start3A_164, %dma_start3A_165] : memref<10000x64xf32, #tpu.memory_space<hbm>> -> memref<10000x64xf32, #tpu.memory_space<hbm>>
        tpu.enqueue_indirect_dma source(%dma_start3A_166 : memref<10000x64xf32, #tpu.memory_space<hbm>>) target(%arg15 : memref<128x64xf32, #tpu.memory_space<vmem>>) offsets(%dma_start3A_163 : memref<128xi32, #tpu.memory_space<vmem>>) semaphore(%arg20 : memref<!tpu.dma_semaphore, #tpu.memory_space<semaphore_mem>>)
        %dma_wait3A = arith.constant 0 : i32
        %dma_wait3A_167 = tpu.memref_slice %arg11[%scan3A_145, %dma_wait3A] : memref<157x128xi32, #tpu.memory_space<vmem>> -> memref<1x128xi32, #tpu.memory_space<vmem>>
        %dma_wait3A_168 = tpu.memref_squeeze %dma_wait3A_167 : memref<1x128xi32, #tpu.memory_space<vmem>> -> memref<128xi32, #tpu.memory_space<vmem>>
        %dma_wait3A_169 = arith.constant 0 : i32
        %dma_wait3A_170 = arith.constant 0 : i32
        %dma_wait3A_171 = tpu.memref_slice %arg2[%dma_wait3A_169, %dma_wait3A_170] : memref<10000x64xf32, #tpu.memory_space<hbm>> -> memref<10000x64xf32, #tpu.memory_space<hbm>>
        tpu.wait_indirect_dma semaphore(%arg20 : memref<!tpu.dma_semaphore, #tpu.memory_space<semaphore_mem>>) src(%dma_wait3A_171 : memref<10000x64xf32, #tpu.memory_space<hbm>>) dst(%arg15 : memref<128x64xf32, #tpu.memory_space<vmem>>)
      } else {
      }
      %eq3A_151 = arith.constant 1 : i32
      %eq3A_152 = arith.cmpi eq, %arg0, %eq3A_151 : i32
      %convert_element_type3A_153 = arith.extui %eq3A_152 : i1 to i32
      %cond3A_154 = arith.constant 0 : i32
      %cond3A_155 = arith.cmpi ne, %convert_element_type3A_153, %cond3A_154 : i32
      scf.if %cond3A_155 {
        %dma_start3A = arith.constant 0 : i32
        %dma_start3A_162 = tpu.memref_slice %arg11[%scan3A_145, %dma_start3A] : memref<157x128xi32, #tpu.memory_space<vmem>> -> memref<1x128xi32, #tpu.memory_space<vmem>>
        %dma_start3A_163 = tpu.memref_squeeze %dma_start3A_162 : memref<1x128xi32, #tpu.memory_space<vmem>> -> memref<128xi32, #tpu.memory_space<vmem>>
        %dma_start3A_164 = arith.constant 0 : i32
        %dma_start3A_165 = arith.constant 0 : i32
        %dma_start3A_166 = tpu.memref_slice %arg3[%dma_start3A_164, %dma_start3A_165] : memref<10000x64xf32, #tpu.memory_space<hbm>> -> memref<10000x64xf32, #tpu.memory_space<hbm>>
        tpu.enqueue_indirect_dma source(%dma_start3A_166 : memref<10000x64xf32, #tpu.memory_space<hbm>>) target(%arg15 : memref<128x64xf32, #tpu.memory_space<vmem>>) offsets(%dma_start3A_163 : memref<128xi32, #tpu.memory_space<vmem>>) semaphore(%arg20 : memref<!tpu.dma_semaphore, #tpu.memory_space<semaphore_mem>>)
        %dma_wait3A = arith.constant 0 : i32
        %dma_wait3A_167 = tpu.memref_slice %arg11[%scan3A_145, %dma_wait3A] : memref<157x128xi32, #tpu.memory_space<vmem>> -> memref<1x128xi32, #tpu.memory_space<vmem>>
        %dma_wait3A_168 = tpu.memref_squeeze %dma_wait3A_167 : memref<1x128xi32, #tpu.memory_space<vmem>> -> memref<128xi32, #tpu.memory_space<vmem>>
        %dma_wait3A_169 = arith.constant 0 : i32
        %dma_wait3A_170 = arith.constant 0 : i32
        %dma_wait3A_171 = tpu.memref_slice %arg3[%dma_wait3A_169, %dma_wait3A_170] : memref<10000x64xf32, #tpu.memory_space<hbm>> -> memref<10000x64xf32, #tpu.memory_space<hbm>>
        tpu.wait_indirect_dma semaphore(%arg20 : memref<!tpu.dma_semaphore, #tpu.memory_space<semaphore_mem>>) src(%dma_wait3A_171 : memref<10000x64xf32, #tpu.memory_space<hbm>>) dst(%arg15 : memref<128x64xf32, #tpu.memory_space<vmem>>)
      } else {
      }
      %scan3A_156 = arith.constant 0 : i32
      %scan3A_157 = arith.constant 0 : i32
      %scan3A_158 = arith.constant 8 : i32
      %scan3A_159 = arith.addi %scan3A_157, %scan3A_158 : i32
      %scan3A_160 = arith.constant 1 : i32
      scf.for %scan3A_162 = %scan3A_157 to %scan3A_159 step %scan3A_160  : i32 {
        %mul3A_163 = arith.constant 16 : i32
        %mul3A_164 = arith.muli %scan3A_162, %mul3A_163 : i32
        %mul3A_165 = arith.constant 128 : i32
        %mul3A_166 = arith.muli %scan3A_145, %mul3A_165 : i32
        %add3A_167 = arith.addi %mul3A_33, %mul3A_166 : i32
        %get3A = arith.index_cast %scan3A_145 : i32 to index
        %get3A_168 = arith.index_cast %mul3A_164 : i32 to index
        %get3A_169 = tpu.vector_load %arg10[%get3A, %get3A_168] {strides = array<i32>} : memref<157x128xi32, #tpu.memory_space<vmem>>, vector<16xi32>,
        %get3A_170 = arith.index_cast %scan3A_145 : i32 to index
        %get3A_171 = arith.index_cast %mul3A_164 : i32 to index
        %get3A_172 = tpu.vector_load %arg11[%get3A_170, %get3A_171] {strides = array<i32>} : memref<157x128xi32, #tpu.memory_space<vmem>>, vector<16xi32>,
        %gather3A = tpu.vector_load_idx %arg12[%get3A_169] : memref<10240xf32, #tpu.memory_space<vmem>>[vector<16xi32>], vector<16xf32>,
        %gather3A_173 = tpu.vector_load_idx %arg13[%get3A_172] : memref<10240xf32, #tpu.memory_space<vmem>>[vector<16xi32>], vector<16xf32>,
        %add3A_174 = arith.addf %gather3A, %gather3A_173 : vector<16xf32>
        %mul3A_175 = arith.constant 2.000000e-01 : f32
        %mul3A_176 = vector.broadcast %mul3A_175 : f32 to vector<16xf32>
        %mul3A_177 = arith.mulf %mul3A_176, %add3A_174 : vector<16xf32>
        %max3A = arith.maximumf %add3A_174, %mul3A_177 : vector<16xf32>
        %exp3A = math.exp %max3A : vector<16xf32>
        %add3A_178 = arith.addi %add3A_167, %mul3A_164 : i32
        %add3A_179 = vector.broadcast %add3A_178 : i32 to vector<16xi32>
        %add3A_180 = arith.addi %add3A_179, %iota3A : vector<16xi32>
        %lt3A = arith.constant 320000 : i32
        %lt3A_181 = vector.broadcast %lt3A : i32 to vector<16xi32>
        %lt3A_182 = arith.cmpi slt, %add3A_180, %lt3A_181 : vector<16xi32>
        %jit3A = arith.constant 0.000000e+00 : f32
        %broadcast_in_dim3A_183 = vector.broadcast %jit3A : f32 to vector<16xf32>
        %select_n3A = arith.select %lt3A_182, %exp3A, %broadcast_in_dim3A_183 : vector<16xi1>, vector<16xf32>
        %gather3A_184 = tpu.vector_load_idx %arg14[%get3A_169] : memref<10240xf32, #tpu.memory_space<vmem>>[vector<16xi32>], vector<16xf32>,
        %add3A_185 = arith.constant 1.000000e-10 : f32
        %add3A_186 = vector.broadcast %add3A_185 : f32 to vector<16xf32>
        %add3A_187 = arith.addf %gather3A_184, %add3A_186 : vector<16xf32>
        %div3A = arith.divf %select_n3A, %add3A_187 : vector<16xf32>
        %broadcast_in_dim3A_188 = arith.constant 0 : i32
        %broadcast_in_dim3A_189 = vector.broadcast %broadcast_in_dim3A_188 : i32 to vector<16x1xi32>
        %gather3A_190 = vector.shape_cast %broadcast_in_dim3A_189 : vector<16x1xi32> to vector<16xi32>
        %gather3A_191 = tpu.dynamic_gather %div3A[%gather3A_190] in [0] : vector<16xf32>, vector<16xi32> -> vector<16xf32>
        %add3A_192 = arith.constant 0 : i32
        %add3A_193 = arith.addi %mul3A_164, %add3A_192 : i32
        %get3A_194 = arith.index_cast %add3A_193 : i32 to index
        %get3A_195 = arith.constant 0 : index
        %get3A_196 = tpu.vector_load %arg15[%get3A_194, %get3A_195] {strides = array<i32>} : memref<128x64xf32, #tpu.memory_space<vmem>>, vector<16xf32>,
        %mul3A_197 = arith.mulf %get3A_196, %gather3A_191 : vector<16xf32>
        %swap3A = arith.index_cast %add3A_193 : i32 to index
        %swap3A_198 = arith.constant 0 : index
        %swap3A_199 = tpu.vector_load %arg15[%swap3A, %swap3A_198] {strides = array<i32>} : memref<128x64xf32, #tpu.memory_space<vmem>>, vector<16xf32>,
        tpu.vector_store %arg15[%swap3A, %swap3A_198], %mul3A_197 {strides = array<i32>} : memref<128x64xf32, #tpu.memory_space<vmem>>, vector<16xf32>,
        %get3A_200 = arith.index_cast %add3A_193 : i32 to index
        %get3A_201 = arith.constant 16 : index
        %get3A_202 = tpu.vector_load %arg15[%get3A_200, %get3A_201] {strides = array<i32>} : memref<128x64xf32, #tpu.memory_space<vmem>>, vector<16xf32>,
        %mul3A_203 = arith.mulf %get3A_202, %gather3A_191 : vector<16xf32>
        %swap3A_204 = arith.index_cast %add3A_193 : i32 to index
        %swap3A_205 = arith.constant 16 : index
        %swap3A_206 = tpu.vector_load %arg15[%swap3A_204, %swap3A_205] {strides = array<i32>} : memref<128x64xf32, #tpu.memory_space<vmem>>, vector<16xf32>,
        tpu.vector_store %arg15[%swap3A_204, %swap3A_205], %mul3A_203 {strides = array<i32>} : memref<128x64xf32, #tpu.memory_space<vmem>>, vector<16xf32>,
        %get3A_207 = arith.index_cast %add3A_193 : i32 to index
        %get3A_208 = arith.constant 32 : index
        %get3A_209 = tpu.vector_load %arg15[%get3A_207, %get3A_208] {strides = array<i32>} : memref<128x64xf32, #tpu.memory_space<vmem>>, vector<16xf32>,
        %mul3A_210 = arith.mulf %get3A_209, %gather3A_191 : vector<16xf32>
        %swap3A_211 = arith.index_cast %add3A_193 : i32 to index
        %swap3A_212 = arith.constant 32 : index
        %swap3A_213 = tpu.vector_load %arg15[%swap3A_211, %swap3A_212] {strides = array<i32>} : memref<128x64xf32, #tpu.memory_space<vmem>>, vector<16xf32>,
        tpu.vector_store %arg15[%swap3A_211, %swap3A_212], %mul3A_210 {strides = array<i32>} : memref<128x64xf32, #tpu.memory_space<vmem>>, vector<16xf32>,
        %get3A_214 = arith.index_cast %add3A_193 : i32 to index
        %get3A_215 = arith.constant 48 : index
        %get3A_216 = tpu.vector_load %arg15[%get3A_214, %get3A_215] {strides = array<i32>} : memref<128x64xf32, #tpu.memory_space<vmem>>, vector<16xf32>,
        %mul3A_217 = arith.mulf %get3A_216, %gather3A_191 : vector<16xf32>
        %swap3A_218 = arith.index_cast %add3A_193 : i32 to index
        %swap3A_219 = arith.constant 48 : index
        %swap3A_220 = tpu.vector_load %arg15[%swap3A_218, %swap3A_219] {strides = array<i32>} : memref<128x64xf32, #tpu.memory_space<vmem>>, vector<16xf32>,
        tpu.vector_store %arg15[%swap3A_218, %swap3A_219], %mul3A_217 {strides = array<i32>} : memref<128x64xf32, #tpu.memory_space<vmem>>, vector<16xf32>,
        %broadcast_in_dim3A_221 = arith.constant 1 : i32
        %broadcast_in_dim3A_222 = vector.broadcast %broadcast_in_dim3A_221 : i32 to vector<16x1xi32>
        %gather3A_223 = vector.shape_cast %broadcast_in_dim3A_222 : vector<16x1xi32> to vector<16xi32>
        %gather3A_224 = tpu.dynamic_gather %div3A[%gather3A_223] in [0] : vector<16xf32>, vector<16xi32> -> vector<16xf32>
        %add3A_225 = arith.constant 1 : i32
        %add3A_226 = arith.addi %mul3A_164, %add3A_225 : i32
        %get3A_227 = arith.index_cast %add3A_226 : i32 to index
        %get3A_228 = arith.constant 0 : index
        %get3A_229 = tpu.vector_load %arg15[%get3A_227, %get3A_228] {strides = array<i32>} : memref<128x64xf32, #tpu.memory_space<vmem>>, vector<16xf32>,
        %mul3A_230 = arith.mulf %get3A_229, %gather3A_224 : vector<16xf32>
        %swap3A_231 = arith.index_cast %add3A_226 : i32 to index
        %swap3A_232 = arith.constant 0 : index
        %swap3A_233 = tpu.vector_load %arg15[%swap3A_231, %swap3A_232] {strides = array<i32>} : memref<128x64xf32, #tpu.memory_space<vmem>>, vector<16xf32>,
        tpu.vector_store %arg15[%swap3A_231, %swap3A_232], %mul3A_230 {strides = array<i32>} : memref<128x64xf32, #tpu.memory_space<vmem>>, vector<16xf32>,
        %get3A_234 = arith.index_cast %add3A_226 : i32 to index
        %get3A_235 = arith.constant 16 : index
        %get3A_236 = tpu.vector_load %arg15[%get3A_234, %get3A_235] {strides = array<i32>} : memref<128x64xf32, #tpu.memory_space<vmem>>, vector<16xf32>,
        %mul3A_237 = arith.mulf %get3A_236, %gather3A_224 : vector<16xf32>
        %swap3A_238 = arith.index_cast %add3A_226 : i32 to index
        %swap3A_239 = arith.constant 16 : index
        %swap3A_240 = tpu.vector_load %arg15[%swap3A_238, %swap3A_239] {strides = array<i32>} : memref<128x64xf32, #tpu.memory_space<vmem>>, vector<16xf32>,
        tpu.vector_store %arg15[%swap3A_238, %swap3A_239], %mul3A_237 {strides = array<i32>} : memref<128x64xf32, #tpu.memory_space<vmem>>, vector<16xf32>,
        %get3A_241 = arith.index_cast %add3A_226 : i32 to index
        %get3A_242 = arith.constant 32 : index
        %get3A_243 = tpu.vector_load %arg15[%get3A_241, %get3A_242] {strides = array<i32>} : memref<128x64xf32, #tpu.memory_space<vmem>>, vector<16xf32>,
        %mul3A_244 = arith.mulf %get3A_243, %gather3A_224 : vector<16xf32>
        %swap3A_245 = arith.index_cast %add3A_226 : i32 to index
        %swap3A_246 = arith.constant 32 : index
        %swap3A_247 = tpu.vector_load %arg15[%swap3A_245, %swap3A_246] {strides = array<i32>} : memref<128x64xf32, #tpu.memory_space<vmem>>, vector<16xf32>,
        tpu.vector_store %arg15[%swap3A_245, %swap3A_246], %mul3A_244 {strides = array<i32>} : memref<128x64xf32, #tpu.memory_space<vmem>>, vector<16xf32>,
        %get3A_248 = arith.index_cast %add3A_226 : i32 to index
        %get3A_249 = arith.constant 48 : index
        %get3A_250 = tpu.vector_load %arg15[%get3A_248, %get3A_249] {strides = array<i32>} : memref<128x64xf32, #tpu.memory_space<vmem>>, vector<16xf32>,
        %mul3A_251 = arith.mulf %get3A_250, %gather3A_224 : vector<16xf32>
        %swap3A_252 = arith.index_cast %add3A_226 : i32 to index
        %swap3A_253 = arith.constant 48 : index
        %swap3A_254 = tpu.vector_load %arg15[%swap3A_252, %swap3A_253] {strides = array<i32>} : memref<128x64xf32, #tpu.memory_space<vmem>>, vector<16xf32>,
        tpu.vector_store %arg15[%swap3A_252, %swap3A_253], %mul3A_251 {strides = array<i32>} : memref<128x64xf32, #tpu.memory_space<vmem>>, vector<16xf32>,
        %broadcast_in_dim3A_255 = arith.constant 2 : i32
        %broadcast_in_dim3A_256 = vector.broadcast %broadcast_in_dim3A_255 : i32 to vector<16x1xi32>
        %gather3A_257 = vector.shape_cast %broadcast_in_dim3A_256 : vector<16x1xi32> to vector<16xi32>
        %gather3A_258 = tpu.dynamic_gather %div3A[%gather3A_257] in [0] : vector<16xf32>, vector<16xi32> -> vector<16xf32>
        %add3A_259 = arith.constant 2 : i32
        %add3A_260 = arith.addi %mul3A_164, %add3A_259 : i32
        %get3A_261 = arith.index_cast %add3A_260 : i32 to index
        %get3A_262 = arith.constant 0 : index
        %get3A_263 = tpu.vector_load %arg15[%get3A_261, %get3A_262] {strides = array<i32>} : memref<128x64xf32, #tpu.memory_space<vmem>>, vector<16xf32>,
        %mul3A_264 = arith.mulf %get3A_263, %gather3A_258 : vector<16xf32>
        %swap3A_265 = arith.index_cast %add3A_260 : i32 to index
        %swap3A_266 = arith.constant 0 : index
        %swap3A_267 = tpu.vector_load %arg15[%swap3A_265, %swap3A_266] {strides = array<i32>} : memref<128x64xf32, #tpu.memory_space<vmem>>, vector<16xf32>,
        tpu.vector_store %arg15[%swap3A_265, %swap3A_266], %mul3A_264 {strides = array<i32>} : memref<128x64xf32, #tpu.memory_space<vmem>>, vector<16xf32>,
        %get3A_268 = arith.index_cast %add3A_260 : i32 to index
        %get3A_269 = arith.constant 16 : index
        %get3A_270 = tpu.vector_load %arg15[%get3A_268, %get3A_269] {strides = array<i32>} : memref<128x64xf32, #tpu.memory_space<vmem>>, vector<16xf32>,
        %mul3A_271 = arith.mulf %get3A_270, %gather3A_258 : vector<16xf32>
        %swap3A_272 = arith.index_cast %add3A_260 : i32 to index
        %swap3A_273 = arith.constant 16 : index
        %swap3A_274 = tpu.vector_load %arg15[%swap3A_272, %swap3A_273] {strides = array<i32>} : memref<128x64xf32, #tpu.memory_space<vmem>>, vector<16xf32>,
        tpu.vector_store %arg15[%swap3A_272, %swap3A_273], %mul3A_271 {strides = array<i32>} : memref<128x64xf32, #tpu.memory_space<vmem>>, vector<16xf32>,
        %get3A_275 = arith.index_cast %add3A_260 : i32 to index
        %get3A_276 = arith.constant 32 : index
        %get3A_277 = tpu.vector_load %arg15[%get3A_275, %get3A_276] {strides = array<i32>} : memref<128x64xf32, #tpu.memory_space<vmem>>, vector<16xf32>,
        %mul3A_278 = arith.mulf %get3A_277, %gather3A_258 : vector<16xf32>
        %swap3A_279 = arith.index_cast %add3A_260 : i32 to index
        %swap3A_280 = arith.constant 32 : index
        %swap3A_281 = tpu.vector_load %arg15[%swap3A_279, %swap3A_280] {strides = array<i32>} : memref<128x64xf32, #tpu.memory_space<vmem>>, vector<16xf32>,
        tpu.vector_store %arg15[%swap3A_279, %swap3A_280], %mul3A_278 {strides = array<i32>} : memref<128x64xf32, #tpu.memory_space<vmem>>, vector<16xf32>,
        %get3A_282 = arith.index_cast %add3A_260 : i32 to index
        %get3A_283 = arith.constant 48 : index
        %get3A_284 = tpu.vector_load %arg15[%get3A_282, %get3A_283] {strides = array<i32>} : memref<128x64xf32, #tpu.memory_space<vmem>>, vector<16xf32>,
        %mul3A_285 = arith.mulf %get3A_284, %gather3A_258 : vector<16xf32>
        %swap3A_286 = arith.index_cast %add3A_260 : i32 to index
        %swap3A_287 = arith.constant 48 : index
        %swap3A_288 = tpu.vector_load %arg15[%swap3A_286, %swap3A_287] {strides = array<i32>} : memref<128x64xf32, #tpu.memory_space<vmem>>, vector<16xf32>,
        tpu.vector_store %arg15[%swap3A_286, %swap3A_287], %mul3A_285 {strides = array<i32>} : memref<128x64xf32, #tpu.memory_space<vmem>>, vector<16xf32>,
        %broadcast_in_dim3A_289 = arith.constant 3 : i32
        %broadcast_in_dim3A_290 = vector.broadcast %broadcast_in_dim3A_289 : i32 to vector<16x1xi32>
        %gather3A_291 = vector.shape_cast %broadcast_in_dim3A_290 : vector<16x1xi32> to vector<16xi32>
        %gather3A_292 = tpu.dynamic_gather %div3A[%gather3A_291] in [0] : vector<16xf32>, vector<16xi32> -> vector<16xf32>
        %add3A_293 = arith.constant 3 : i32
        %add3A_294 = arith.addi %mul3A_164, %add3A_293 : i32
        %get3A_295 = arith.index_cast %add3A_294 : i32 to index
        %get3A_296 = arith.constant 0 : index
        %get3A_297 = tpu.vector_load %arg15[%get3A_295, %get3A_296] {strides = array<i32>} : memref<128x64xf32, #tpu.memory_space<vmem>>, vector<16xf32>,
        %mul3A_298 = arith.mulf %get3A_297, %gather3A_292 : vector<16xf32>
        %swap3A_299 = arith.index_cast %add3A_294 : i32 to index
        %swap3A_300 = arith.constant 0 : index
        %swap3A_301 = tpu.vector_load %arg15[%swap3A_299, %swap3A_300] {strides = array<i32>} : memref<128x64xf32, #tpu.memory_space<vmem>>, vector<16xf32>,
        tpu.vector_store %arg15[%swap3A_299, %swap3A_300], %mul3A_298 {strides = array<i32>} : memref<128x64xf32, #tpu.memory_space<vmem>>, vector<16xf32>,
        %get3A_302 = arith.index_cast %add3A_294 : i32 to index
        %get3A_303 = arith.constant 16 : index
        %get3A_304 = tpu.vector_load %arg15[%get3A_302, %get3A_303] {strides = array<i32>} : memref<128x64xf32, #tpu.memory_space<vmem>>, vector<16xf32>,
        %mul3A_305 = arith.mulf %get3A_304, %gather3A_292 : vector<16xf32>
        %swap3A_306 = arith.index_cast %add3A_294 : i32 to index
        %swap3A_307 = arith.constant 16 : index
        %swap3A_308 = tpu.vector_load %arg15[%swap3A_306, %swap3A_307] {strides = array<i32>} : memref<128x64xf32, #tpu.memory_space<vmem>>, vector<16xf32>,
        tpu.vector_store %arg15[%swap3A_306, %swap3A_307], %mul3A_305 {strides = array<i32>} : memref<128x64xf32, #tpu.memory_space<vmem>>, vector<16xf32>,
        %get3A_309 = arith.index_cast %add3A_294 : i32 to index
        %get3A_310 = arith.constant 32 : index
        %get3A_311 = tpu.vector_load %arg15[%get3A_309, %get3A_310] {strides = array<i32>} : memref<128x64xf32, #tpu.memory_space<vmem>>, vector<16xf32>,
        %mul3A_312 = arith.mulf %get3A_311, %gather3A_292 : vector<16xf32>
        %swap3A_313 = arith.index_cast %add3A_294 : i32 to index
        %swap3A_314 = arith.constant 32 : index
        %swap3A_315 = tpu.vector_load %arg15[%swap3A_313, %swap3A_314] {strides = array<i32>} : memref<128x64xf32, #tpu.memory_space<vmem>>, vector<16xf32>,
        tpu.vector_store %arg15[%swap3A_313, %swap3A_314], %mul3A_312 {strides = array<i32>} : memref<128x64xf32, #tpu.memory_space<vmem>>, vector<16xf32>,
        %get3A_316 = arith.index_cast %add3A_294 : i32 to index
        %get3A_317 = arith.constant 48 : index
        %get3A_318 = tpu.vector_load %arg15[%get3A_316, %get3A_317] {strides = array<i32>} : memref<128x64xf32, #tpu.memory_space<vmem>>, vector<16xf32>,
        %mul3A_319 = arith.mulf %get3A_318, %gather3A_292 : vector<16xf32>
        %swap3A_320 = arith.index_cast %add3A_294 : i32 to index
        %swap3A_321 = arith.constant 48 : index
        %swap3A_322 = tpu.vector_load %arg15[%swap3A_320, %swap3A_321] {strides = array<i32>} : memref<128x64xf32, #tpu.memory_space<vmem>>, vector<16xf32>,
        tpu.vector_store %arg15[%swap3A_320, %swap3A_321], %mul3A_319 {strides = array<i32>} : memref<128x64xf32, #tpu.memory_space<vmem>>, vector<16xf32>,
        %broadcast_in_dim3A_323 = arith.constant 4 : i32
        %broadcast_in_dim3A_324 = vector.broadcast %broadcast_in_dim3A_323 : i32 to vector<16x1xi32>
        %gather3A_325 = vector.shape_cast %broadcast_in_dim3A_324 : vector<16x1xi32> to vector<16xi32>
        %gather3A_326 = tpu.dynamic_gather %div3A[%gather3A_325] in [0] : vector<16xf32>, vector<16xi32> -> vector<16xf32>
        %add3A_327 = arith.constant 4 : i32
        %add3A_328 = arith.addi %mul3A_164, %add3A_327 : i32
        %get3A_329 = arith.index_cast %add3A_328 : i32 to index
        %get3A_330 = arith.constant 0 : index
        %get3A_331 = tpu.vector_load %arg15[%get3A_329, %get3A_330] {strides = array<i32>} : memref<128x64xf32, #tpu.memory_space<vmem>>, vector<16xf32>,
        %mul3A_332 = arith.mulf %get3A_331, %gather3A_326 : vector<16xf32>
        %swap3A_333 = arith.index_cast %add3A_328 : i32 to index
        %swap3A_334 = arith.constant 0 : index
        %swap3A_335 = tpu.vector_load %arg15[%swap3A_333, %swap3A_334] {strides = array<i32>} : memref<128x64xf32, #tpu.memory_space<vmem>>, vector<16xf32>,
        tpu.vector_store %arg15[%swap3A_333, %swap3A_334], %mul3A_332 {strides = array<i32>} : memref<128x64xf32, #tpu.memory_space<vmem>>, vector<16xf32>,
        %get3A_336 = arith.index_cast %add3A_328 : i32 to index
        %get3A_337 = arith.constant 16 : index
        %get3A_338 = tpu.vector_load %arg15[%get3A_336, %get3A_337] {strides = array<i32>} : memref<128x64xf32, #tpu.memory_space<vmem>>, vector<16xf32>,
        %mul3A_339 = arith.mulf %get3A_338, %gather3A_326 : vector<16xf32>
        %swap3A_340 = arith.index_cast %add3A_328 : i32 to index
        %swap3A_341 = arith.constant 16 : index
        %swap3A_342 = tpu.vector_load %arg15[%swap3A_340, %swap3A_341] {strides = array<i32>} : memref<128x64xf32, #tpu.memory_space<vmem>>, vector<16xf32>,
        tpu.vector_store %arg15[%swap3A_340, %swap3A_341], %mul3A_339 {strides = array<i32>} : memref<128x64xf32, #tpu.memory_space<vmem>>, vector<16xf32>,
        %get3A_343 = arith.index_cast %add3A_328 : i32 to index
        %get3A_344 = arith.constant 32 : index
        %get3A_345 = tpu.vector_load %arg15[%get3A_343, %get3A_344] {strides = array<i32>} : memref<128x64xf32, #tpu.memory_space<vmem>>, vector<16xf32>,
        %mul3A_346 = arith.mulf %get3A_345, %gather3A_326 : vector<16xf32>
        %swap3A_347 = arith.index_cast %add3A_328 : i32 to index
        %swap3A_348 = arith.constant 32 : index
        %swap3A_349 = tpu.vector_load %arg15[%swap3A_347, %swap3A_348] {strides = array<i32>} : memref<128x64xf32, #tpu.memory_space<vmem>>, vector<16xf32>,
        tpu.vector_store %arg15[%swap3A_347, %swap3A_348], %mul3A_346 {strides = array<i32>} : memref<128x64xf32, #tpu.memory_space<vmem>>, vector<16xf32>,
        %get3A_350 = arith.index_cast %add3A_328 : i32 to index
        %get3A_351 = arith.constant 48 : index
        %get3A_352 = tpu.vector_load %arg15[%get3A_350, %get3A_351] {strides = array<i32>} : memref<128x64xf32, #tpu.memory_space<vmem>>, vector<16xf32>,
        %mul3A_353 = arith.mulf %get3A_352, %gather3A_326 : vector<16xf32>
        %swap3A_354 = arith.index_cast %add3A_328 : i32 to index
        %swap3A_355 = arith.constant 48 : index
        %swap3A_356 = tpu.vector_load %arg15[%swap3A_354, %swap3A_355] {strides = array<i32>} : memref<128x64xf32, #tpu.memory_space<vmem>>, vector<16xf32>,
        tpu.vector_store %arg15[%swap3A_354, %swap3A_355], %mul3A_353 {strides = array<i32>} : memref<128x64xf32, #tpu.memory_space<vmem>>, vector<16xf32>,
        %broadcast_in_dim3A_357 = arith.constant 5 : i32
        %broadcast_in_dim3A_358 = vector.broadcast %broadcast_in_dim3A_357 : i32 to vector<16x1xi32>
        %gather3A_359 = vector.shape_cast %broadcast_in_dim3A_358 : vector<16x1xi32> to vector<16xi32>
        %gather3A_360 = tpu.dynamic_gather %div3A[%gather3A_359] in [0] : vector<16xf32>, vector<16xi32> -> vector<16xf32>
        %add3A_361 = arith.constant 5 : i32
        %add3A_362 = arith.addi %mul3A_164, %add3A_361 : i32
        %get3A_363 = arith.index_cast %add3A_362 : i32 to index
        %get3A_364 = arith.constant 0 : index
        %get3A_365 = tpu.vector_load %arg15[%get3A_363, %get3A_364] {strides = array<i32>} : memref<128x64xf32, #tpu.memory_space<vmem>>, vector<16xf32>,
        %mul3A_366 = arith.mulf %get3A_365, %gather3A_360 : vector<16xf32>
        %swap3A_367 = arith.index_cast %add3A_362 : i32 to index
        %swap3A_368 = arith.constant 0 : index
        %swap3A_369 = tpu.vector_load %arg15[%swap3A_367, %swap3A_368] {strides = array<i32>} : memref<128x64xf32, #tpu.memory_space<vmem>>, vector<16xf32>,
        tpu.vector_store %arg15[%swap3A_367, %swap3A_368], %mul3A_366 {strides = array<i32>} : memref<128x64xf32, #tpu.memory_space<vmem>>, vector<16xf32>,
        %get3A_370 = arith.index_cast %add3A_362 : i32 to index
        %get3A_371 = arith.constant 16 : index
        %get3A_372 = tpu.vector_load %arg15[%get3A_370, %get3A_371] {strides = array<i32>} : memref<128x64xf32, #tpu.memory_space<vmem>>, vector<16xf32>,
        %mul3A_373 = arith.mulf %get3A_372, %gather3A_360 : vector<16xf32>
        %swap3A_374 = arith.index_cast %add3A_362 : i32 to index
        %swap3A_375 = arith.constant 16 : index
        %swap3A_376 = tpu.vector_load %arg15[%swap3A_374, %swap3A_375] {strides = array<i32>} : memref<128x64xf32, #tpu.memory_space<vmem>>, vector<16xf32>,
        tpu.vector_store %arg15[%swap3A_374, %swap3A_375], %mul3A_373 {strides = array<i32>} : memref<128x64xf32, #tpu.memory_space<vmem>>, vector<16xf32>,
        %get3A_377 = arith.index_cast %add3A_362 : i32 to index
        %get3A_378 = arith.constant 32 : index
        %get3A_379 = tpu.vector_load %arg15[%get3A_377, %get3A_378] {strides = array<i32>} : memref<128x64xf32, #tpu.memory_space<vmem>>, vector<16xf32>,
        %mul3A_380 = arith.mulf %get3A_379, %gather3A_360 : vector<16xf32>
        %swap3A_381 = arith.index_cast %add3A_362 : i32 to index
        %swap3A_382 = arith.constant 32 : index
        %swap3A_383 = tpu.vector_load %arg15[%swap3A_381, %swap3A_382] {strides = array<i32>} : memref<128x64xf32, #tpu.memory_space<vmem>>, vector<16xf32>,
        tpu.vector_store %arg15[%swap3A_381, %swap3A_382], %mul3A_380 {strides = array<i32>} : memref<128x64xf32, #tpu.memory_space<vmem>>, vector<16xf32>,
        %get3A_384 = arith.index_cast %add3A_362 : i32 to index
        %get3A_385 = arith.constant 48 : index
        %get3A_386 = tpu.vector_load %arg15[%get3A_384, %get3A_385] {strides = array<i32>} : memref<128x64xf32, #tpu.memory_space<vmem>>, vector<16xf32>,
        %mul3A_387 = arith.mulf %get3A_386, %gather3A_360 : vector<16xf32>
        %swap3A_388 = arith.index_cast %add3A_362 : i32 to index
        %swap3A_389 = arith.constant 48 : index
        %swap3A_390 = tpu.vector_load %arg15[%swap3A_388, %swap3A_389] {strides = array<i32>} : memref<128x64xf32, #tpu.memory_space<vmem>>, vector<16xf32>,
        tpu.vector_store %arg15[%swap3A_388, %swap3A_389], %mul3A_387 {strides = array<i32>} : memref<128x64xf32, #tpu.memory_space<vmem>>, vector<16xf32>,
        %broadcast_in_dim3A_391 = arith.constant 6 : i32
        %broadcast_in_dim3A_392 = vector.broadcast %broadcast_in_dim3A_391 : i32 to vector<16x1xi32>
        %gather3A_393 = vector.shape_cast %broadcast_in_dim3A_392 : vector<16x1xi32> to vector<16xi32>
        %gather3A_394 = tpu.dynamic_gather %div3A[%gather3A_393] in [0] : vector<16xf32>, vector<16xi32> -> vector<16xf32>
        %add3A_395 = arith.constant 6 : i32
        %add3A_396 = arith.addi %mul3A_164, %add3A_395 : i32
        %get3A_397 = arith.index_cast %add3A_396 : i32 to index
        %get3A_398 = arith.constant 0 : index
        %get3A_399 = tpu.vector_load %arg15[%get3A_397, %get3A_398] {strides = array<i32>} : memref<128x64xf32, #tpu.memory_space<vmem>>, vector<16xf32>,
        %mul3A_400 = arith.mulf %get3A_399, %gather3A_394 : vector<16xf32>
        %swap3A_401 = arith.index_cast %add3A_396 : i32 to index
        %swap3A_402 = arith.constant 0 : index
        %swap3A_403 = tpu.vector_load %arg15[%swap3A_401, %swap3A_402] {strides = array<i32>} : memref<128x64xf32, #tpu.memory_space<vmem>>, vector<16xf32>,
        tpu.vector_store %arg15[%swap3A_401, %swap3A_402], %mul3A_400 {strides = array<i32>} : memref<128x64xf32, #tpu.memory_space<vmem>>, vector<16xf32>,
        %get3A_404 = arith.index_cast %add3A_396 : i32 to index
        %get3A_405 = arith.constant 16 : index
        %get3A_406 = tpu.vector_load %arg15[%get3A_404, %get3A_405] {strides = array<i32>} : memref<128x64xf32, #tpu.memory_space<vmem>>, vector<16xf32>,
        %mul3A_407 = arith.mulf %get3A_406, %gather3A_394 : vector<16xf32>
        %swap3A_408 = arith.index_cast %add3A_396 : i32 to index
        %swap3A_409 = arith.constant 16 : index
        %swap3A_410 = tpu.vector_load %arg15[%swap3A_408, %swap3A_409] {strides = array<i32>} : memref<128x64xf32, #tpu.memory_space<vmem>>, vector<16xf32>,
        tpu.vector_store %arg15[%swap3A_408, %swap3A_409], %mul3A_407 {strides = array<i32>} : memref<128x64xf32, #tpu.memory_space<vmem>>, vector<16xf32>,
        %get3A_411 = arith.index_cast %add3A_396 : i32 to index
        %get3A_412 = arith.constant 32 : index
        %get3A_413 = tpu.vector_load %arg15[%get3A_411, %get3A_412] {strides = array<i32>} : memref<128x64xf32, #tpu.memory_space<vmem>>, vector<16xf32>,
        %mul3A_414 = arith.mulf %get3A_413, %gather3A_394 : vector<16xf32>
        %swap3A_415 = arith.index_cast %add3A_396 : i32 to index
        %swap3A_416 = arith.constant 32 : index
        %swap3A_417 = tpu.vector_load %arg15[%swap3A_415, %swap3A_416] {strides = array<i32>} : memref<128x64xf32, #tpu.memory_space<vmem>>, vector<16xf32>,
        tpu.vector_store %arg15[%swap3A_415, %swap3A_416], %mul3A_414 {strides = array<i32>} : memref<128x64xf32, #tpu.memory_space<vmem>>, vector<16xf32>,
        %get3A_418 = arith.index_cast %add3A_396 : i32 to index
        %get3A_419 = arith.constant 48 : index
        %get3A_420 = tpu.vector_load %arg15[%get3A_418, %get3A_419] {strides = array<i32>} : memref<128x64xf32, #tpu.memory_space<vmem>>, vector<16xf32>,
        %mul3A_421 = arith.mulf %get3A_420, %gather3A_394 : vector<16xf32>
        %swap3A_422 = arith.index_cast %add3A_396 : i32 to index
        %swap3A_423 = arith.constant 48 : index
        %swap3A_424 = tpu.vector_load %arg15[%swap3A_422, %swap3A_423] {strides = array<i32>} : memref<128x64xf32, #tpu.memory_space<vmem>>, vector<16xf32>,
        tpu.vector_store %arg15[%swap3A_422, %swap3A_423], %mul3A_421 {strides = array<i32>} : memref<128x64xf32, #tpu.memory_space<vmem>>, vector<16xf32>,
        %broadcast_in_dim3A_425 = arith.constant 7 : i32
        %broadcast_in_dim3A_426 = vector.broadcast %broadcast_in_dim3A_425 : i32 to vector<16x1xi32>
        %gather3A_427 = vector.shape_cast %broadcast_in_dim3A_426 : vector<16x1xi32> to vector<16xi32>
        %gather3A_428 = tpu.dynamic_gather %div3A[%gather3A_427] in [0] : vector<16xf32>, vector<16xi32> -> vector<16xf32>
        %add3A_429 = arith.constant 7 : i32
        %add3A_430 = arith.addi %mul3A_164, %add3A_429 : i32
        %get3A_431 = arith.index_cast %add3A_430 : i32 to index
        %get3A_432 = arith.constant 0 : index
        %get3A_433 = tpu.vector_load %arg15[%get3A_431, %get3A_432] {strides = array<i32>} : memref<128x64xf32, #tpu.memory_space<vmem>>, vector<16xf32>,
        %mul3A_434 = arith.mulf %get3A_433, %gather3A_428 : vector<16xf32>
        %swap3A_435 = arith.index_cast %add3A_430 : i32 to index
        %swap3A_436 = arith.constant 0 : index
        %swap3A_437 = tpu.vector_load %arg15[%swap3A_435, %swap3A_436] {strides = array<i32>} : memref<128x64xf32, #tpu.memory_space<vmem>>, vector<16xf32>,
        tpu.vector_store %arg15[%swap3A_435, %swap3A_436], %mul3A_434 {strides = array<i32>} : memref<128x64xf32, #tpu.memory_space<vmem>>, vector<16xf32>,
        %get3A_438 = arith.index_cast %add3A_430 : i32 to index
        %get3A_439 = arith.constant 16 : index
        %get3A_440 = tpu.vector_load %arg15[%get3A_438, %get3A_439] {strides = array<i32>} : memref<128x64xf32, #tpu.memory_space<vmem>>, vector<16xf32>,
        %mul3A_441 = arith.mulf %get3A_440, %gather3A_428 : vector<16xf32>
        %swap3A_442 = arith.index_cast %add3A_430 : i32 to index
        %swap3A_443 = arith.constant 16 : index
        %swap3A_444 = tpu.vector_load %arg15[%swap3A_442, %swap3A_443] {strides = array<i32>} : memref<128x64xf32, #tpu.memory_space<vmem>>, vector<16xf32>,
        tpu.vector_store %arg15[%swap3A_442, %swap3A_443], %mul3A_441 {strides = array<i32>} : memref<128x64xf32, #tpu.memory_space<vmem>>, vector<16xf32>,
        %get3A_445 = arith.index_cast %add3A_430 : i32 to index
        %get3A_446 = arith.constant 32 : index
        %get3A_447 = tpu.vector_load %arg15[%get3A_445, %get3A_446] {strides = array<i32>} : memref<128x64xf32, #tpu.memory_space<vmem>>, vector<16xf32>,
        %mul3A_448 = arith.mulf %get3A_447, %gather3A_428 : vector<16xf32>
        %swap3A_449 = arith.index_cast %add3A_430 : i32 to index
        %swap3A_450 = arith.constant 32 : index
        %swap3A_451 = tpu.vector_load %arg15[%swap3A_449, %swap3A_450] {strides = array<i32>} : memref<128x64xf32, #tpu.memory_space<vmem>>, vector<16xf32>,
        tpu.vector_store %arg15[%swap3A_449, %swap3A_450], %mul3A_448 {strides = array<i32>} : memref<128x64xf32, #tpu.memory_space<vmem>>, vector<16xf32>,
        %get3A_452 = arith.index_cast %add3A_430 : i32 to index
        %get3A_453 = arith.constant 48 : index
        %get3A_454 = tpu.vector_load %arg15[%get3A_452, %get3A_453] {strides = array<i32>} : memref<128x64xf32, #tpu.memory_space<vmem>>, vector<16xf32>,
        %mul3A_455 = arith.mulf %get3A_454, %gather3A_428 : vector<16xf32>
        %swap3A_456 = arith.index_cast %add3A_430 : i32 to index
        %swap3A_457 = arith.constant 48 : index
        %swap3A_458 = tpu.vector_load %arg15[%swap3A_456, %swap3A_457] {strides = array<i32>} : memref<128x64xf32, #tpu.memory_space<vmem>>, vector<16xf32>,
        tpu.vector_store %arg15[%swap3A_456, %swap3A_457], %mul3A_455 {strides = array<i32>} : memref<128x64xf32, #tpu.memory_space<vmem>>, vector<16xf32>,
        %broadcast_in_dim3A_459 = arith.constant 8 : i32
        %broadcast_in_dim3A_460 = vector.broadcast %broadcast_in_dim3A_459 : i32 to vector<16x1xi32>
        %gather3A_461 = vector.shape_cast %broadcast_in_dim3A_460 : vector<16x1xi32> to vector<16xi32>
        %gather3A_462 = tpu.dynamic_gather %div3A[%gather3A_461] in [0] : vector<16xf32>, vector<16xi32> -> vector<16xf32>
        %add3A_463 = arith.constant 8 : i32
        %add3A_464 = arith.addi %mul3A_164, %add3A_463 : i32
        %get3A_465 = arith.index_cast %add3A_464 : i32 to index
        %get3A_466 = arith.constant 0 : index
        %get3A_467 = tpu.vector_load %arg15[%get3A_465, %get3A_466] {strides = array<i32>} : memref<128x64xf32, #tpu.memory_space<vmem>>, vector<16xf32>,
        %mul3A_468 = arith.mulf %get3A_467, %gather3A_462 : vector<16xf32>
        %swap3A_469 = arith.index_cast %add3A_464 : i32 to index
        %swap3A_470 = arith.constant 0 : index
        %swap3A_471 = tpu.vector_load %arg15[%swap3A_469, %swap3A_470] {strides = array<i32>} : memref<128x64xf32, #tpu.memory_space<vmem>>, vector<16xf32>,
        tpu.vector_store %arg15[%swap3A_469, %swap3A_470], %mul3A_468 {strides = array<i32>} : memref<128x64xf32, #tpu.memory_space<vmem>>, vector<16xf32>,
        %get3A_472 = arith.index_cast %add3A_464 : i32 to index
        %get3A_473 = arith.constant 16 : index
        %get3A_474 = tpu.vector_load %arg15[%get3A_472, %get3A_473] {strides = array<i32>} : memref<128x64xf32, #tpu.memory_space<vmem>>, vector<16xf32>,
        %mul3A_475 = arith.mulf %get3A_474, %gather3A_462 : vector<16xf32>
        %swap3A_476 = arith.index_cast %add3A_464 : i32 to index
        %swap3A_477 = arith.constant 16 : index
        %swap3A_478 = tpu.vector_load %arg15[%swap3A_476, %swap3A_477] {strides = array<i32>} : memref<128x64xf32, #tpu.memory_space<vmem>>, vector<16xf32>,
        tpu.vector_store %arg15[%swap3A_476, %swap3A_477], %mul3A_475 {strides = array<i32>} : memref<128x64xf32, #tpu.memory_space<vmem>>, vector<16xf32>,
        %get3A_479 = arith.index_cast %add3A_464 : i32 to index
        %get3A_480 = arith.constant 32 : index
        %get3A_481 = tpu.vector_load %arg15[%get3A_479, %get3A_480] {strides = array<i32>} : memref<128x64xf32, #tpu.memory_space<vmem>>, vector<16xf32>,
        %mul3A_482 = arith.mulf %get3A_481, %gather3A_462 : vector<16xf32>
        %swap3A_483 = arith.index_cast %add3A_464 : i32 to index
        %swap3A_484 = arith.constant 32 : index
        %swap3A_485 = tpu.vector_load %arg15[%swap3A_483, %swap3A_484] {strides = array<i32>} : memref<128x64xf32, #tpu.memory_space<vmem>>, vector<16xf32>,
        tpu.vector_store %arg15[%swap3A_483, %swap3A_484], %mul3A_482 {strides = array<i32>} : memref<128x64xf32, #tpu.memory_space<vmem>>, vector<16xf32>,
        %get3A_486 = arith.index_cast %add3A_464 : i32 to index
        %get3A_487 = arith.constant 48 : index
        %get3A_488 = tpu.vector_load %arg15[%get3A_486, %get3A_487] {strides = array<i32>} : memref<128x64xf32, #tpu.memory_space<vmem>>, vector<16xf32>,
        %mul3A_489 = arith.mulf %get3A_488, %gather3A_462 : vector<16xf32>
        %swap3A_490 = arith.index_cast %add3A_464 : i32 to index
        %swap3A_491 = arith.constant 48 : index
        %swap3A_492 = tpu.vector_load %arg15[%swap3A_490, %swap3A_491] {strides = array<i32>} : memref<128x64xf32, #tpu.memory_space<vmem>>, vector<16xf32>,
        tpu.vector_store %arg15[%swap3A_490, %swap3A_491], %mul3A_489 {strides = array<i32>} : memref<128x64xf32, #tpu.memory_space<vmem>>, vector<16xf32>,
        %broadcast_in_dim3A_493 = arith.constant 9 : i32
        %broadcast_in_dim3A_494 = vector.broadcast %broadcast_in_dim3A_493 : i32 to vector<16x1xi32>
        %gather3A_495 = vector.shape_cast %broadcast_in_dim3A_494 : vector<16x1xi32> to vector<16xi32>
        %gather3A_496 = tpu.dynamic_gather %div3A[%gather3A_495] in [0] : vector<16xf32>, vector<16xi32> -> vector<16xf32>
        %add3A_497 = arith.constant 9 : i32
        %add3A_498 = arith.addi %mul3A_164, %add3A_497 : i32
        %get3A_499 = arith.index_cast %add3A_498 : i32 to index
        %get3A_500 = arith.constant 0 : index
        %get3A_501 = tpu.vector_load %arg15[%get3A_499, %get3A_500] {strides = array<i32>} : memref<128x64xf32, #tpu.memory_space<vmem>>, vector<16xf32>,
        %mul3A_502 = arith.mulf %get3A_501, %gather3A_496 : vector<16xf32>
        %swap3A_503 = arith.index_cast %add3A_498 : i32 to index
        %swap3A_504 = arith.constant 0 : index
        %swap3A_505 = tpu.vector_load %arg15[%swap3A_503, %swap3A_504] {strides = array<i32>} : memref<128x64xf32, #tpu.memory_space<vmem>>, vector<16xf32>,
        tpu.vector_store %arg15[%swap3A_503, %swap3A_504], %mul3A_502 {strides = array<i32>} : memref<128x64xf32, #tpu.memory_space<vmem>>, vector<16xf32>,
        %get3A_506 = arith.index_cast %add3A_498 : i32 to index
        %get3A_507 = arith.constant 16 : index
        %get3A_508 = tpu.vector_load %arg15[%get3A_506, %get3A_507] {strides = array<i32>} : memref<128x64xf32, #tpu.memory_space<vmem>>, vector<16xf32>,
        %mul3A_509 = arith.mulf %get3A_508, %gather3A_496 : vector<16xf32>
        %swap3A_510 = arith.index_cast %add3A_498 : i32 to index
        %swap3A_511 = arith.constant 16 : index
        %swap3A_512 = tpu.vector_load %arg15[%swap3A_510, %swap3A_511] {strides = array<i32>} : memref<128x64xf32, #tpu.memory_space<vmem>>, vector<16xf32>,
        tpu.vector_store %arg15[%swap3A_510, %swap3A_511], %mul3A_509 {strides = array<i32>} : memref<128x64xf32, #tpu.memory_space<vmem>>, vector<16xf32>,
        %get3A_513 = arith.index_cast %add3A_498 : i32 to index
        %get3A_514 = arith.constant 32 : index
        %get3A_515 = tpu.vector_load %arg15[%get3A_513, %get3A_514] {strides = array<i32>} : memref<128x64xf32, #tpu.memory_space<vmem>>, vector<16xf32>,
        %mul3A_516 = arith.mulf %get3A_515, %gather3A_496 : vector<16xf32>
        %swap3A_517 = arith.index_cast %add3A_498 : i32 to index
        %swap3A_518 = arith.constant 32 : index
        %swap3A_519 = tpu.vector_load %arg15[%swap3A_517, %swap3A_518] {strides = array<i32>} : memref<128x64xf32, #tpu.memory_space<vmem>>, vector<16xf32>,
        tpu.vector_store %arg15[%swap3A_517, %swap3A_518], %mul3A_516 {strides = array<i32>} : memref<128x64xf32, #tpu.memory_space<vmem>>, vector<16xf32>,
        %get3A_520 = arith.index_cast %add3A_498 : i32 to index
        %get3A_521 = arith.constant 48 : index
        %get3A_522 = tpu.vector_load %arg15[%get3A_520, %get3A_521] {strides = array<i32>} : memref<128x64xf32, #tpu.memory_space<vmem>>, vector<16xf32>,
        %mul3A_523 = arith.mulf %get3A_522, %gather3A_496 : vector<16xf32>
        %swap3A_524 = arith.index_cast %add3A_498 : i32 to index
        %swap3A_525 = arith.constant 48 : index
        %swap3A_526 = tpu.vector_load %arg15[%swap3A_524, %swap3A_525] {strides = array<i32>} : memref<128x64xf32, #tpu.memory_space<vmem>>, vector<16xf32>,
        tpu.vector_store %arg15[%swap3A_524, %swap3A_525], %mul3A_523 {strides = array<i32>} : memref<128x64xf32, #tpu.memory_space<vmem>>, vector<16xf32>,
        %broadcast_in_dim3A_527 = arith.constant 10 : i32
        %broadcast_in_dim3A_528 = vector.broadcast %broadcast_in_dim3A_527 : i32 to vector<16x1xi32>
        %gather3A_529 = vector.shape_cast %broadcast_in_dim3A_528 : vector<16x1xi32> to vector<16xi32>
        %gather3A_530 = tpu.dynamic_gather %div3A[%gather3A_529] in [0] : vector<16xf32>, vector<16xi32> -> vector<16xf32>
        %add3A_531 = arith.constant 10 : i32
        %add3A_532 = arith.addi %mul3A_164, %add3A_531 : i32
        %get3A_533 = arith.index_cast %add3A_532 : i32 to index
        %get3A_534 = arith.constant 0 : index
        %get3A_535 = tpu.vector_load %arg15[%get3A_533, %get3A_534] {strides = array<i32>} : memref<128x64xf32, #tpu.memory_space<vmem>>, vector<16xf32>,
        %mul3A_536 = arith.mulf %get3A_535, %gather3A_530 : vector<16xf32>
        %swap3A_537 = arith.index_cast %add3A_532 : i32 to index
        %swap3A_538 = arith.constant 0 : index
        %swap3A_539 = tpu.vector_load %arg15[%swap3A_537, %swap3A_538] {strides = array<i32>} : memref<128x64xf32, #tpu.memory_space<vmem>>, vector<16xf32>,
        tpu.vector_store %arg15[%swap3A_537, %swap3A_538], %mul3A_536 {strides = array<i32>} : memref<128x64xf32, #tpu.memory_space<vmem>>, vector<16xf32>,
        %get3A_540 = arith.index_cast %add3A_532 : i32 to index
        %get3A_541 = arith.constant 16 : index
        %get3A_542 = tpu.vector_load %arg15[%get3A_540, %get3A_541] {strides = array<i32>} : memref<128x64xf32, #tpu.memory_space<vmem>>, vector<16xf32>,
        %mul3A_543 = arith.mulf %get3A_542, %gather3A_530 : vector<16xf32>
        %swap3A_544 = arith.index_cast %add3A_532 : i32 to index
        %swap3A_545 = arith.constant 16 : index
        %swap3A_546 = tpu.vector_load %arg15[%swap3A_544, %swap3A_545] {strides = array<i32>} : memref<128x64xf32, #tpu.memory_space<vmem>>, vector<16xf32>,
        tpu.vector_store %arg15[%swap3A_544, %swap3A_545], %mul3A_543 {strides = array<i32>} : memref<128x64xf32, #tpu.memory_space<vmem>>, vector<16xf32>,
        %get3A_547 = arith.index_cast %add3A_532 : i32 to index
        %get3A_548 = arith.constant 32 : index
        %get3A_549 = tpu.vector_load %arg15[%get3A_547, %get3A_548] {strides = array<i32>} : memref<128x64xf32, #tpu.memory_space<vmem>>, vector<16xf32>,
        %mul3A_550 = arith.mulf %get3A_549, %gather3A_530 : vector<16xf32>
        %swap3A_551 = arith.index_cast %add3A_532 : i32 to index
        %swap3A_552 = arith.constant 32 : index
        %swap3A_553 = tpu.vector_load %arg15[%swap3A_551, %swap3A_552] {strides = array<i32>} : memref<128x64xf32, #tpu.memory_space<vmem>>, vector<16xf32>,
        tpu.vector_store %arg15[%swap3A_551, %swap3A_552], %mul3A_550 {strides = array<i32>} : memref<128x64xf32, #tpu.memory_space<vmem>>, vector<16xf32>,
        %get3A_554 = arith.index_cast %add3A_532 : i32 to index
        %get3A_555 = arith.constant 48 : index
        %get3A_556 = tpu.vector_load %arg15[%get3A_554, %get3A_555] {strides = array<i32>} : memref<128x64xf32, #tpu.memory_space<vmem>>, vector<16xf32>,
        %mul3A_557 = arith.mulf %get3A_556, %gather3A_530 : vector<16xf32>
        %swap3A_558 = arith.index_cast %add3A_532 : i32 to index
        %swap3A_559 = arith.constant 48 : index
        %swap3A_560 = tpu.vector_load %arg15[%swap3A_558, %swap3A_559] {strides = array<i32>} : memref<128x64xf32, #tpu.memory_space<vmem>>, vector<16xf32>,
        tpu.vector_store %arg15[%swap3A_558, %swap3A_559], %mul3A_557 {strides = array<i32>} : memref<128x64xf32, #tpu.memory_space<vmem>>, vector<16xf32>,
        %broadcast_in_dim3A_561 = arith.constant 11 : i32
        %broadcast_in_dim3A_562 = vector.broadcast %broadcast_in_dim3A_561 : i32 to vector<16x1xi32>
        %gather3A_563 = vector.shape_cast %broadcast_in_dim3A_562 : vector<16x1xi32> to vector<16xi32>
        %gather3A_564 = tpu.dynamic_gather %div3A[%gather3A_563] in [0] : vector<16xf32>, vector<16xi32> -> vector<16xf32>
        %add3A_565 = arith.constant 11 : i32
        %add3A_566 = arith.addi %mul3A_164, %add3A_565 : i32
        %get3A_567 = arith.index_cast %add3A_566 : i32 to index
        %get3A_568 = arith.constant 0 : index
        %get3A_569 = tpu.vector_load %arg15[%get3A_567, %get3A_568] {strides = array<i32>} : memref<128x64xf32, #tpu.memory_space<vmem>>, vector<16xf32>,
        %mul3A_570 = arith.mulf %get3A_569, %gather3A_564 : vector<16xf32>
        %swap3A_571 = arith.index_cast %add3A_566 : i32 to index
        %swap3A_572 = arith.constant 0 : index
        %swap3A_573 = tpu.vector_load %arg15[%swap3A_571, %swap3A_572] {strides = array<i32>} : memref<128x64xf32, #tpu.memory_space<vmem>>, vector<16xf32>,
        tpu.vector_store %arg15[%swap3A_571, %swap3A_572], %mul3A_570 {strides = array<i32>} : memref<128x64xf32, #tpu.memory_space<vmem>>, vector<16xf32>,
        %get3A_574 = arith.index_cast %add3A_566 : i32 to index
        %get3A_575 = arith.constant 16 : index
        %get3A_576 = tpu.vector_load %arg15[%get3A_574, %get3A_575] {strides = array<i32>} : memref<128x64xf32, #tpu.memory_space<vmem>>, vector<16xf32>,
        %mul3A_577 = arith.mulf %get3A_576, %gather3A_564 : vector<16xf32>
        %swap3A_578 = arith.index_cast %add3A_566 : i32 to index
        %swap3A_579 = arith.constant 16 : index
        %swap3A_580 = tpu.vector_load %arg15[%swap3A_578, %swap3A_579] {strides = array<i32>} : memref<128x64xf32, #tpu.memory_space<vmem>>, vector<16xf32>,
        tpu.vector_store %arg15[%swap3A_578, %swap3A_579], %mul3A_577 {strides = array<i32>} : memref<128x64xf32, #tpu.memory_space<vmem>>, vector<16xf32>,
        %get3A_581 = arith.index_cast %add3A_566 : i32 to index
        %get3A_582 = arith.constant 32 : index
        %get3A_583 = tpu.vector_load %arg15[%get3A_581, %get3A_582] {strides = array<i32>} : memref<128x64xf32, #tpu.memory_space<vmem>>, vector<16xf32>,
        %mul3A_584 = arith.mulf %get3A_583, %gather3A_564 : vector<16xf32>
        %swap3A_585 = arith.index_cast %add3A_566 : i32 to index
        %swap3A_586 = arith.constant 32 : index
        %swap3A_587 = tpu.vector_load %arg15[%swap3A_585, %swap3A_586] {strides = array<i32>} : memref<128x64xf32, #tpu.memory_space<vmem>>, vector<16xf32>,
        tpu.vector_store %arg15[%swap3A_585, %swap3A_586], %mul3A_584 {strides = array<i32>} : memref<128x64xf32, #tpu.memory_space<vmem>>, vector<16xf32>,
        %get3A_588 = arith.index_cast %add3A_566 : i32 to index
        %get3A_589 = arith.constant 48 : index
        %get3A_590 = tpu.vector_load %arg15[%get3A_588, %get3A_589] {strides = array<i32>} : memref<128x64xf32, #tpu.memory_space<vmem>>, vector<16xf32>,
        %mul3A_591 = arith.mulf %get3A_590, %gather3A_564 : vector<16xf32>
        %swap3A_592 = arith.index_cast %add3A_566 : i32 to index
        %swap3A_593 = arith.constant 48 : index
        %swap3A_594 = tpu.vector_load %arg15[%swap3A_592, %swap3A_593] {strides = array<i32>} : memref<128x64xf32, #tpu.memory_space<vmem>>, vector<16xf32>,
        tpu.vector_store %arg15[%swap3A_592, %swap3A_593], %mul3A_591 {strides = array<i32>} : memref<128x64xf32, #tpu.memory_space<vmem>>, vector<16xf32>,
        %broadcast_in_dim3A_595 = arith.constant 12 : i32
        %broadcast_in_dim3A_596 = vector.broadcast %broadcast_in_dim3A_595 : i32 to vector<16x1xi32>
        %gather3A_597 = vector.shape_cast %broadcast_in_dim3A_596 : vector<16x1xi32> to vector<16xi32>
        %gather3A_598 = tpu.dynamic_gather %div3A[%gather3A_597] in [0] : vector<16xf32>, vector<16xi32> -> vector<16xf32>
        %add3A_599 = arith.constant 12 : i32
        %add3A_600 = arith.addi %mul3A_164, %add3A_599 : i32
        %get3A_601 = arith.index_cast %add3A_600 : i32 to index
        %get3A_602 = arith.constant 0 : index
        %get3A_603 = tpu.vector_load %arg15[%get3A_601, %get3A_602] {strides = array<i32>} : memref<128x64xf32, #tpu.memory_space<vmem>>, vector<16xf32>,
        %mul3A_604 = arith.mulf %get3A_603, %gather3A_598 : vector<16xf32>
        %swap3A_605 = arith.index_cast %add3A_600 : i32 to index
        %swap3A_606 = arith.constant 0 : index
        %swap3A_607 = tpu.vector_load %arg15[%swap3A_605, %swap3A_606] {strides = array<i32>} : memref<128x64xf32, #tpu.memory_space<vmem>>, vector<16xf32>,
        tpu.vector_store %arg15[%swap3A_605, %swap3A_606], %mul3A_604 {strides = array<i32>} : memref<128x64xf32, #tpu.memory_space<vmem>>, vector<16xf32>,
        %get3A_608 = arith.index_cast %add3A_600 : i32 to index
        %get3A_609 = arith.constant 16 : index
        %get3A_610 = tpu.vector_load %arg15[%get3A_608, %get3A_609] {strides = array<i32>} : memref<128x64xf32, #tpu.memory_space<vmem>>, vector<16xf32>,
        %mul3A_611 = arith.mulf %get3A_610, %gather3A_598 : vector<16xf32>
        %swap3A_612 = arith.index_cast %add3A_600 : i32 to index
        %swap3A_613 = arith.constant 16 : index
        %swap3A_614 = tpu.vector_load %arg15[%swap3A_612, %swap3A_613] {strides = array<i32>} : memref<128x64xf32, #tpu.memory_space<vmem>>, vector<16xf32>,
        tpu.vector_store %arg15[%swap3A_612, %swap3A_613], %mul3A_611 {strides = array<i32>} : memref<128x64xf32, #tpu.memory_space<vmem>>, vector<16xf32>,
        %get3A_615 = arith.index_cast %add3A_600 : i32 to index
        %get3A_616 = arith.constant 32 : index
        %get3A_617 = tpu.vector_load %arg15[%get3A_615, %get3A_616] {strides = array<i32>} : memref<128x64xf32, #tpu.memory_space<vmem>>, vector<16xf32>,
        %mul3A_618 = arith.mulf %get3A_617, %gather3A_598 : vector<16xf32>
        %swap3A_619 = arith.index_cast %add3A_600 : i32 to index
        %swap3A_620 = arith.constant 32 : index
        %swap3A_621 = tpu.vector_load %arg15[%swap3A_619, %swap3A_620] {strides = array<i32>} : memref<128x64xf32, #tpu.memory_space<vmem>>, vector<16xf32>,
        tpu.vector_store %arg15[%swap3A_619, %swap3A_620], %mul3A_618 {strides = array<i32>} : memref<128x64xf32, #tpu.memory_space<vmem>>, vector<16xf32>,
        %get3A_622 = arith.index_cast %add3A_600 : i32 to index
        %get3A_623 = arith.constant 48 : index
        %get3A_624 = tpu.vector_load %arg15[%get3A_622, %get3A_623] {strides = array<i32>} : memref<128x64xf32, #tpu.memory_space<vmem>>, vector<16xf32>,
        %mul3A_625 = arith.mulf %get3A_624, %gather3A_598 : vector<16xf32>
        %swap3A_626 = arith.index_cast %add3A_600 : i32 to index
        %swap3A_627 = arith.constant 48 : index
        %swap3A_628 = tpu.vector_load %arg15[%swap3A_626, %swap3A_627] {strides = array<i32>} : memref<128x64xf32, #tpu.memory_space<vmem>>, vector<16xf32>,
        tpu.vector_store %arg15[%swap3A_626, %swap3A_627], %mul3A_625 {strides = array<i32>} : memref<128x64xf32, #tpu.memory_space<vmem>>, vector<16xf32>,
        %broadcast_in_dim3A_629 = arith.constant 13 : i32
        %broadcast_in_dim3A_630 = vector.broadcast %broadcast_in_dim3A_629 : i32 to vector<16x1xi32>
        %gather3A_631 = vector.shape_cast %broadcast_in_dim3A_630 : vector<16x1xi32> to vector<16xi32>
        %gather3A_632 = tpu.dynamic_gather %div3A[%gather3A_631] in [0] : vector<16xf32>, vector<16xi32> -> vector<16xf32>
        %add3A_633 = arith.constant 13 : i32
        %add3A_634 = arith.addi %mul3A_164, %add3A_633 : i32
        %get3A_635 = arith.index_cast %add3A_634 : i32 to index
        %get3A_636 = arith.constant 0 : index
        %get3A_637 = tpu.vector_load %arg15[%get3A_635, %get3A_636] {strides = array<i32>} : memref<128x64xf32, #tpu.memory_space<vmem>>, vector<16xf32>,
        %mul3A_638 = arith.mulf %get3A_637, %gather3A_632 : vector<16xf32>
        %swap3A_639 = arith.index_cast %add3A_634 : i32 to index
        %swap3A_640 = arith.constant 0 : index
        %swap3A_641 = tpu.vector_load %arg15[%swap3A_639, %swap3A_640] {strides = array<i32>} : memref<128x64xf32, #tpu.memory_space<vmem>>, vector<16xf32>,
        tpu.vector_store %arg15[%swap3A_639, %swap3A_640], %mul3A_638 {strides = array<i32>} : memref<128x64xf32, #tpu.memory_space<vmem>>, vector<16xf32>,
        %get3A_642 = arith.index_cast %add3A_634 : i32 to index
        %get3A_643 = arith.constant 16 : index
        %get3A_644 = tpu.vector_load %arg15[%get3A_642, %get3A_643] {strides = array<i32>} : memref<128x64xf32, #tpu.memory_space<vmem>>, vector<16xf32>,
        %mul3A_645 = arith.mulf %get3A_644, %gather3A_632 : vector<16xf32>
        %swap3A_646 = arith.index_cast %add3A_634 : i32 to index
        %swap3A_647 = arith.constant 16 : index
        %swap3A_648 = tpu.vector_load %arg15[%swap3A_646, %swap3A_647] {strides = array<i32>} : memref<128x64xf32, #tpu.memory_space<vmem>>, vector<16xf32>,
        tpu.vector_store %arg15[%swap3A_646, %swap3A_647], %mul3A_645 {strides = array<i32>} : memref<128x64xf32, #tpu.memory_space<vmem>>, vector<16xf32>,
        %get3A_649 = arith.index_cast %add3A_634 : i32 to index
        %get3A_650 = arith.constant 32 : index
        %get3A_651 = tpu.vector_load %arg15[%get3A_649, %get3A_650] {strides = array<i32>} : memref<128x64xf32, #tpu.memory_space<vmem>>, vector<16xf32>,
        %mul3A_652 = arith.mulf %get3A_651, %gather3A_632 : vector<16xf32>
        %swap3A_653 = arith.index_cast %add3A_634 : i32 to index
        %swap3A_654 = arith.constant 32 : index
        %swap3A_655 = tpu.vector_load %arg15[%swap3A_653, %swap3A_654] {strides = array<i32>} : memref<128x64xf32, #tpu.memory_space<vmem>>, vector<16xf32>,
        tpu.vector_store %arg15[%swap3A_653, %swap3A_654], %mul3A_652 {strides = array<i32>} : memref<128x64xf32, #tpu.memory_space<vmem>>, vector<16xf32>,
        %get3A_656 = arith.index_cast %add3A_634 : i32 to index
        %get3A_657 = arith.constant 48 : index
        %get3A_658 = tpu.vector_load %arg15[%get3A_656, %get3A_657] {strides = array<i32>} : memref<128x64xf32, #tpu.memory_space<vmem>>, vector<16xf32>,
        %mul3A_659 = arith.mulf %get3A_658, %gather3A_632 : vector<16xf32>
        %swap3A_660 = arith.index_cast %add3A_634 : i32 to index
        %swap3A_661 = arith.constant 48 : index
        %swap3A_662 = tpu.vector_load %arg15[%swap3A_660, %swap3A_661] {strides = array<i32>} : memref<128x64xf32, #tpu.memory_space<vmem>>, vector<16xf32>,
        tpu.vector_store %arg15[%swap3A_660, %swap3A_661], %mul3A_659 {strides = array<i32>} : memref<128x64xf32, #tpu.memory_space<vmem>>, vector<16xf32>,
        %broadcast_in_dim3A_663 = arith.constant 14 : i32
        %broadcast_in_dim3A_664 = vector.broadcast %broadcast_in_dim3A_663 : i32 to vector<16x1xi32>
        %gather3A_665 = vector.shape_cast %broadcast_in_dim3A_664 : vector<16x1xi32> to vector<16xi32>
        %gather3A_666 = tpu.dynamic_gather %div3A[%gather3A_665] in [0] : vector<16xf32>, vector<16xi32> -> vector<16xf32>
        %add3A_667 = arith.constant 14 : i32
        %add3A_668 = arith.addi %mul3A_164, %add3A_667 : i32
        %get3A_669 = arith.index_cast %add3A_668 : i32 to index
        %get3A_670 = arith.constant 0 : index
        %get3A_671 = tpu.vector_load %arg15[%get3A_669, %get3A_670] {strides = array<i32>} : memref<128x64xf32, #tpu.memory_space<vmem>>, vector<16xf32>,
        %mul3A_672 = arith.mulf %get3A_671, %gather3A_666 : vector<16xf32>
        %swap3A_673 = arith.index_cast %add3A_668 : i32 to index
        %swap3A_674 = arith.constant 0 : index
        %swap3A_675 = tpu.vector_load %arg15[%swap3A_673, %swap3A_674] {strides = array<i32>} : memref<128x64xf32, #tpu.memory_space<vmem>>, vector<16xf32>,
        tpu.vector_store %arg15[%swap3A_673, %swap3A_674], %mul3A_672 {strides = array<i32>} : memref<128x64xf32, #tpu.memory_space<vmem>>, vector<16xf32>,
        %get3A_676 = arith.index_cast %add3A_668 : i32 to index
        %get3A_677 = arith.constant 16 : index
        %get3A_678 = tpu.vector_load %arg15[%get3A_676, %get3A_677] {strides = array<i32>} : memref<128x64xf32, #tpu.memory_space<vmem>>, vector<16xf32>,
        %mul3A_679 = arith.mulf %get3A_678, %gather3A_666 : vector<16xf32>
        %swap3A_680 = arith.index_cast %add3A_668 : i32 to index
        %swap3A_681 = arith.constant 16 : index
        %swap3A_682 = tpu.vector_load %arg15[%swap3A_680, %swap3A_681] {strides = array<i32>} : memref<128x64xf32, #tpu.memory_space<vmem>>, vector<16xf32>,
        tpu.vector_store %arg15[%swap3A_680, %swap3A_681], %mul3A_679 {strides = array<i32>} : memref<128x64xf32, #tpu.memory_space<vmem>>, vector<16xf32>,
        %get3A_683 = arith.index_cast %add3A_668 : i32 to index
        %get3A_684 = arith.constant 32 : index
        %get3A_685 = tpu.vector_load %arg15[%get3A_683, %get3A_684] {strides = array<i32>} : memref<128x64xf32, #tpu.memory_space<vmem>>, vector<16xf32>,
        %mul3A_686 = arith.mulf %get3A_685, %gather3A_666 : vector<16xf32>
        %swap3A_687 = arith.index_cast %add3A_668 : i32 to index
        %swap3A_688 = arith.constant 32 : index
        %swap3A_689 = tpu.vector_load %arg15[%swap3A_687, %swap3A_688] {strides = array<i32>} : memref<128x64xf32, #tpu.memory_space<vmem>>, vector<16xf32>,
        tpu.vector_store %arg15[%swap3A_687, %swap3A_688], %mul3A_686 {strides = array<i32>} : memref<128x64xf32, #tpu.memory_space<vmem>>, vector<16xf32>,
        %get3A_690 = arith.index_cast %add3A_668 : i32 to index
        %get3A_691 = arith.constant 48 : index
        %get3A_692 = tpu.vector_load %arg15[%get3A_690, %get3A_691] {strides = array<i32>} : memref<128x64xf32, #tpu.memory_space<vmem>>, vector<16xf32>,
        %mul3A_693 = arith.mulf %get3A_692, %gather3A_666 : vector<16xf32>
        %swap3A_694 = arith.index_cast %add3A_668 : i32 to index
        %swap3A_695 = arith.constant 48 : index
        %swap3A_696 = tpu.vector_load %arg15[%swap3A_694, %swap3A_695] {strides = array<i32>} : memref<128x64xf32, #tpu.memory_space<vmem>>, vector<16xf32>,
        tpu.vector_store %arg15[%swap3A_694, %swap3A_695], %mul3A_693 {strides = array<i32>} : memref<128x64xf32, #tpu.memory_space<vmem>>, vector<16xf32>,
        %broadcast_in_dim3A_697 = arith.constant 15 : i32
        %broadcast_in_dim3A_698 = vector.broadcast %broadcast_in_dim3A_697 : i32 to vector<16x1xi32>
        %gather3A_699 = vector.shape_cast %broadcast_in_dim3A_698 : vector<16x1xi32> to vector<16xi32>
        %gather3A_700 = tpu.dynamic_gather %div3A[%gather3A_699] in [0] : vector<16xf32>, vector<16xi32> -> vector<16xf32>
        %add3A_701 = arith.constant 15 : i32
        %add3A_702 = arith.addi %mul3A_164, %add3A_701 : i32
        %get3A_703 = arith.index_cast %add3A_702 : i32 to index
        %get3A_704 = arith.constant 0 : index
        %get3A_705 = tpu.vector_load %arg15[%get3A_703, %get3A_704] {strides = array<i32>} : memref<128x64xf32, #tpu.memory_space<vmem>>, vector<16xf32>,
        %mul3A_706 = arith.mulf %get3A_705, %gather3A_700 : vector<16xf32>
        %swap3A_707 = arith.index_cast %add3A_702 : i32 to index
        %swap3A_708 = arith.constant 0 : index
        %swap3A_709 = tpu.vector_load %arg15[%swap3A_707, %swap3A_708] {strides = array<i32>} : memref<128x64xf32, #tpu.memory_space<vmem>>, vector<16xf32>,
        tpu.vector_store %arg15[%swap3A_707, %swap3A_708], %mul3A_706 {strides = array<i32>} : memref<128x64xf32, #tpu.memory_space<vmem>>, vector<16xf32>,
        %get3A_710 = arith.index_cast %add3A_702 : i32 to index
        %get3A_711 = arith.constant 16 : index
        %get3A_712 = tpu.vector_load %arg15[%get3A_710, %get3A_711] {strides = array<i32>} : memref<128x64xf32, #tpu.memory_space<vmem>>, vector<16xf32>,
        %mul3A_713 = arith.mulf %get3A_712, %gather3A_700 : vector<16xf32>
        %swap3A_714 = arith.index_cast %add3A_702 : i32 to index
        %swap3A_715 = arith.constant 16 : index
        %swap3A_716 = tpu.vector_load %arg15[%swap3A_714, %swap3A_715] {strides = array<i32>} : memref<128x64xf32, #tpu.memory_space<vmem>>, vector<16xf32>,
        tpu.vector_store %arg15[%swap3A_714, %swap3A_715], %mul3A_713 {strides = array<i32>} : memref<128x64xf32, #tpu.memory_space<vmem>>, vector<16xf32>,
        %get3A_717 = arith.index_cast %add3A_702 : i32 to index
        %get3A_718 = arith.constant 32 : index
        %get3A_719 = tpu.vector_load %arg15[%get3A_717, %get3A_718] {strides = array<i32>} : memref<128x64xf32, #tpu.memory_space<vmem>>, vector<16xf32>,
        %mul3A_720 = arith.mulf %get3A_719, %gather3A_700 : vector<16xf32>
        %swap3A_721 = arith.index_cast %add3A_702 : i32 to index
        %swap3A_722 = arith.constant 32 : index
        %swap3A_723 = tpu.vector_load %arg15[%swap3A_721, %swap3A_722] {strides = array<i32>} : memref<128x64xf32, #tpu.memory_space<vmem>>, vector<16xf32>,
        tpu.vector_store %arg15[%swap3A_721, %swap3A_722], %mul3A_720 {strides = array<i32>} : memref<128x64xf32, #tpu.memory_space<vmem>>, vector<16xf32>,
        %get3A_724 = arith.index_cast %add3A_702 : i32 to index
        %get3A_725 = arith.constant 48 : index
        %get3A_726 = tpu.vector_load %arg15[%get3A_724, %get3A_725] {strides = array<i32>} : memref<128x64xf32, #tpu.memory_space<vmem>>, vector<16xf32>,
        %mul3A_727 = arith.mulf %get3A_726, %gather3A_700 : vector<16xf32>
        %swap3A_728 = arith.index_cast %add3A_702 : i32 to index
        %swap3A_729 = arith.constant 48 : index
        %swap3A_730 = tpu.vector_load %arg15[%swap3A_728, %swap3A_729] {strides = array<i32>} : memref<128x64xf32, #tpu.memory_space<vmem>>, vector<16xf32>,
        tpu.vector_store %arg15[%swap3A_728, %swap3A_729], %mul3A_727 {strides = array<i32>} : memref<128x64xf32, #tpu.memory_space<vmem>>, vector<16xf32>,
      }
      %scan3A_161 = arith.constant 8 : i32
      "tpu.region"() ({
        %run_scoped3A = tpu.sem_alloc : memref<!tpu.dma_semaphore, #tpu.memory_space<semaphore_mem>>
        %dma_start3A = arith.constant 0 : i32
        %dma_start3A_162 = tpu.memref_slice %arg10[%scan3A_145, %dma_start3A] : memref<157x128xi32, #tpu.memory_space<vmem>> -> memref<1x128xi32, #tpu.memory_space<vmem>>
        %dma_start3A_163 = tpu.memref_squeeze %dma_start3A_162 : memref<1x128xi32, #tpu.memory_space<vmem>> -> memref<128xi32, #tpu.memory_space<vmem>>
        %dma_start3A_164 = arith.constant 0 : i32
        %dma_start3A_165 = arith.constant 0 : i32
        %dma_start3A_166 = tpu.memref_slice %arg18[%dma_start3A_164, %dma_start3A_165] : memref<10240x64xf32, #tpu.memory_space<vmem_shared>> -> memref<10240x64xf32, #tpu.memory_space<vmem_shared>>
        tpu.enqueue_indirect_dma source(%arg15 : memref<128x64xf32, #tpu.memory_space<vmem>>) target(%dma_start3A_166 : memref<10240x64xf32, #tpu.memory_space<vmem_shared>>) offsets(%dma_start3A_163 : memref<128xi32, #tpu.memory_space<vmem>>) semaphore(%run_scoped3A : memref<!tpu.dma_semaphore, #tpu.memory_space<semaphore_mem>>) {add = true}
        %dma_wait3A = arith.constant 0 : i32
        %dma_wait3A_167 = tpu.memref_slice %arg10[%scan3A_145, %dma_wait3A] : memref<157x128xi32, #tpu.memory_space<vmem>> -> memref<1x128xi32, #tpu.memory_space<vmem>>
        %dma_wait3A_168 = tpu.memref_squeeze %dma_wait3A_167 : memref<1x128xi32, #tpu.memory_space<vmem>> -> memref<128xi32, #tpu.memory_space<vmem>>
        %dma_wait3A_169 = arith.constant 0 : i32
        %dma_wait3A_170 = arith.constant 0 : i32
        %dma_wait3A_171 = tpu.memref_slice %arg18[%dma_wait3A_169, %dma_wait3A_170] : memref<10240x64xf32, #tpu.memory_space<vmem_shared>> -> memref<10240x64xf32, #tpu.memory_space<vmem_shared>>
        tpu.wait_indirect_dma semaphore(%run_scoped3A : memref<!tpu.dma_semaphore, #tpu.memory_space<semaphore_mem>>) src(%arg15 : memref<128x64xf32, #tpu.memory_space<vmem>>) dst(%dma_wait3A_171 : memref<10240x64xf32, #tpu.memory_space<vmem_shared>>)
        tpu.yield
      }) : () -> ()
    }
    %scan3A_46 = arith.constant 157 : i32
    %barrier3A_47 = arith.constant 0 : index
    tpu.barrier barrier_id(%barrier3A_47)
    %mul3A_48 = arith.constant 640 : i32
    %mul3A_49 = arith.muli %arg1, %mul3A_48 : i32
    %add3A_50 = arith.constant 0 : i32
    %add3A_51 = arith.addi %mul3A_49, %add3A_50 : i32
    "tpu.region"() ({
      %run_scoped3A = tpu.sem_alloc : memref<!tpu.dma_semaphore, #tpu.memory_space<semaphore_mem>>
      %dma_start3A = arith.constant 0 : i32
      %dma_start3A_145 = tpu.memref_slice %arg18[%add3A_51, %dma_start3A] : memref<10240x64xf32, #tpu.memory_space<vmem_shared>> -> memref<128x64xf32, #tpu.memory_space<vmem_shared>>
      %dma_start3A_146 = arith.constant 0 : i32
      %dma_start3A_147 = tpu.memref_slice %arg18[%add3A_51, %dma_start3A_146] : memref<10240x64xf32, #tpu.memory_space<vmem_shared>> -> memref<128x64xf32, #tpu.memory_space<vmem_shared>>
      tpu.enqueue_dma source(%dma_start3A_147 : memref<128x64xf32, #tpu.memory_space<vmem_shared>>) target(%arg15 : memref<128x64xf32, #tpu.memory_space<vmem>>) target_semaphore(%run_scoped3A : memref<!tpu.dma_semaphore, #tpu.memory_space<semaphore_mem>>)
      %dma_wait3A = arith.constant 0 : i32
      %dma_wait3A_148 = tpu.memref_slice %arg18[%add3A_51, %dma_wait3A] : memref<10240x64xf32, #tpu.memory_space<vmem_shared>> -> memref<128x64xf32, #tpu.memory_space<vmem_shared>>
      %dma_wait3A_149 = arith.constant 0 : i32
      %dma_wait3A_150 = tpu.memref_slice %arg18[%add3A_51, %dma_wait3A_149] : memref<10240x64xf32, #tpu.memory_space<vmem_shared>> -> memref<128x64xf32, #tpu.memory_space<vmem_shared>>
      tpu.wait_dma2 semaphore(%run_scoped3A : memref<!tpu.dma_semaphore, #tpu.memory_space<semaphore_mem>>) src(%dma_wait3A_150 : memref<128x64xf32, #tpu.memory_space<vmem_shared>>) dst(%arg15 : memref<128x64xf32, #tpu.memory_space<vmem>>)
      tpu.yield
    }) : () -> ()
    %scan3A_52 = arith.constant 0 : i32
    %scan3A_53 = arith.constant 0 : i32
    %scan3A_54 = arith.constant 128 : i32
    %scan3A_55 = arith.addi %scan3A_53, %scan3A_54 : i32
    %scan3A_56 = arith.constant 1 : i32
    scf.for %scan3A_145 = %scan3A_53 to %scan3A_55 step %scan3A_56  : i32 {
      %get3A = arith.index_cast %scan3A_145 : i32 to index
      %get3A_146 = arith.constant 0 : index
      %get3A_147 = tpu.vector_load %arg15[%get3A, %get3A_146] {strides = array<i32>} : memref<128x64xf32, #tpu.memory_space<vmem>>, vector<16xf32>,
      %gt3A = arith.constant 0.000000e+00 : f32
      %gt3A_148 = vector.broadcast %gt3A : f32 to vector<16xf32>
      %gt3A_149 = arith.cmpf ogt, %get3A_147, %gt3A_148 : vector<16xf32>
      %exp3A = math.exp %get3A_147 : vector<16xf32>
      %sub3A = arith.constant 1.000000e+00 : f32
      %sub3A_150 = vector.broadcast %sub3A : f32 to vector<16xf32>
      %sub3A_151 = arith.subf %exp3A, %sub3A_150 : vector<16xf32>
      %select_n3A = arith.select %gt3A_149, %get3A_147, %sub3A_151 : vector<16xi1>, vector<16xf32>
      %swap3A = arith.index_cast %scan3A_145 : i32 to index
      %swap3A_152 = arith.constant 0 : index
      %swap3A_153 = tpu.vector_load %arg15[%swap3A, %swap3A_152] {strides = array<i32>} : memref<128x64xf32, #tpu.memory_space<vmem>>, vector<16xf32>,
      tpu.vector_store %arg15[%swap3A, %swap3A_152], %select_n3A {strides = array<i32>} : memref<128x64xf32, #tpu.memory_space<vmem>>, vector<16xf32>,
      %get3A_154 = arith.index_cast %scan3A_145 : i32 to index
      %get3A_155 = arith.constant 16 : index
      %get3A_156 = tpu.vector_load %arg15[%get3A_154, %get3A_155] {strides = array<i32>} : memref<128x64xf32, #tpu.memory_space<vmem>>, vector<16xf32>,
      %gt3A_157 = arith.constant 0.000000e+00 : f32
      %gt3A_158 = vector.broadcast %gt3A_157 : f32 to vector<16xf32>
      %gt3A_159 = arith.cmpf ogt, %get3A_156, %gt3A_158 : vector<16xf32>
      %exp3A_160 = math.exp %get3A_156 : vector<16xf32>
      %sub3A_161 = arith.constant 1.000000e+00 : f32
      %sub3A_162 = vector.broadcast %sub3A_161 : f32 to vector<16xf32>
      %sub3A_163 = arith.subf %exp3A_160, %sub3A_162 : vector<16xf32>
      %select_n3A_164 = arith.select %gt3A_159, %get3A_156, %sub3A_163 : vector<16xi1>, vector<16xf32>
      %swap3A_165 = arith.index_cast %scan3A_145 : i32 to index
      %swap3A_166 = arith.constant 16 : index
      %swap3A_167 = tpu.vector_load %arg15[%swap3A_165, %swap3A_166] {strides = array<i32>} : memref<128x64xf32, #tpu.memory_space<vmem>>, vector<16xf32>,
      tpu.vector_store %arg15[%swap3A_165, %swap3A_166], %select_n3A_164 {strides = array<i32>} : memref<128x64xf32, #tpu.memory_space<vmem>>, vector<16xf32>,
      %get3A_168 = arith.index_cast %scan3A_145 : i32 to index
      %get3A_169 = arith.constant 32 : index
      %get3A_170 = tpu.vector_load %arg15[%get3A_168, %get3A_169] {strides = array<i32>} : memref<128x64xf32, #tpu.memory_space<vmem>>, vector<16xf32>,
      %gt3A_171 = arith.constant 0.000000e+00 : f32
      %gt3A_172 = vector.broadcast %gt3A_171 : f32 to vector<16xf32>
      %gt3A_173 = arith.cmpf ogt, %get3A_170, %gt3A_172 : vector<16xf32>
      %exp3A_174 = math.exp %get3A_170 : vector<16xf32>
      %sub3A_175 = arith.constant 1.000000e+00 : f32
      %sub3A_176 = vector.broadcast %sub3A_175 : f32 to vector<16xf32>
      %sub3A_177 = arith.subf %exp3A_174, %sub3A_176 : vector<16xf32>
      %select_n3A_178 = arith.select %gt3A_173, %get3A_170, %sub3A_177 : vector<16xi1>, vector<16xf32>
      %swap3A_179 = arith.index_cast %scan3A_145 : i32 to index
      %swap3A_180 = arith.constant 32 : index
      %swap3A_181 = tpu.vector_load %arg15[%swap3A_179, %swap3A_180] {strides = array<i32>} : memref<128x64xf32, #tpu.memory_space<vmem>>, vector<16xf32>,
      tpu.vector_store %arg15[%swap3A_179, %swap3A_180], %select_n3A_178 {strides = array<i32>} : memref<128x64xf32, #tpu.memory_space<vmem>>, vector<16xf32>,
      %get3A_182 = arith.index_cast %scan3A_145 : i32 to index
      %get3A_183 = arith.constant 48 : index
      %get3A_184 = tpu.vector_load %arg15[%get3A_182, %get3A_183] {strides = array<i32>} : memref<128x64xf32, #tpu.memory_space<vmem>>, vector<16xf32>,
      %gt3A_185 = arith.constant 0.000000e+00 : f32
      %gt3A_186 = vector.broadcast %gt3A_185 : f32 to vector<16xf32>
      %gt3A_187 = arith.cmpf ogt, %get3A_184, %gt3A_186 : vector<16xf32>
      %exp3A_188 = math.exp %get3A_184 : vector<16xf32>
      %sub3A_189 = arith.constant 1.000000e+00 : f32
      %sub3A_190 = vector.broadcast %sub3A_189 : f32 to vector<16xf32>
      %sub3A_191 = arith.subf %exp3A_188, %sub3A_190 : vector<16xf32>
      %select_n3A_192 = arith.select %gt3A_187, %get3A_184, %sub3A_191 : vector<16xi1>, vector<16xf32>
      %swap3A_193 = arith.index_cast %scan3A_145 : i32 to index
      %swap3A_194 = arith.constant 48 : index
      %swap3A_195 = tpu.vector_load %arg15[%swap3A_193, %swap3A_194] {strides = array<i32>} : memref<128x64xf32, #tpu.memory_space<vmem>>, vector<16xf32>,
      tpu.vector_store %arg15[%swap3A_193, %swap3A_194], %select_n3A_192 {strides = array<i32>} : memref<128x64xf32, #tpu.memory_space<vmem>>, vector<16xf32>,
    }
    %scan3A_57 = arith.constant 128 : i32
    %eq3A = arith.constant 0 : i32
    %eq3A_58 = arith.cmpi eq, %arg0, %eq3A : i32
    %convert_element_type3A = arith.extui %eq3A_58 : i1 to i32
    %cond3A = arith.constant 0 : i32
    %cond3A_59 = arith.cmpi ne, %convert_element_type3A, %cond3A : i32
    scf.if %cond3A_59 {
      "tpu.region"() ({
        %run_scoped3A = tpu.sem_alloc : memref<!tpu.dma_semaphore, #tpu.memory_space<semaphore_mem>>
        %dma_start3A = arith.constant 0 : i32
        %dma_start3A_145 = tpu.memref_slice %arg8[%add3A_51, %dma_start3A] : memref<10240x64xf32, #tpu.memory_space<hbm>> -> memref<128x64xf32, #tpu.memory_space<hbm>>
        %dma_start3A_146 = arith.constant 0 : i32
        %dma_start3A_147 = tpu.memref_slice %arg8[%add3A_51, %dma_start3A_146] : memref<10240x64xf32, #tpu.memory_space<hbm>> -> memref<128x64xf32, #tpu.memory_space<hbm>>
        tpu.enqueue_dma source(%arg15 : memref<128x64xf32, #tpu.memory_space<vmem>>) target(%dma_start3A_147 : memref<128x64xf32, #tpu.memory_space<hbm>>) target_semaphore(%run_scoped3A : memref<!tpu.dma_semaphore, #tpu.memory_space<semaphore_mem>>)
        %dma_wait3A = arith.constant 0 : i32
        %dma_wait3A_148 = tpu.memref_slice %arg8[%add3A_51, %dma_wait3A] : memref<10240x64xf32, #tpu.memory_space<hbm>> -> memref<128x64xf32, #tpu.memory_space<hbm>>
        %dma_wait3A_149 = arith.constant 0 : i32
        %dma_wait3A_150 = tpu.memref_slice %arg8[%add3A_51, %dma_wait3A_149] : memref<10240x64xf32, #tpu.memory_space<hbm>> -> memref<128x64xf32, #tpu.memory_space<hbm>>
        tpu.wait_dma2 semaphore(%run_scoped3A : memref<!tpu.dma_semaphore, #tpu.memory_space<semaphore_mem>>) src(%arg15 : memref<128x64xf32, #tpu.memory_space<vmem>>) dst(%dma_wait3A_150 : memref<128x64xf32, #tpu.memory_space<hbm>>)
        tpu.yield
      }) : () -> ()
    } else {
    }
    %eq3A_60 = arith.constant 1 : i32
    %eq3A_61 = arith.cmpi eq, %arg0, %eq3A_60 : i32
    %convert_element_type3A_62 = arith.extui %eq3A_61 : i1 to i32
    %cond3A_63 = arith.constant 0 : i32
    %cond3A_64 = arith.cmpi ne, %convert_element_type3A_62, %cond3A_63 : i32
    scf.if %cond3A_64 {
      "tpu.region"() ({
        %run_scoped3A = tpu.sem_alloc : memref<!tpu.dma_semaphore, #tpu.memory_space<semaphore_mem>>
        %dma_start3A = arith.constant 0 : i32
        %dma_start3A_145 = tpu.memref_slice %arg9[%add3A_51, %dma_start3A] : memref<10240x64xf32, #tpu.memory_space<hbm>> -> memref<128x64xf32, #tpu.memory_space<hbm>>
        %dma_start3A_146 = arith.constant 0 : i32
        %dma_start3A_147 = tpu.memref_slice %arg9[%add3A_51, %dma_start3A_146] : memref<10240x64xf32, #tpu.memory_space<hbm>> -> memref<128x64xf32, #tpu.memory_space<hbm>>
        tpu.enqueue_dma source(%arg15 : memref<128x64xf32, #tpu.memory_space<vmem>>) target(%dma_start3A_147 : memref<128x64xf32, #tpu.memory_space<hbm>>) target_semaphore(%run_scoped3A : memref<!tpu.dma_semaphore, #tpu.memory_space<semaphore_mem>>)
        %dma_wait3A = arith.constant 0 : i32
        %dma_wait3A_148 = tpu.memref_slice %arg9[%add3A_51, %dma_wait3A] : memref<10240x64xf32, #tpu.memory_space<hbm>> -> memref<128x64xf32, #tpu.memory_space<hbm>>
        %dma_wait3A_149 = arith.constant 0 : i32
        %dma_wait3A_150 = tpu.memref_slice %arg9[%add3A_51, %dma_wait3A_149] : memref<10240x64xf32, #tpu.memory_space<hbm>> -> memref<128x64xf32, #tpu.memory_space<hbm>>
        tpu.wait_dma2 semaphore(%run_scoped3A : memref<!tpu.dma_semaphore, #tpu.memory_space<semaphore_mem>>) src(%arg15 : memref<128x64xf32, #tpu.memory_space<vmem>>) dst(%dma_wait3A_150 : memref<128x64xf32, #tpu.memory_space<hbm>>)
        tpu.yield
      }) : () -> ()
    } else {
    }
    %mul3A_65 = arith.constant 640 : i32
    %mul3A_66 = arith.muli %arg1, %mul3A_65 : i32
    %add3A_67 = arith.constant 128 : i32
    %add3A_68 = arith.addi %mul3A_66, %add3A_67 : i32
    "tpu.region"() ({
      %run_scoped3A = tpu.sem_alloc : memref<!tpu.dma_semaphore, #tpu.memory_space<semaphore_mem>>
      %dma_start3A = arith.constant 0 : i32
      %dma_start3A_145 = tpu.memref_slice %arg18[%add3A_68, %dma_start3A] : memref<10240x64xf32, #tpu.memory_space<vmem_shared>> -> memref<128x64xf32, #tpu.memory_space<vmem_shared>>
      %dma_start3A_146 = arith.constant 0 : i32
      %dma_start3A_147 = tpu.memref_slice %arg18[%add3A_68, %dma_start3A_146] : memref<10240x64xf32, #tpu.memory_space<vmem_shared>> -> memref<128x64xf32, #tpu.memory_space<vmem_shared>>
      tpu.enqueue_dma source(%dma_start3A_147 : memref<128x64xf32, #tpu.memory_space<vmem_shared>>) target(%arg15 : memref<128x64xf32, #tpu.memory_space<vmem>>) target_semaphore(%run_scoped3A : memref<!tpu.dma_semaphore, #tpu.memory_space<semaphore_mem>>)
      %dma_wait3A = arith.constant 0 : i32
      %dma_wait3A_148 = tpu.memref_slice %arg18[%add3A_68, %dma_wait3A] : memref<10240x64xf32, #tpu.memory_space<vmem_shared>> -> memref<128x64xf32, #tpu.memory_space<vmem_shared>>
      %dma_wait3A_149 = arith.constant 0 : i32
      %dma_wait3A_150 = tpu.memref_slice %arg18[%add3A_68, %dma_wait3A_149] : memref<10240x64xf32, #tpu.memory_space<vmem_shared>> -> memref<128x64xf32, #tpu.memory_space<vmem_shared>>
      tpu.wait_dma2 semaphore(%run_scoped3A : memref<!tpu.dma_semaphore, #tpu.memory_space<semaphore_mem>>) src(%dma_wait3A_150 : memref<128x64xf32, #tpu.memory_space<vmem_shared>>) dst(%arg15 : memref<128x64xf32, #tpu.memory_space<vmem>>)
      tpu.yield
    }) : () -> ()
    %scan3A_69 = arith.constant 0 : i32
    %scan3A_70 = arith.constant 0 : i32
    %scan3A_71 = arith.constant 128 : i32
    %scan3A_72 = arith.addi %scan3A_70, %scan3A_71 : i32
    %scan3A_73 = arith.constant 1 : i32
    scf.for %scan3A_145 = %scan3A_70 to %scan3A_72 step %scan3A_73  : i32 {
      %get3A = arith.index_cast %scan3A_145 : i32 to index
      %get3A_146 = arith.constant 0 : index
      %get3A_147 = tpu.vector_load %arg15[%get3A, %get3A_146] {strides = array<i32>} : memref<128x64xf32, #tpu.memory_space<vmem>>, vector<16xf32>,
      %gt3A = arith.constant 0.000000e+00 : f32
      %gt3A_148 = vector.broadcast %gt3A : f32 to vector<16xf32>
      %gt3A_149 = arith.cmpf ogt, %get3A_147, %gt3A_148 : vector<16xf32>
      %exp3A = math.exp %get3A_147 : vector<16xf32>
      %sub3A = arith.constant 1.000000e+00 : f32
      %sub3A_150 = vector.broadcast %sub3A : f32 to vector<16xf32>
      %sub3A_151 = arith.subf %exp3A, %sub3A_150 : vector<16xf32>
      %select_n3A = arith.select %gt3A_149, %get3A_147, %sub3A_151 : vector<16xi1>, vector<16xf32>
      %swap3A = arith.index_cast %scan3A_145 : i32 to index
      %swap3A_152 = arith.constant 0 : index
      %swap3A_153 = tpu.vector_load %arg15[%swap3A, %swap3A_152] {strides = array<i32>} : memref<128x64xf32, #tpu.memory_space<vmem>>, vector<16xf32>,
      tpu.vector_store %arg15[%swap3A, %swap3A_152], %select_n3A {strides = array<i32>} : memref<128x64xf32, #tpu.memory_space<vmem>>, vector<16xf32>,
      %get3A_154 = arith.index_cast %scan3A_145 : i32 to index
      %get3A_155 = arith.constant 16 : index
      %get3A_156 = tpu.vector_load %arg15[%get3A_154, %get3A_155] {strides = array<i32>} : memref<128x64xf32, #tpu.memory_space<vmem>>, vector<16xf32>,
      %gt3A_157 = arith.constant 0.000000e+00 : f32
      %gt3A_158 = vector.broadcast %gt3A_157 : f32 to vector<16xf32>
      %gt3A_159 = arith.cmpf ogt, %get3A_156, %gt3A_158 : vector<16xf32>
      %exp3A_160 = math.exp %get3A_156 : vector<16xf32>
      %sub3A_161 = arith.constant 1.000000e+00 : f32
      %sub3A_162 = vector.broadcast %sub3A_161 : f32 to vector<16xf32>
      %sub3A_163 = arith.subf %exp3A_160, %sub3A_162 : vector<16xf32>
      %select_n3A_164 = arith.select %gt3A_159, %get3A_156, %sub3A_163 : vector<16xi1>, vector<16xf32>
      %swap3A_165 = arith.index_cast %scan3A_145 : i32 to index
      %swap3A_166 = arith.constant 16 : index
      %swap3A_167 = tpu.vector_load %arg15[%swap3A_165, %swap3A_166] {strides = array<i32>} : memref<128x64xf32, #tpu.memory_space<vmem>>, vector<16xf32>,
      tpu.vector_store %arg15[%swap3A_165, %swap3A_166], %select_n3A_164 {strides = array<i32>} : memref<128x64xf32, #tpu.memory_space<vmem>>, vector<16xf32>,
      %get3A_168 = arith.index_cast %scan3A_145 : i32 to index
      %get3A_169 = arith.constant 32 : index
      %get3A_170 = tpu.vector_load %arg15[%get3A_168, %get3A_169] {strides = array<i32>} : memref<128x64xf32, #tpu.memory_space<vmem>>, vector<16xf32>,
      %gt3A_171 = arith.constant 0.000000e+00 : f32
      %gt3A_172 = vector.broadcast %gt3A_171 : f32 to vector<16xf32>
      %gt3A_173 = arith.cmpf ogt, %get3A_170, %gt3A_172 : vector<16xf32>
      %exp3A_174 = math.exp %get3A_170 : vector<16xf32>
      %sub3A_175 = arith.constant 1.000000e+00 : f32
      %sub3A_176 = vector.broadcast %sub3A_175 : f32 to vector<16xf32>
      %sub3A_177 = arith.subf %exp3A_174, %sub3A_176 : vector<16xf32>
      %select_n3A_178 = arith.select %gt3A_173, %get3A_170, %sub3A_177 : vector<16xi1>, vector<16xf32>
      %swap3A_179 = arith.index_cast %scan3A_145 : i32 to index
      %swap3A_180 = arith.constant 32 : index
      %swap3A_181 = tpu.vector_load %arg15[%swap3A_179, %swap3A_180] {strides = array<i32>} : memref<128x64xf32, #tpu.memory_space<vmem>>, vector<16xf32>,
      tpu.vector_store %arg15[%swap3A_179, %swap3A_180], %select_n3A_178 {strides = array<i32>} : memref<128x64xf32, #tpu.memory_space<vmem>>, vector<16xf32>,
      %get3A_182 = arith.index_cast %scan3A_145 : i32 to index
      %get3A_183 = arith.constant 48 : index
      %get3A_184 = tpu.vector_load %arg15[%get3A_182, %get3A_183] {strides = array<i32>} : memref<128x64xf32, #tpu.memory_space<vmem>>, vector<16xf32>,
      %gt3A_185 = arith.constant 0.000000e+00 : f32
      %gt3A_186 = vector.broadcast %gt3A_185 : f32 to vector<16xf32>
      %gt3A_187 = arith.cmpf ogt, %get3A_184, %gt3A_186 : vector<16xf32>
      %exp3A_188 = math.exp %get3A_184 : vector<16xf32>
      %sub3A_189 = arith.constant 1.000000e+00 : f32
      %sub3A_190 = vector.broadcast %sub3A_189 : f32 to vector<16xf32>
      %sub3A_191 = arith.subf %exp3A_188, %sub3A_190 : vector<16xf32>
      %select_n3A_192 = arith.select %gt3A_187, %get3A_184, %sub3A_191 : vector<16xi1>, vector<16xf32>
      %swap3A_193 = arith.index_cast %scan3A_145 : i32 to index
      %swap3A_194 = arith.constant 48 : index
      %swap3A_195 = tpu.vector_load %arg15[%swap3A_193, %swap3A_194] {strides = array<i32>} : memref<128x64xf32, #tpu.memory_space<vmem>>, vector<16xf32>,
      tpu.vector_store %arg15[%swap3A_193, %swap3A_194], %select_n3A_192 {strides = array<i32>} : memref<128x64xf32, #tpu.memory_space<vmem>>, vector<16xf32>,
    }
    %scan3A_74 = arith.constant 128 : i32
    %eq3A_75 = arith.constant 0 : i32
    %eq3A_76 = arith.cmpi eq, %arg0, %eq3A_75 : i32
    %convert_element_type3A_77 = arith.extui %eq3A_76 : i1 to i32
    %cond3A_78 = arith.constant 0 : i32
    %cond3A_79 = arith.cmpi ne, %convert_element_type3A_77, %cond3A_78 : i32
    scf.if %cond3A_79 {
      "tpu.region"() ({
        %run_scoped3A = tpu.sem_alloc : memref<!tpu.dma_semaphore, #tpu.memory_space<semaphore_mem>>
        %dma_start3A = arith.constant 0 : i32
        %dma_start3A_145 = tpu.memref_slice %arg8[%add3A_68, %dma_start3A] : memref<10240x64xf32, #tpu.memory_space<hbm>> -> memref<128x64xf32, #tpu.memory_space<hbm>>
        %dma_start3A_146 = arith.constant 0 : i32
        %dma_start3A_147 = tpu.memref_slice %arg8[%add3A_68, %dma_start3A_146] : memref<10240x64xf32, #tpu.memory_space<hbm>> -> memref<128x64xf32, #tpu.memory_space<hbm>>
        tpu.enqueue_dma source(%arg15 : memref<128x64xf32, #tpu.memory_space<vmem>>) target(%dma_start3A_147 : memref<128x64xf32, #tpu.memory_space<hbm>>) target_semaphore(%run_scoped3A : memref<!tpu.dma_semaphore, #tpu.memory_space<semaphore_mem>>)
        %dma_wait3A = arith.constant 0 : i32
        %dma_wait3A_148 = tpu.memref_slice %arg8[%add3A_68, %dma_wait3A] : memref<10240x64xf32, #tpu.memory_space<hbm>> -> memref<128x64xf32, #tpu.memory_space<hbm>>
        %dma_wait3A_149 = arith.constant 0 : i32
        %dma_wait3A_150 = tpu.memref_slice %arg8[%add3A_68, %dma_wait3A_149] : memref<10240x64xf32, #tpu.memory_space<hbm>> -> memref<128x64xf32, #tpu.memory_space<hbm>>
        tpu.wait_dma2 semaphore(%run_scoped3A : memref<!tpu.dma_semaphore, #tpu.memory_space<semaphore_mem>>) src(%arg15 : memref<128x64xf32, #tpu.memory_space<vmem>>) dst(%dma_wait3A_150 : memref<128x64xf32, #tpu.memory_space<hbm>>)
        tpu.yield
      }) : () -> ()
    } else {
    }
    %eq3A_80 = arith.constant 1 : i32
    %eq3A_81 = arith.cmpi eq, %arg0, %eq3A_80 : i32
    %convert_element_type3A_82 = arith.extui %eq3A_81 : i1 to i32
    %cond3A_83 = arith.constant 0 : i32
    %cond3A_84 = arith.cmpi ne, %convert_element_type3A_82, %cond3A_83 : i32
    scf.if %cond3A_84 {
      "tpu.region"() ({
        %run_scoped3A = tpu.sem_alloc : memref<!tpu.dma_semaphore, #tpu.memory_space<semaphore_mem>>
        %dma_start3A = arith.constant 0 : i32
        %dma_start3A_145 = tpu.memref_slice %arg9[%add3A_68, %dma_start3A] : memref<10240x64xf32, #tpu.memory_space<hbm>> -> memref<128x64xf32, #tpu.memory_space<hbm>>
        %dma_start3A_146 = arith.constant 0 : i32
        %dma_start3A_147 = tpu.memref_slice %arg9[%add3A_68, %dma_start3A_146] : memref<10240x64xf32, #tpu.memory_space<hbm>> -> memref<128x64xf32, #tpu.memory_space<hbm>>
        tpu.enqueue_dma source(%arg15 : memref<128x64xf32, #tpu.memory_space<vmem>>) target(%dma_start3A_147 : memref<128x64xf32, #tpu.memory_space<hbm>>) target_semaphore(%run_scoped3A : memref<!tpu.dma_semaphore, #tpu.memory_space<semaphore_mem>>)
        %dma_wait3A = arith.constant 0 : i32
        %dma_wait3A_148 = tpu.memref_slice %arg9[%add3A_68, %dma_wait3A] : memref<10240x64xf32, #tpu.memory_space<hbm>> -> memref<128x64xf32, #tpu.memory_space<hbm>>
        %dma_wait3A_149 = arith.constant 0 : i32
        %dma_wait3A_150 = tpu.memref_slice %arg9[%add3A_68, %dma_wait3A_149] : memref<10240x64xf32, #tpu.memory_space<hbm>> -> memref<128x64xf32, #tpu.memory_space<hbm>>
        tpu.wait_dma2 semaphore(%run_scoped3A : memref<!tpu.dma_semaphore, #tpu.memory_space<semaphore_mem>>) src(%arg15 : memref<128x64xf32, #tpu.memory_space<vmem>>) dst(%dma_wait3A_150 : memref<128x64xf32, #tpu.memory_space<hbm>>)
        tpu.yield
      }) : () -> ()
    } else {
    }
    %mul3A_85 = arith.constant 640 : i32
    %mul3A_86 = arith.muli %arg1, %mul3A_85 : i32
    %add3A_87 = arith.constant 256 : i32
    %add3A_88 = arith.addi %mul3A_86, %add3A_87 : i32
    "tpu.region"() ({
      %run_scoped3A = tpu.sem_alloc : memref<!tpu.dma_semaphore, #tpu.memory_space<semaphore_mem>>
      %dma_start3A = arith.constant 0 : i32
      %dma_start3A_145 = tpu.memref_slice %arg18[%add3A_88, %dma_start3A] : memref<10240x64xf32, #tpu.memory_space<vmem_shared>> -> memref<128x64xf32, #tpu.memory_space<vmem_shared>>
      %dma_start3A_146 = arith.constant 0 : i32
      %dma_start3A_147 = tpu.memref_slice %arg18[%add3A_88, %dma_start3A_146] : memref<10240x64xf32, #tpu.memory_space<vmem_shared>> -> memref<128x64xf32, #tpu.memory_space<vmem_shared>>
      tpu.enqueue_dma source(%dma_start3A_147 : memref<128x64xf32, #tpu.memory_space<vmem_shared>>) target(%arg15 : memref<128x64xf32, #tpu.memory_space<vmem>>) target_semaphore(%run_scoped3A : memref<!tpu.dma_semaphore, #tpu.memory_space<semaphore_mem>>)
      %dma_wait3A = arith.constant 0 : i32
      %dma_wait3A_148 = tpu.memref_slice %arg18[%add3A_88, %dma_wait3A] : memref<10240x64xf32, #tpu.memory_space<vmem_shared>> -> memref<128x64xf32, #tpu.memory_space<vmem_shared>>
      %dma_wait3A_149 = arith.constant 0 : i32
      %dma_wait3A_150 = tpu.memref_slice %arg18[%add3A_88, %dma_wait3A_149] : memref<10240x64xf32, #tpu.memory_space<vmem_shared>> -> memref<128x64xf32, #tpu.memory_space<vmem_shared>>
      tpu.wait_dma2 semaphore(%run_scoped3A : memref<!tpu.dma_semaphore, #tpu.memory_space<semaphore_mem>>) src(%dma_wait3A_150 : memref<128x64xf32, #tpu.memory_space<vmem_shared>>) dst(%arg15 : memref<128x64xf32, #tpu.memory_space<vmem>>)
      tpu.yield
    }) : () -> ()
    %scan3A_89 = arith.constant 0 : i32
    %scan3A_90 = arith.constant 0 : i32
    %scan3A_91 = arith.constant 128 : i32
    %scan3A_92 = arith.addi %scan3A_90, %scan3A_91 : i32
    %scan3A_93 = arith.constant 1 : i32
    scf.for %scan3A_145 = %scan3A_90 to %scan3A_92 step %scan3A_93  : i32 {
      %get3A = arith.index_cast %scan3A_145 : i32 to index
      %get3A_146 = arith.constant 0 : index
      %get3A_147 = tpu.vector_load %arg15[%get3A, %get3A_146] {strides = array<i32>} : memref<128x64xf32, #tpu.memory_space<vmem>>, vector<16xf32>,
      %gt3A = arith.constant 0.000000e+00 : f32
      %gt3A_148 = vector.broadcast %gt3A : f32 to vector<16xf32>
      %gt3A_149 = arith.cmpf ogt, %get3A_147, %gt3A_148 : vector<16xf32>
      %exp3A = math.exp %get3A_147 : vector<16xf32>
      %sub3A = arith.constant 1.000000e+00 : f32
      %sub3A_150 = vector.broadcast %sub3A : f32 to vector<16xf32>
      %sub3A_151 = arith.subf %exp3A, %sub3A_150 : vector<16xf32>
      %select_n3A = arith.select %gt3A_149, %get3A_147, %sub3A_151 : vector<16xi1>, vector<16xf32>
      %swap3A = arith.index_cast %scan3A_145 : i32 to index
      %swap3A_152 = arith.constant 0 : index
      %swap3A_153 = tpu.vector_load %arg15[%swap3A, %swap3A_152] {strides = array<i32>} : memref<128x64xf32, #tpu.memory_space<vmem>>, vector<16xf32>,
      tpu.vector_store %arg15[%swap3A, %swap3A_152], %select_n3A {strides = array<i32>} : memref<128x64xf32, #tpu.memory_space<vmem>>, vector<16xf32>,
      %get3A_154 = arith.index_cast %scan3A_145 : i32 to index
      %get3A_155 = arith.constant 16 : index
      %get3A_156 = tpu.vector_load %arg15[%get3A_154, %get3A_155] {strides = array<i32>} : memref<128x64xf32, #tpu.memory_space<vmem>>, vector<16xf32>,
      %gt3A_157 = arith.constant 0.000000e+00 : f32
      %gt3A_158 = vector.broadcast %gt3A_157 : f32 to vector<16xf32>
      %gt3A_159 = arith.cmpf ogt, %get3A_156, %gt3A_158 : vector<16xf32>
      %exp3A_160 = math.exp %get3A_156 : vector<16xf32>
      %sub3A_161 = arith.constant 1.000000e+00 : f32
      %sub3A_162 = vector.broadcast %sub3A_161 : f32 to vector<16xf32>
      %sub3A_163 = arith.subf %exp3A_160, %sub3A_162 : vector<16xf32>
      %select_n3A_164 = arith.select %gt3A_159, %get3A_156, %sub3A_163 : vector<16xi1>, vector<16xf32>
      %swap3A_165 = arith.index_cast %scan3A_145 : i32 to index
      %swap3A_166 = arith.constant 16 : index
      %swap3A_167 = tpu.vector_load %arg15[%swap3A_165, %swap3A_166] {strides = array<i32>} : memref<128x64xf32, #tpu.memory_space<vmem>>, vector<16xf32>,
      tpu.vector_store %arg15[%swap3A_165, %swap3A_166], %select_n3A_164 {strides = array<i32>} : memref<128x64xf32, #tpu.memory_space<vmem>>, vector<16xf32>,
      %get3A_168 = arith.index_cast %scan3A_145 : i32 to index
      %get3A_169 = arith.constant 32 : index
      %get3A_170 = tpu.vector_load %arg15[%get3A_168, %get3A_169] {strides = array<i32>} : memref<128x64xf32, #tpu.memory_space<vmem>>, vector<16xf32>,
      %gt3A_171 = arith.constant 0.000000e+00 : f32
      %gt3A_172 = vector.broadcast %gt3A_171 : f32 to vector<16xf32>
      %gt3A_173 = arith.cmpf ogt, %get3A_170, %gt3A_172 : vector<16xf32>
      %exp3A_174 = math.exp %get3A_170 : vector<16xf32>
      %sub3A_175 = arith.constant 1.000000e+00 : f32
      %sub3A_176 = vector.broadcast %sub3A_175 : f32 to vector<16xf32>
      %sub3A_177 = arith.subf %exp3A_174, %sub3A_176 : vector<16xf32>
      %select_n3A_178 = arith.select %gt3A_173, %get3A_170, %sub3A_177 : vector<16xi1>, vector<16xf32>
      %swap3A_179 = arith.index_cast %scan3A_145 : i32 to index
      %swap3A_180 = arith.constant 32 : index
      %swap3A_181 = tpu.vector_load %arg15[%swap3A_179, %swap3A_180] {strides = array<i32>} : memref<128x64xf32, #tpu.memory_space<vmem>>, vector<16xf32>,
      tpu.vector_store %arg15[%swap3A_179, %swap3A_180], %select_n3A_178 {strides = array<i32>} : memref<128x64xf32, #tpu.memory_space<vmem>>, vector<16xf32>,
      %get3A_182 = arith.index_cast %scan3A_145 : i32 to index
      %get3A_183 = arith.constant 48 : index
      %get3A_184 = tpu.vector_load %arg15[%get3A_182, %get3A_183] {strides = array<i32>} : memref<128x64xf32, #tpu.memory_space<vmem>>, vector<16xf32>,
      %gt3A_185 = arith.constant 0.000000e+00 : f32
      %gt3A_186 = vector.broadcast %gt3A_185 : f32 to vector<16xf32>
      %gt3A_187 = arith.cmpf ogt, %get3A_184, %gt3A_186 : vector<16xf32>
      %exp3A_188 = math.exp %get3A_184 : vector<16xf32>
      %sub3A_189 = arith.constant 1.000000e+00 : f32
      %sub3A_190 = vector.broadcast %sub3A_189 : f32 to vector<16xf32>
      %sub3A_191 = arith.subf %exp3A_188, %sub3A_190 : vector<16xf32>
      %select_n3A_192 = arith.select %gt3A_187, %get3A_184, %sub3A_191 : vector<16xi1>, vector<16xf32>
      %swap3A_193 = arith.index_cast %scan3A_145 : i32 to index
      %swap3A_194 = arith.constant 48 : index
      %swap3A_195 = tpu.vector_load %arg15[%swap3A_193, %swap3A_194] {strides = array<i32>} : memref<128x64xf32, #tpu.memory_space<vmem>>, vector<16xf32>,
      tpu.vector_store %arg15[%swap3A_193, %swap3A_194], %select_n3A_192 {strides = array<i32>} : memref<128x64xf32, #tpu.memory_space<vmem>>, vector<16xf32>,
    }
    %scan3A_94 = arith.constant 128 : i32
    %eq3A_95 = arith.constant 0 : i32
    %eq3A_96 = arith.cmpi eq, %arg0, %eq3A_95 : i32
    %convert_element_type3A_97 = arith.extui %eq3A_96 : i1 to i32
    %cond3A_98 = arith.constant 0 : i32
    %cond3A_99 = arith.cmpi ne, %convert_element_type3A_97, %cond3A_98 : i32
    scf.if %cond3A_99 {
      "tpu.region"() ({
        %run_scoped3A = tpu.sem_alloc : memref<!tpu.dma_semaphore, #tpu.memory_space<semaphore_mem>>
        %dma_start3A = arith.constant 0 : i32
        %dma_start3A_145 = tpu.memref_slice %arg8[%add3A_88, %dma_start3A] : memref<10240x64xf32, #tpu.memory_space<hbm>> -> memref<128x64xf32, #tpu.memory_space<hbm>>
        %dma_start3A_146 = arith.constant 0 : i32
        %dma_start3A_147 = tpu.memref_slice %arg8[%add3A_88, %dma_start3A_146] : memref<10240x64xf32, #tpu.memory_space<hbm>> -> memref<128x64xf32, #tpu.memory_space<hbm>>
        tpu.enqueue_dma source(%arg15 : memref<128x64xf32, #tpu.memory_space<vmem>>) target(%dma_start3A_147 : memref<128x64xf32, #tpu.memory_space<hbm>>) target_semaphore(%run_scoped3A : memref<!tpu.dma_semaphore, #tpu.memory_space<semaphore_mem>>)
        %dma_wait3A = arith.constant 0 : i32
        %dma_wait3A_148 = tpu.memref_slice %arg8[%add3A_88, %dma_wait3A] : memref<10240x64xf32, #tpu.memory_space<hbm>> -> memref<128x64xf32, #tpu.memory_space<hbm>>
        %dma_wait3A_149 = arith.constant 0 : i32
        %dma_wait3A_150 = tpu.memref_slice %arg8[%add3A_88, %dma_wait3A_149] : memref<10240x64xf32, #tpu.memory_space<hbm>> -> memref<128x64xf32, #tpu.memory_space<hbm>>
        tpu.wait_dma2 semaphore(%run_scoped3A : memref<!tpu.dma_semaphore, #tpu.memory_space<semaphore_mem>>) src(%arg15 : memref<128x64xf32, #tpu.memory_space<vmem>>) dst(%dma_wait3A_150 : memref<128x64xf32, #tpu.memory_space<hbm>>)
        tpu.yield
      }) : () -> ()
    } else {
    }
    %eq3A_100 = arith.constant 1 : i32
    %eq3A_101 = arith.cmpi eq, %arg0, %eq3A_100 : i32
    %convert_element_type3A_102 = arith.extui %eq3A_101 : i1 to i32
    %cond3A_103 = arith.constant 0 : i32
    %cond3A_104 = arith.cmpi ne, %convert_element_type3A_102, %cond3A_103 : i32
    scf.if %cond3A_104 {
      "tpu.region"() ({
        %run_scoped3A = tpu.sem_alloc : memref<!tpu.dma_semaphore, #tpu.memory_space<semaphore_mem>>
        %dma_start3A = arith.constant 0 : i32
        %dma_start3A_145 = tpu.memref_slice %arg9[%add3A_88, %dma_start3A] : memref<10240x64xf32, #tpu.memory_space<hbm>> -> memref<128x64xf32, #tpu.memory_space<hbm>>
        %dma_start3A_146 = arith.constant 0 : i32
        %dma_start3A_147 = tpu.memref_slice %arg9[%add3A_88, %dma_start3A_146] : memref<10240x64xf32, #tpu.memory_space<hbm>> -> memref<128x64xf32, #tpu.memory_space<hbm>>
        tpu.enqueue_dma source(%arg15 : memref<128x64xf32, #tpu.memory_space<vmem>>) target(%dma_start3A_147 : memref<128x64xf32, #tpu.memory_space<hbm>>) target_semaphore(%run_scoped3A : memref<!tpu.dma_semaphore, #tpu.memory_space<semaphore_mem>>)
        %dma_wait3A = arith.constant 0 : i32
        %dma_wait3A_148 = tpu.memref_slice %arg9[%add3A_88, %dma_wait3A] : memref<10240x64xf32, #tpu.memory_space<hbm>> -> memref<128x64xf32, #tpu.memory_space<hbm>>
        %dma_wait3A_149 = arith.constant 0 : i32
        %dma_wait3A_150 = tpu.memref_slice %arg9[%add3A_88, %dma_wait3A_149] : memref<10240x64xf32, #tpu.memory_space<hbm>> -> memref<128x64xf32, #tpu.memory_space<hbm>>
        tpu.wait_dma2 semaphore(%run_scoped3A : memref<!tpu.dma_semaphore, #tpu.memory_space<semaphore_mem>>) src(%arg15 : memref<128x64xf32, #tpu.memory_space<vmem>>) dst(%dma_wait3A_150 : memref<128x64xf32, #tpu.memory_space<hbm>>)
        tpu.yield
      }) : () -> ()
    } else {
    }
    %mul3A_105 = arith.constant 640 : i32
    %mul3A_106 = arith.muli %arg1, %mul3A_105 : i32
    %add3A_107 = arith.constant 384 : i32
    %add3A_108 = arith.addi %mul3A_106, %add3A_107 : i32
    "tpu.region"() ({
      %run_scoped3A = tpu.sem_alloc : memref<!tpu.dma_semaphore, #tpu.memory_space<semaphore_mem>>
      %dma_start3A = arith.constant 0 : i32
      %dma_start3A_145 = tpu.memref_slice %arg18[%add3A_108, %dma_start3A] : memref<10240x64xf32, #tpu.memory_space<vmem_shared>> -> memref<128x64xf32, #tpu.memory_space<vmem_shared>>
      %dma_start3A_146 = arith.constant 0 : i32
      %dma_start3A_147 = tpu.memref_slice %arg18[%add3A_108, %dma_start3A_146] : memref<10240x64xf32, #tpu.memory_space<vmem_shared>> -> memref<128x64xf32, #tpu.memory_space<vmem_shared>>
      tpu.enqueue_dma source(%dma_start3A_147 : memref<128x64xf32, #tpu.memory_space<vmem_shared>>) target(%arg15 : memref<128x64xf32, #tpu.memory_space<vmem>>) target_semaphore(%run_scoped3A : memref<!tpu.dma_semaphore, #tpu.memory_space<semaphore_mem>>)
      %dma_wait3A = arith.constant 0 : i32
      %dma_wait3A_148 = tpu.memref_slice %arg18[%add3A_108, %dma_wait3A] : memref<10240x64xf32, #tpu.memory_space<vmem_shared>> -> memref<128x64xf32, #tpu.memory_space<vmem_shared>>
      %dma_wait3A_149 = arith.constant 0 : i32
      %dma_wait3A_150 = tpu.memref_slice %arg18[%add3A_108, %dma_wait3A_149] : memref<10240x64xf32, #tpu.memory_space<vmem_shared>> -> memref<128x64xf32, #tpu.memory_space<vmem_shared>>
      tpu.wait_dma2 semaphore(%run_scoped3A : memref<!tpu.dma_semaphore, #tpu.memory_space<semaphore_mem>>) src(%dma_wait3A_150 : memref<128x64xf32, #tpu.memory_space<vmem_shared>>) dst(%arg15 : memref<128x64xf32, #tpu.memory_space<vmem>>)
      tpu.yield
    }) : () -> ()
    %scan3A_109 = arith.constant 0 : i32
    %scan3A_110 = arith.constant 0 : i32
    %scan3A_111 = arith.constant 128 : i32
    %scan3A_112 = arith.addi %scan3A_110, %scan3A_111 : i32
    %scan3A_113 = arith.constant 1 : i32
    scf.for %scan3A_145 = %scan3A_110 to %scan3A_112 step %scan3A_113  : i32 {
      %get3A = arith.index_cast %scan3A_145 : i32 to index
      %get3A_146 = arith.constant 0 : index
      %get3A_147 = tpu.vector_load %arg15[%get3A, %get3A_146] {strides = array<i32>} : memref<128x64xf32, #tpu.memory_space<vmem>>, vector<16xf32>,
      %gt3A = arith.constant 0.000000e+00 : f32
      %gt3A_148 = vector.broadcast %gt3A : f32 to vector<16xf32>
      %gt3A_149 = arith.cmpf ogt, %get3A_147, %gt3A_148 : vector<16xf32>
      %exp3A = math.exp %get3A_147 : vector<16xf32>
      %sub3A = arith.constant 1.000000e+00 : f32
      %sub3A_150 = vector.broadcast %sub3A : f32 to vector<16xf32>
      %sub3A_151 = arith.subf %exp3A, %sub3A_150 : vector<16xf32>
      %select_n3A = arith.select %gt3A_149, %get3A_147, %sub3A_151 : vector<16xi1>, vector<16xf32>
      %swap3A = arith.index_cast %scan3A_145 : i32 to index
      %swap3A_152 = arith.constant 0 : index
      %swap3A_153 = tpu.vector_load %arg15[%swap3A, %swap3A_152] {strides = array<i32>} : memref<128x64xf32, #tpu.memory_space<vmem>>, vector<16xf32>,
      tpu.vector_store %arg15[%swap3A, %swap3A_152], %select_n3A {strides = array<i32>} : memref<128x64xf32, #tpu.memory_space<vmem>>, vector<16xf32>,
      %get3A_154 = arith.index_cast %scan3A_145 : i32 to index
      %get3A_155 = arith.constant 16 : index
      %get3A_156 = tpu.vector_load %arg15[%get3A_154, %get3A_155] {strides = array<i32>} : memref<128x64xf32, #tpu.memory_space<vmem>>, vector<16xf32>,
      %gt3A_157 = arith.constant 0.000000e+00 : f32
      %gt3A_158 = vector.broadcast %gt3A_157 : f32 to vector<16xf32>
      %gt3A_159 = arith.cmpf ogt, %get3A_156, %gt3A_158 : vector<16xf32>
      %exp3A_160 = math.exp %get3A_156 : vector<16xf32>
      %sub3A_161 = arith.constant 1.000000e+00 : f32
      %sub3A_162 = vector.broadcast %sub3A_161 : f32 to vector<16xf32>
      %sub3A_163 = arith.subf %exp3A_160, %sub3A_162 : vector<16xf32>
      %select_n3A_164 = arith.select %gt3A_159, %get3A_156, %sub3A_163 : vector<16xi1>, vector<16xf32>
      %swap3A_165 = arith.index_cast %scan3A_145 : i32 to index
      %swap3A_166 = arith.constant 16 : index
      %swap3A_167 = tpu.vector_load %arg15[%swap3A_165, %swap3A_166] {strides = array<i32>} : memref<128x64xf32, #tpu.memory_space<vmem>>, vector<16xf32>,
      tpu.vector_store %arg15[%swap3A_165, %swap3A_166], %select_n3A_164 {strides = array<i32>} : memref<128x64xf32, #tpu.memory_space<vmem>>, vector<16xf32>,
      %get3A_168 = arith.index_cast %scan3A_145 : i32 to index
      %get3A_169 = arith.constant 32 : index
      %get3A_170 = tpu.vector_load %arg15[%get3A_168, %get3A_169] {strides = array<i32>} : memref<128x64xf32, #tpu.memory_space<vmem>>, vector<16xf32>,
      %gt3A_171 = arith.constant 0.000000e+00 : f32
      %gt3A_172 = vector.broadcast %gt3A_171 : f32 to vector<16xf32>
      %gt3A_173 = arith.cmpf ogt, %get3A_170, %gt3A_172 : vector<16xf32>
      %exp3A_174 = math.exp %get3A_170 : vector<16xf32>
      %sub3A_175 = arith.constant 1.000000e+00 : f32
      %sub3A_176 = vector.broadcast %sub3A_175 : f32 to vector<16xf32>
      %sub3A_177 = arith.subf %exp3A_174, %sub3A_176 : vector<16xf32>
      %select_n3A_178 = arith.select %gt3A_173, %get3A_170, %sub3A_177 : vector<16xi1>, vector<16xf32>
      %swap3A_179 = arith.index_cast %scan3A_145 : i32 to index
      %swap3A_180 = arith.constant 32 : index
      %swap3A_181 = tpu.vector_load %arg15[%swap3A_179, %swap3A_180] {strides = array<i32>} : memref<128x64xf32, #tpu.memory_space<vmem>>, vector<16xf32>,
      tpu.vector_store %arg15[%swap3A_179, %swap3A_180], %select_n3A_178 {strides = array<i32>} : memref<128x64xf32, #tpu.memory_space<vmem>>, vector<16xf32>,
      %get3A_182 = arith.index_cast %scan3A_145 : i32 to index
      %get3A_183 = arith.constant 48 : index
      %get3A_184 = tpu.vector_load %arg15[%get3A_182, %get3A_183] {strides = array<i32>} : memref<128x64xf32, #tpu.memory_space<vmem>>, vector<16xf32>,
      %gt3A_185 = arith.constant 0.000000e+00 : f32
      %gt3A_186 = vector.broadcast %gt3A_185 : f32 to vector<16xf32>
      %gt3A_187 = arith.cmpf ogt, %get3A_184, %gt3A_186 : vector<16xf32>
      %exp3A_188 = math.exp %get3A_184 : vector<16xf32>
      %sub3A_189 = arith.constant 1.000000e+00 : f32
      %sub3A_190 = vector.broadcast %sub3A_189 : f32 to vector<16xf32>
      %sub3A_191 = arith.subf %exp3A_188, %sub3A_190 : vector<16xf32>
      %select_n3A_192 = arith.select %gt3A_187, %get3A_184, %sub3A_191 : vector<16xi1>, vector<16xf32>
      %swap3A_193 = arith.index_cast %scan3A_145 : i32 to index
      %swap3A_194 = arith.constant 48 : index
      %swap3A_195 = tpu.vector_load %arg15[%swap3A_193, %swap3A_194] {strides = array<i32>} : memref<128x64xf32, #tpu.memory_space<vmem>>, vector<16xf32>,
      tpu.vector_store %arg15[%swap3A_193, %swap3A_194], %select_n3A_192 {strides = array<i32>} : memref<128x64xf32, #tpu.memory_space<vmem>>, vector<16xf32>,
    }
    %scan3A_114 = arith.constant 128 : i32
    %eq3A_115 = arith.constant 0 : i32
    %eq3A_116 = arith.cmpi eq, %arg0, %eq3A_115 : i32
    %convert_element_type3A_117 = arith.extui %eq3A_116 : i1 to i32
    %cond3A_118 = arith.constant 0 : i32
    %cond3A_119 = arith.cmpi ne, %convert_element_type3A_117, %cond3A_118 : i32
    scf.if %cond3A_119 {
      "tpu.region"() ({
        %run_scoped3A = tpu.sem_alloc : memref<!tpu.dma_semaphore, #tpu.memory_space<semaphore_mem>>
        %dma_start3A = arith.constant 0 : i32
        %dma_start3A_145 = tpu.memref_slice %arg8[%add3A_108, %dma_start3A] : memref<10240x64xf32, #tpu.memory_space<hbm>> -> memref<128x64xf32, #tpu.memory_space<hbm>>
        %dma_start3A_146 = arith.constant 0 : i32
        %dma_start3A_147 = tpu.memref_slice %arg8[%add3A_108, %dma_start3A_146] : memref<10240x64xf32, #tpu.memory_space<hbm>> -> memref<128x64xf32, #tpu.memory_space<hbm>>
        tpu.enqueue_dma source(%arg15 : memref<128x64xf32, #tpu.memory_space<vmem>>) target(%dma_start3A_147 : memref<128x64xf32, #tpu.memory_space<hbm>>) target_semaphore(%run_scoped3A : memref<!tpu.dma_semaphore, #tpu.memory_space<semaphore_mem>>)
        %dma_wait3A = arith.constant 0 : i32
        %dma_wait3A_148 = tpu.memref_slice %arg8[%add3A_108, %dma_wait3A] : memref<10240x64xf32, #tpu.memory_space<hbm>> -> memref<128x64xf32, #tpu.memory_space<hbm>>
        %dma_wait3A_149 = arith.constant 0 : i32
        %dma_wait3A_150 = tpu.memref_slice %arg8[%add3A_108, %dma_wait3A_149] : memref<10240x64xf32, #tpu.memory_space<hbm>> -> memref<128x64xf32, #tpu.memory_space<hbm>>
        tpu.wait_dma2 semaphore(%run_scoped3A : memref<!tpu.dma_semaphore, #tpu.memory_space<semaphore_mem>>) src(%arg15 : memref<128x64xf32, #tpu.memory_space<vmem>>) dst(%dma_wait3A_150 : memref<128x64xf32, #tpu.memory_space<hbm>>)
        tpu.yield
      }) : () -> ()
    } else {
    }
    %eq3A_120 = arith.constant 1 : i32
    %eq3A_121 = arith.cmpi eq, %arg0, %eq3A_120 : i32
    %convert_element_type3A_122 = arith.extui %eq3A_121 : i1 to i32
    %cond3A_123 = arith.constant 0 : i32
    %cond3A_124 = arith.cmpi ne, %convert_element_type3A_122, %cond3A_123 : i32
    scf.if %cond3A_124 {
      "tpu.region"() ({
        %run_scoped3A = tpu.sem_alloc : memref<!tpu.dma_semaphore, #tpu.memory_space<semaphore_mem>>
        %dma_start3A = arith.constant 0 : i32
        %dma_start3A_145 = tpu.memref_slice %arg9[%add3A_108, %dma_start3A] : memref<10240x64xf32, #tpu.memory_space<hbm>> -> memref<128x64xf32, #tpu.memory_space<hbm>>
        %dma_start3A_146 = arith.constant 0 : i32
        %dma_start3A_147 = tpu.memref_slice %arg9[%add3A_108, %dma_start3A_146] : memref<10240x64xf32, #tpu.memory_space<hbm>> -> memref<128x64xf32, #tpu.memory_space<hbm>>
        tpu.enqueue_dma source(%arg15 : memref<128x64xf32, #tpu.memory_space<vmem>>) target(%dma_start3A_147 : memref<128x64xf32, #tpu.memory_space<hbm>>) target_semaphore(%run_scoped3A : memref<!tpu.dma_semaphore, #tpu.memory_space<semaphore_mem>>)
        %dma_wait3A = arith.constant 0 : i32
        %dma_wait3A_148 = tpu.memref_slice %arg9[%add3A_108, %dma_wait3A] : memref<10240x64xf32, #tpu.memory_space<hbm>> -> memref<128x64xf32, #tpu.memory_space<hbm>>
        %dma_wait3A_149 = arith.constant 0 : i32
        %dma_wait3A_150 = tpu.memref_slice %arg9[%add3A_108, %dma_wait3A_149] : memref<10240x64xf32, #tpu.memory_space<hbm>> -> memref<128x64xf32, #tpu.memory_space<hbm>>
        tpu.wait_dma2 semaphore(%run_scoped3A : memref<!tpu.dma_semaphore, #tpu.memory_space<semaphore_mem>>) src(%arg15 : memref<128x64xf32, #tpu.memory_space<vmem>>) dst(%dma_wait3A_150 : memref<128x64xf32, #tpu.memory_space<hbm>>)
        tpu.yield
      }) : () -> ()
    } else {
    }
    %mul3A_125 = arith.constant 640 : i32
    %mul3A_126 = arith.muli %arg1, %mul3A_125 : i32
    %add3A_127 = arith.constant 512 : i32
    %add3A_128 = arith.addi %mul3A_126, %add3A_127 : i32
    "tpu.region"() ({
      %run_scoped3A = tpu.sem_alloc : memref<!tpu.dma_semaphore, #tpu.memory_space<semaphore_mem>>
      %dma_start3A = arith.constant 0 : i32
      %dma_start3A_145 = tpu.memref_slice %arg18[%add3A_128, %dma_start3A] : memref<10240x64xf32, #tpu.memory_space<vmem_shared>> -> memref<128x64xf32, #tpu.memory_space<vmem_shared>>
      %dma_start3A_146 = arith.constant 0 : i32
      %dma_start3A_147 = tpu.memref_slice %arg18[%add3A_128, %dma_start3A_146] : memref<10240x64xf32, #tpu.memory_space<vmem_shared>> -> memref<128x64xf32, #tpu.memory_space<vmem_shared>>
      tpu.enqueue_dma source(%dma_start3A_147 : memref<128x64xf32, #tpu.memory_space<vmem_shared>>) target(%arg15 : memref<128x64xf32, #tpu.memory_space<vmem>>) target_semaphore(%run_scoped3A : memref<!tpu.dma_semaphore, #tpu.memory_space<semaphore_mem>>)
      %dma_wait3A = arith.constant 0 : i32
      %dma_wait3A_148 = tpu.memref_slice %arg18[%add3A_128, %dma_wait3A] : memref<10240x64xf32, #tpu.memory_space<vmem_shared>> -> memref<128x64xf32, #tpu.memory_space<vmem_shared>>
      %dma_wait3A_149 = arith.constant 0 : i32
      %dma_wait3A_150 = tpu.memref_slice %arg18[%add3A_128, %dma_wait3A_149] : memref<10240x64xf32, #tpu.memory_space<vmem_shared>> -> memref<128x64xf32, #tpu.memory_space<vmem_shared>>
      tpu.wait_dma2 semaphore(%run_scoped3A : memref<!tpu.dma_semaphore, #tpu.memory_space<semaphore_mem>>) src(%dma_wait3A_150 : memref<128x64xf32, #tpu.memory_space<vmem_shared>>) dst(%arg15 : memref<128x64xf32, #tpu.memory_space<vmem>>)
      tpu.yield
    }) : () -> ()
    %scan3A_129 = arith.constant 0 : i32
    %scan3A_130 = arith.constant 0 : i32
    %scan3A_131 = arith.constant 128 : i32
    %scan3A_132 = arith.addi %scan3A_130, %scan3A_131 : i32
    %scan3A_133 = arith.constant 1 : i32
    scf.for %scan3A_145 = %scan3A_130 to %scan3A_132 step %scan3A_133  : i32 {
      %get3A = arith.index_cast %scan3A_145 : i32 to index
      %get3A_146 = arith.constant 0 : index
      %get3A_147 = tpu.vector_load %arg15[%get3A, %get3A_146] {strides = array<i32>} : memref<128x64xf32, #tpu.memory_space<vmem>>, vector<16xf32>,
      %gt3A = arith.constant 0.000000e+00 : f32
      %gt3A_148 = vector.broadcast %gt3A : f32 to vector<16xf32>
      %gt3A_149 = arith.cmpf ogt, %get3A_147, %gt3A_148 : vector<16xf32>
      %exp3A = math.exp %get3A_147 : vector<16xf32>
      %sub3A = arith.constant 1.000000e+00 : f32
      %sub3A_150 = vector.broadcast %sub3A : f32 to vector<16xf32>
      %sub3A_151 = arith.subf %exp3A, %sub3A_150 : vector<16xf32>
      %select_n3A = arith.select %gt3A_149, %get3A_147, %sub3A_151 : vector<16xi1>, vector<16xf32>
      %swap3A = arith.index_cast %scan3A_145 : i32 to index
      %swap3A_152 = arith.constant 0 : index
      %swap3A_153 = tpu.vector_load %arg15[%swap3A, %swap3A_152] {strides = array<i32>} : memref<128x64xf32, #tpu.memory_space<vmem>>, vector<16xf32>,
      tpu.vector_store %arg15[%swap3A, %swap3A_152], %select_n3A {strides = array<i32>} : memref<128x64xf32, #tpu.memory_space<vmem>>, vector<16xf32>,
      %get3A_154 = arith.index_cast %scan3A_145 : i32 to index
      %get3A_155 = arith.constant 16 : index
      %get3A_156 = tpu.vector_load %arg15[%get3A_154, %get3A_155] {strides = array<i32>} : memref<128x64xf32, #tpu.memory_space<vmem>>, vector<16xf32>,
      %gt3A_157 = arith.constant 0.000000e+00 : f32
      %gt3A_158 = vector.broadcast %gt3A_157 : f32 to vector<16xf32>
      %gt3A_159 = arith.cmpf ogt, %get3A_156, %gt3A_158 : vector<16xf32>
      %exp3A_160 = math.exp %get3A_156 : vector<16xf32>
      %sub3A_161 = arith.constant 1.000000e+00 : f32
      %sub3A_162 = vector.broadcast %sub3A_161 : f32 to vector<16xf32>
      %sub3A_163 = arith.subf %exp3A_160, %sub3A_162 : vector<16xf32>
      %select_n3A_164 = arith.select %gt3A_159, %get3A_156, %sub3A_163 : vector<16xi1>, vector<16xf32>
      %swap3A_165 = arith.index_cast %scan3A_145 : i32 to index
      %swap3A_166 = arith.constant 16 : index
      %swap3A_167 = tpu.vector_load %arg15[%swap3A_165, %swap3A_166] {strides = array<i32>} : memref<128x64xf32, #tpu.memory_space<vmem>>, vector<16xf32>,
      tpu.vector_store %arg15[%swap3A_165, %swap3A_166], %select_n3A_164 {strides = array<i32>} : memref<128x64xf32, #tpu.memory_space<vmem>>, vector<16xf32>,
      %get3A_168 = arith.index_cast %scan3A_145 : i32 to index
      %get3A_169 = arith.constant 32 : index
      %get3A_170 = tpu.vector_load %arg15[%get3A_168, %get3A_169] {strides = array<i32>} : memref<128x64xf32, #tpu.memory_space<vmem>>, vector<16xf32>,
      %gt3A_171 = arith.constant 0.000000e+00 : f32
      %gt3A_172 = vector.broadcast %gt3A_171 : f32 to vector<16xf32>
      %gt3A_173 = arith.cmpf ogt, %get3A_170, %gt3A_172 : vector<16xf32>
      %exp3A_174 = math.exp %get3A_170 : vector<16xf32>
      %sub3A_175 = arith.constant 1.000000e+00 : f32
      %sub3A_176 = vector.broadcast %sub3A_175 : f32 to vector<16xf32>
      %sub3A_177 = arith.subf %exp3A_174, %sub3A_176 : vector<16xf32>
      %select_n3A_178 = arith.select %gt3A_173, %get3A_170, %sub3A_177 : vector<16xi1>, vector<16xf32>
      %swap3A_179 = arith.index_cast %scan3A_145 : i32 to index
      %swap3A_180 = arith.constant 32 : index
      %swap3A_181 = tpu.vector_load %arg15[%swap3A_179, %swap3A_180] {strides = array<i32>} : memref<128x64xf32, #tpu.memory_space<vmem>>, vector<16xf32>,
      tpu.vector_store %arg15[%swap3A_179, %swap3A_180], %select_n3A_178 {strides = array<i32>} : memref<128x64xf32, #tpu.memory_space<vmem>>, vector<16xf32>,
      %get3A_182 = arith.index_cast %scan3A_145 : i32 to index
      %get3A_183 = arith.constant 48 : index
      %get3A_184 = tpu.vector_load %arg15[%get3A_182, %get3A_183] {strides = array<i32>} : memref<128x64xf32, #tpu.memory_space<vmem>>, vector<16xf32>,
      %gt3A_185 = arith.constant 0.000000e+00 : f32
      %gt3A_186 = vector.broadcast %gt3A_185 : f32 to vector<16xf32>
      %gt3A_187 = arith.cmpf ogt, %get3A_184, %gt3A_186 : vector<16xf32>
      %exp3A_188 = math.exp %get3A_184 : vector<16xf32>
      %sub3A_189 = arith.constant 1.000000e+00 : f32
      %sub3A_190 = vector.broadcast %sub3A_189 : f32 to vector<16xf32>
      %sub3A_191 = arith.subf %exp3A_188, %sub3A_190 : vector<16xf32>
      %select_n3A_192 = arith.select %gt3A_187, %get3A_184, %sub3A_191 : vector<16xi1>, vector<16xf32>
      %swap3A_193 = arith.index_cast %scan3A_145 : i32 to index
      %swap3A_194 = arith.constant 48 : index
      %swap3A_195 = tpu.vector_load %arg15[%swap3A_193, %swap3A_194] {strides = array<i32>} : memref<128x64xf32, #tpu.memory_space<vmem>>, vector<16xf32>,
      tpu.vector_store %arg15[%swap3A_193, %swap3A_194], %select_n3A_192 {strides = array<i32>} : memref<128x64xf32, #tpu.memory_space<vmem>>, vector<16xf32>,
    }
    %scan3A_134 = arith.constant 128 : i32
    %eq3A_135 = arith.constant 0 : i32
    %eq3A_136 = arith.cmpi eq, %arg0, %eq3A_135 : i32
    %convert_element_type3A_137 = arith.extui %eq3A_136 : i1 to i32
    %cond3A_138 = arith.constant 0 : i32
    %cond3A_139 = arith.cmpi ne, %convert_element_type3A_137, %cond3A_138 : i32
    scf.if %cond3A_139 {
      "tpu.region"() ({
        %run_scoped3A = tpu.sem_alloc : memref<!tpu.dma_semaphore, #tpu.memory_space<semaphore_mem>>
        %dma_start3A = arith.constant 0 : i32
        %dma_start3A_145 = tpu.memref_slice %arg8[%add3A_128, %dma_start3A] : memref<10240x64xf32, #tpu.memory_space<hbm>> -> memref<128x64xf32, #tpu.memory_space<hbm>>
        %dma_start3A_146 = arith.constant 0 : i32
        %dma_start3A_147 = tpu.memref_slice %arg8[%add3A_128, %dma_start3A_146] : memref<10240x64xf32, #tpu.memory_space<hbm>> -> memref<128x64xf32, #tpu.memory_space<hbm>>
        tpu.enqueue_dma source(%arg15 : memref<128x64xf32, #tpu.memory_space<vmem>>) target(%dma_start3A_147 : memref<128x64xf32, #tpu.memory_space<hbm>>) target_semaphore(%run_scoped3A : memref<!tpu.dma_semaphore, #tpu.memory_space<semaphore_mem>>)
        %dma_wait3A = arith.constant 0 : i32
        %dma_wait3A_148 = tpu.memref_slice %arg8[%add3A_128, %dma_wait3A] : memref<10240x64xf32, #tpu.memory_space<hbm>> -> memref<128x64xf32, #tpu.memory_space<hbm>>
        %dma_wait3A_149 = arith.constant 0 : i32
        %dma_wait3A_150 = tpu.memref_slice %arg8[%add3A_128, %dma_wait3A_149] : memref<10240x64xf32, #tpu.memory_space<hbm>> -> memref<128x64xf32, #tpu.memory_space<hbm>>
        tpu.wait_dma2 semaphore(%run_scoped3A : memref<!tpu.dma_semaphore, #tpu.memory_space<semaphore_mem>>) src(%arg15 : memref<128x64xf32, #tpu.memory_space<vmem>>) dst(%dma_wait3A_150 : memref<128x64xf32, #tpu.memory_space<hbm>>)
        tpu.yield
      }) : () -> ()
    } else {
    }
    %eq3A_140 = arith.constant 1 : i32
    %eq3A_141 = arith.cmpi eq, %arg0, %eq3A_140 : i32
    %convert_element_type3A_142 = arith.extui %eq3A_141 : i1 to i32
    %cond3A_143 = arith.constant 0 : i32
    %cond3A_144 = arith.cmpi ne, %convert_element_type3A_142, %cond3A_143 : i32
    scf.if %cond3A_144 {
      "tpu.region"() ({
        %run_scoped3A = tpu.sem_alloc : memref<!tpu.dma_semaphore, #tpu.memory_space<semaphore_mem>>
        %dma_start3A = arith.constant 0 : i32
        %dma_start3A_145 = tpu.memref_slice %arg9[%add3A_128, %dma_start3A] : memref<10240x64xf32, #tpu.memory_space<hbm>> -> memref<128x64xf32, #tpu.memory_space<hbm>>
        %dma_start3A_146 = arith.constant 0 : i32
        %dma_start3A_147 = tpu.memref_slice %arg9[%add3A_128, %dma_start3A_146] : memref<10240x64xf32, #tpu.memory_space<hbm>> -> memref<128x64xf32, #tpu.memory_space<hbm>>
        tpu.enqueue_dma source(%arg15 : memref<128x64xf32, #tpu.memory_space<vmem>>) target(%dma_start3A_147 : memref<128x64xf32, #tpu.memory_space<hbm>>) target_semaphore(%run_scoped3A : memref<!tpu.dma_semaphore, #tpu.memory_space<semaphore_mem>>)
        %dma_wait3A = arith.constant 0 : i32
        %dma_wait3A_148 = tpu.memref_slice %arg9[%add3A_128, %dma_wait3A] : memref<10240x64xf32, #tpu.memory_space<hbm>> -> memref<128x64xf32, #tpu.memory_space<hbm>>
        %dma_wait3A_149 = arith.constant 0 : i32
        %dma_wait3A_150 = tpu.memref_slice %arg9[%add3A_128, %dma_wait3A_149] : memref<10240x64xf32, #tpu.memory_space<hbm>> -> memref<128x64xf32, #tpu.memory_space<hbm>>
        tpu.wait_dma2 semaphore(%run_scoped3A : memref<!tpu.dma_semaphore, #tpu.memory_space<semaphore_mem>>) src(%arg15 : memref<128x64xf32, #tpu.memory_space<vmem>>) dst(%dma_wait3A_150 : memref<128x64xf32, #tpu.memory_space<hbm>>)
        tpu.yield
      }) : () -> ()
    } else {
    }
    return
  }
}

module attributes {stable_mosaic.version = 14 : i64} {
  func.func @_tc_body(%arg0: i32, %arg1: memref<1000x128xf32, #tpu.memory_space<vmem>>, %arg2: memref<128x10000xf32, #tpu.memory_space<vmem>>, %arg3: memref<128x128xf32, #tpu.memory_space<vmem>>, %arg4: memref<8x128xf32, #tpu.memory_space<vmem>>, %arg5: memref<1000x64xf32, #tpu.memory_space<vmem>>, %arg6: memref<1000x64xf32, #tpu.memory_space<vmem>>, %arg7: memref<8x10000xf32, #tpu.memory_space<vmem>>) attributes {dimension_semantics = [#tpu.dimension_semantics<arbitrary>], iteration_bounds = array<i64: 10>, scalar_prefetch = 0 : i64, scratch_operands = 0 : i64, tpu.core_type = #tpu.core_type<tc>, window_params = [{transform_indices = @transform_0, window_bounds = array<i64: 1000, 128>}, {pipeline_mode = #tpu.pipeline_mode<synchronous>, transform_indices = @transform_1, window_bounds = array<i64: 128, 10000>}, {pipeline_mode = #tpu.pipeline_mode<synchronous>, transform_indices = @transform_2, window_bounds = array<i64: 128, 128>}, {pipeline_mode = #tpu.pipeline_mode<synchronous>, transform_indices = @transform_3, window_bounds = array<i64: 8, 128>}, {transform_indices = @transform_4, window_bounds = array<i64: 1000, 64>}, {transform_indices = @transform_5, window_bounds = array<i64: 1000, 64>}, {pipeline_mode = #tpu.pipeline_mode<synchronous>, transform_indices = @transform_6, window_bounds = array<i64: 8, 10000>}]} {
    %get3A = arith.constant 0 : index
    %get3A_0 = arith.constant 0 : index
    %get3A_1 = vector.load %arg1[%get3A, %get3A_0] : memref<1000x128xf32, #tpu.memory_space<vmem>>, vector<1000x128xf32>
    %get3A_2 = arith.constant 0 : index
    %get3A_3 = arith.constant 0 : index
    %get3A_4 = vector.load %arg3[%get3A_2, %get3A_3] : memref<128x128xf32, #tpu.memory_space<vmem>>, vector<128x128xf32>
    %dot_general3A = arith.constant dense<0.000000e+00> : vector<1000x128xf32>
    %dot_general3A_5 = tpu.matmul %get3A_1, %get3A_4, %dot_general3A {dimension_numbers = #tpu.dot_dimension_numbers<[1], [1], [0], [0], [0, 0, 1, 0], [], []>, transpose_lhs_hint = false} : vector<1000x128xf32>, vector<128x128xf32>, vector<1000x128xf32> -> vector<1000x128xf32>
    %slice3A = vector.extract_strided_slice %dot_general3A_5 {offsets = [0, 0], sizes = [1000, 64], strides = [1, 1]} : vector<1000x128xf32> to vector<1000x64xf32>
    %swap3A = arith.constant 0 : index
    %swap3A_6 = arith.constant 0 : index
    %swap3A_7 = vector.load %arg5[%swap3A, %swap3A_6] : memref<1000x64xf32, #tpu.memory_space<vmem>>, vector<1000x64xf32>
    tpu.vector_store %arg5[%swap3A, %swap3A_6], %slice3A {strides = array<i32>} : memref<1000x64xf32, #tpu.memory_space<vmem>>, vector<1000x64xf32>,
    %slice3A_8 = vector.extract_strided_slice %dot_general3A_5 {offsets = [0, 64], sizes = [1000, 64], strides = [1, 1]} : vector<1000x128xf32> to vector<1000x64xf32>
    %swap3A_9 = arith.constant 0 : index
    %swap3A_10 = arith.constant 0 : index
    %swap3A_11 = vector.load %arg6[%swap3A_9, %swap3A_10] : memref<1000x64xf32, #tpu.memory_space<vmem>>, vector<1000x64xf32>
    tpu.vector_store %arg6[%swap3A_9, %swap3A_10], %slice3A_8 {strides = array<i32>} : memref<1000x64xf32, #tpu.memory_space<vmem>>, vector<1000x64xf32>,
    %get3A_12 = arith.constant 0 : index
    %get3A_13 = arith.constant 0 : index
    %get3A_14 = vector.load %arg4[%get3A_12, %get3A_13] : memref<8x128xf32, #tpu.memory_space<vmem>>, vector<8x128xf32>
    %dot_general3A_15 = arith.constant dense<0.000000e+00> : vector<8x128xf32>
    %dot_general3A_16 = tpu.matmul %get3A_14, %get3A_4, %dot_general3A_15 {dimension_numbers = #tpu.dot_dimension_numbers<[1], [0], [0], [1], [0, 0, 1, 1], [], []>, transpose_lhs_hint = false} : vector<8x128xf32>, vector<128x128xf32>, vector<8x128xf32> -> vector<8x128xf32>
    %get3A_17 = arith.constant 0 : index
    %get3A_18 = arith.constant 0 : index
    %get3A_19 = vector.load %arg2[%get3A_17, %get3A_18] : memref<128x10000xf32, #tpu.memory_space<vmem>>, vector<128x10000xf32>
    %dot_general3A_20 = arith.constant dense<0.000000e+00> : vector<8x10000xf32>
    %dot_general3A_21 = tpu.matmul %dot_general3A_16, %get3A_19, %dot_general3A_20 {dimension_numbers = #tpu.dot_dimension_numbers<[1], [0], [0], [1], [0, 0, 1, 1], [], []>, transpose_lhs_hint = false} : vector<8x128xf32>, vector<128x10000xf32>, vector<8x10000xf32> -> vector<8x10000xf32>
    %swap3A_22 = arith.constant 0 : index
    %swap3A_23 = arith.constant 0 : index
    %swap3A_24 = vector.load %arg7[%swap3A_22, %swap3A_23] : memref<8x10000xf32, #tpu.memory_space<vmem>>, vector<8x10000xf32>
    tpu.vector_store %arg7[%swap3A_22, %swap3A_23], %dot_general3A_21 {strides = array<i32>} : memref<8x10000xf32, #tpu.memory_space<vmem>>, vector<8x10000xf32>,
    return
  }
  func.func @transform_0(%arg0: i32) -> (i32, i32) {
    %c0_i32 = arith.constant 0 : i32
    %c0_i32_0 = arith.constant 0 : i32
    return %arg0, %c0_i32 : i32, i32
  }
  func.func @transform_1(%arg0: i32) -> (i32, i32) {
    %c0_i32 = arith.constant 0 : i32
    %c0_i32_0 = arith.constant 0 : i32
    %c0_i32_1 = arith.constant 0 : i32
    return %c0_i32, %c0_i32_0 : i32, i32
  }
  func.func @transform_2(%arg0: i32) -> (i32, i32) {
    %c0_i32 = arith.constant 0 : i32
    %c0_i32_0 = arith.constant 0 : i32
    %c0_i32_1 = arith.constant 0 : i32
    return %c0_i32, %c0_i32_0 : i32, i32
  }
  func.func @transform_3(%arg0: i32) -> (i32, i32) {
    %c0_i32 = arith.constant 0 : i32
    %c0_i32_0 = arith.constant 0 : i32
    %c0_i32_1 = arith.constant 0 : i32
    return %c0_i32, %c0_i32_0 : i32, i32
  }
  func.func @transform_4(%arg0: i32) -> (i32, i32) {
    %c0_i32 = arith.constant 0 : i32
    %c0_i32_0 = arith.constant 0 : i32
    return %arg0, %c0_i32 : i32, i32
  }
  func.func @transform_5(%arg0: i32) -> (i32, i32) {
    %c0_i32 = arith.constant 0 : i32
    %c0_i32_0 = arith.constant 0 : i32
    return %arg0, %c0_i32 : i32, i32
  }
  func.func @transform_6(%arg0: i32) -> (i32, i32) {
    %c0_i32 = arith.constant 0 : i32
    %c0_i32_0 = arith.constant 0 : i32
    %c0_i32_1 = arith.constant 0 : i32
    return %c0_i32, %c0_i32_0 : i32, i32
  }
}

</mosaic_0001>

<sc_bundles>
// kernel: kernel.4.cloned.1.call-start
scs
__scs_entry_jumppad:
0x0: {  	(pc) =	sbr.rel $0x88, $3  }
0x1: {  	(tag) =	ssettag $0x0;
	lr =	simm.s32 $0x1  }
0x2: {  	[smem:$0x3F9C] =	sst lr;
	_ =	strace $0xD0000000  }
0x3: {  	_ = 	snop  }
0x4: {  	_ = 	snop  }
0x5: {  	_ = 	snop  }
0x6: {  	_ = 	snop  }
0x7: {  	_ = 	snop  }
__scs_overlays_trampoline_lowered:
0x8: {  	[smem:$0x3FAB] =	sst s0  }
0x9: {  	[smem:$0x3FAC] =	sst s1  }
0xa: {  	[smem:$0x3FAD] =	sst s2  }
0xb: {  	[smem:$0x3FAE] =	sst s3  }
0xc: {  	[smem:$0x3FAF] =	sst s4  }
0xd: {  	[smem:$0x3FB0] =	sst s5  }
0xe: {  	[smem:$0x3FB1] =	sst s6  }
0xf: {  	[smem:$0x3FB2] =	sst s7  }
0x10: {  	[smem:$0x3FB3] =	sst s8  }
0x11: {  	[smem:$0x3FB4] =	sst s9;
	s0 =	simm.s32 @!p0 $0x0  }
0x12: {  	s1 =	sld [smem:$0x3F9A];
	s0 =	simm.s32 @p0 $0x1  }
0x13: {  	[smem:$0x3FB5] =	sst s0;
	s0 =	simm.s32 @!p1 $0x0  }
0x14: {  	s2 =	sld [smem:$0x3F99];
	s0 =	simm.s32 @p1 $0x1  }
0x15: {  	[smem:$0x3FB6] =	sst s0;
	s0 =	simm.s32 @!p2 $0x0  }
0x16: {  	s3 =	sld [smem:$0x3FDB];
	s0 =	simm.s32 @p2 $0x1  }
0x17: {  	s4 =	simm.s32 $0x1BF5;
	[smem:$0x3FB8] =	sst s0  }
0x18: {  	s0 =	sld [smem:$0x3F9B];
	_ =	swait.ge [sflag:s4], $0x0  }
0x19: {  	s7 =	sld [smem:$0x3F9C]  }
0x1a: {  	s8 =	sadd.s32 $0xFFFFE003, lr  }
0x1b: {  	s9 =	sadd.s32 $0xFFFFFEF7, lr;
	s5 =	simm.s32 $0xFFFFFFFF;
	p2 =	slt.u32 s8, $0xFFFFF086  }
0x1c: {  	p1 =	slt.u32 s9, $0xF7A;
	s5 =	simm.s32 @!p2 $0x0  }
0x1d: {  	s5 =	simm.s32 @p1 $0x1;
	p0 =	seq.s32 s7, s2  }
0x1e: {  	s7 =	smul.u32 @!p0 $0xF7A, s2;
	p2 =	seq.s32 @!p0 s5, $0x0  }
0x1f: {  	s9 =	smul.u32 $0xF7A, s1;
	s8 =	simm.s32 @!p0 $0x1BF5;
	p2 =	por !p2, p0  }
0x20: {  	[sflag:s8] =	ssyncset.s32 @!p0 $0xFFFFF086;
	s6 =	sadd.s32 @!p0 s3, s7;
	s7 =	simm.s32 @!p0 $0x108  }
0x21: {  	s3 =	sadd.s32 s3, s9;
	s6 =	sadd.s32 @!p0 $0x88, s6;
	s7 =	simm.s32 @p2 $0x1082  }
0x22: {  	[simem:s7], [sflag:s8] =	dma.local @!p0 [hbm:s6], $0xF7A  }
0x23: {  	s9 =	sor.u32 $0xD0000000, s2;
	s6 =	simm.s32 $0x108;
	_ =	swait.ge @!p0 [sflag:s8], $0x0  }
0x24: {  	s3 =	sadd.s32 $0x88, s3;
	s6 =	simm.s32 @!p1 $0x1082;
	[sflag:s4] =	ssyncset.s32 $0xFFFFF086  }
0x25: {  	[simem:s6], [sflag:s4] =	dma.local [hbm:s3], $0xF7A  }
0x26: {  	[smem:$0x3F9C] =	sst s1;
	(tag) =	ssettag s2;
	_ =	strace s9  }
0x27: {  	s1 =	sld [smem:$0x3FAC]  }
0x28: {  	s2 =	sld [smem:$0x3FAD]  }
0x29: {  	s4 =	sld [smem:$0x3FAF]  }
0x2a: {  	p0 =	seq.s32 s5, $0x0;
	s5 =	sld [smem:$0x3FB0]  }
0x2b: {  	s6 =	sld [smem:$0x3FB1]  }
0x2c: {  	s7 =	sld [smem:$0x3FB2]  }
0x2d: {  	s3 =	simm.s32 $0x108;
	s8 =	sld [smem:$0x3FB3]  }
0x2e: {  	s3 =	simm.s32 @!p0 $0x1082;
	s9 =	sld [smem:$0x3FB4]  }
0x2f: {  	lr =	sadd.s32 s0, s3;
	s0 =	sld [smem:$0x3FAB]  }
0x30: {  	s3 =	sld [smem:$0x3FAE]  }
0x31: {  	[smem:$0x3FB7] =	sst s10  }
0x32: {  	s10 =	sld [smem:$0x3FB5];
	_ =	sdelay $0x3  }
0x33: {  	p0 =	seq.s32 s10, $0x1;
	s10 =	sld [smem:$0x3FB7];
	_ =	sdelay $0x3  }
0x34: {  	[smem:$0x3FB7] =	sst s10  }
0x35: {  	s10 =	sld [smem:$0x3FB6];
	_ =	sdelay $0x3  }
0x36: {  	p1 =	seq.s32 s10, $0x1;
	s10 =	sld [smem:$0x3FB7];
	_ =	sdelay $0x3  }
0x37: {  	[smem:$0x3FB7] =	sst s10  }
0x38: {  	s10 =	sld [smem:$0x3FB8]  }
0x39: {  	_ = 	snop;
	(pc) =	sbr.ind lr, $3  }
0x3a: {  	_ = 	snop  }
0x3b: {  	_ = 	snop  }
0x3c: {  	p2 =	seq.s32 s10, $0x1;
	s10 =	sld [smem:$0x3FB7]  }
0x3d: {  	_ =	shalt  }
0x3e: {  	_ =	shalt  }
0x3f: {  	_ =	shalt  }
0x40: {  	_ =	shalt  }
0x41: {  	_ =	shalt  }
0x42: {  	_ =	shalt  }
0x43: {  	_ =	shalt  }
0x44: {  	_ =	shalt  }
0x45: {  	_ =	shalt  }
0x46: {  	_ =	shalt  }
0x47: {  	_ =	shalt  }
0x48: {  	_ =	shalt  }
0x49: {  	_ =	shalt  }
0x4a: {  	_ =	shalt  }
0x4b: {  	_ =	shalt  }
0x4c: {  	_ =	shalt  }
0x4d: {  	_ =	shalt  }
0x4e: {  	_ =	shalt  }
0x4f: {  	_ =	shalt  }
0x50: {  	_ =	shalt  }
0x51: {  	_ =	shalt  }
0x52: {  	_ =	shalt  }
0x53: {  	_ =	shalt  }
0x54: {  	_ =	shalt  }
0x55: {  	_ =	shalt  }
0x56: {  	_ =	shalt  }
0x57: {  	_ =	shalt  }
0x58: {  	_ =	shalt  }
0x59: {  	_ =	shalt  }
0x5a: {  	_ =	shalt  }
0x5b: {  	_ =	shalt  }
0x5c: {  	_ =	shalt  }
0x5d: {  	_ =	shalt  }
0x5e: {  	_ =	shalt  }
0x5f: {  	_ =	shalt  }
0x60: {  	_ =	shalt  }
0x61: {  	_ =	shalt  }
0x62: {  	_ =	shalt  }
0x63: {  	_ =	shalt  }
0x64: {  	_ =	shalt  }
0x65: {  	_ =	shalt  }
0x66: {  	_ =	shalt  }
0x67: {  	_ =	shalt  }
0x68: {  	_ =	shalt  }
0x69: {  	_ =	shalt  }
0x6a: {  	_ =	shalt  }
0x6b: {  	_ =	shalt  }
0x6c: {  	_ =	shalt  }
0x6d: {  	_ =	shalt  }
0x6e: {  	_ =	shalt  }
0x6f: {  	_ =	shalt  }
0x70: {  	_ =	shalt  }
0x71: {  	_ =	shalt  }
0x72: {  	_ =	shalt  }
0x73: {  	_ =	shalt  }
0x74: {  	_ =	shalt  }
0x75: {  	_ =	shalt  }
0x76: {  	_ =	shalt  }
0x77: {  	_ =	shalt  }
0x78: {  	_ =	shalt  }
0x79: {  	_ =	shalt  }
0x7a: {  	_ =	shalt  }
0x7b: {  	_ =	shalt  }
0x7c: {  	_ =	shalt  }
0x7d: {  	_ =	shalt  }
0x7e: {  	_ =	shalt  }
0x7f: {  	_ =	shalt  }
0x80: {  	_ =	shalt  }
0x81: {  	_ =	shalt  }
0x82: {  	_ =	shalt  }
0x83: {  	_ =	shalt  }
0x84: {  	_ =	shalt  }
0x85: {  	_ =	shalt  }
0x86: {  	_ =	shalt  }
0x87: {  	_ =	shalt  }
.Lfunc_end0:
.L_simem_size_0:
called_computation_lowered:
.L_overlay_start_0:
0x88: {  	s2 =	sld [smem:$0x3FD9]  }
0x89: {  	s3 =	sld [smem:$0x3FFE];
	_ =	sdelay $0x1  }
0x8a: {  	s1 =	srdreg.scid  }
0x8b: {  	s0 =	sand.u32 $0x1, s1  }
0x8c: {  	s17 =	sshll.u32 s0, $0xA;
	s2 =	sadd.s32 s3, s2  }
0x8d: {  	s2 =	sadd.s32 s2, s17  }
0x8e: {  	[smem:$0x3FC3] =	sst s2  }
0x8f: {  	_ = 	snop  }
0x90: {  	s2 =	sld [smem:$0x3FD0];
	(tm) =	ssettm $0x1  }
0x91: {  	s18 =	sld [smem:$0x3FFB];
	_ =	sdelay $0x3  }
0x92: {  	_ =	strace s18  }
0x93: {  	s3 =	sld [smem:$0x3FFC];
	_ =	sdelay $0x3  }
0x94: {  	_ =	strace s3  }
0x95: {  	s3 =	sld [smem:$0x3FFD];
	_ =	sdelay $0x3  }
0x96: {  	_ =	strace s3  }
0x97: {  	_ =	strace $0x8FFFFFFF  }
0x98: {  	s19 =	sld [smem:$0x3FDB];
	_ =	sdelay $0x1  }
0x99: {  	s4 =	simm.s32 $_scs_section_size  }
0x9a: {  	s5 =	simm.s32 $_size__tile_overlayer_lowered;
	s6 =	simm.s32 $_tile_overlayer_lowered  }
0x9b: {  	s22 =	simm.s32 $0x1BFF;
	s21 =	sshll.u32 s6, $0x1;
	s3 =	sadd.s32 s4, s19  }
0x9c: {  	s7 =	simm.s32 $0x0;
	s20 =	sshll.u32 s5, $0x1;
	s5 =	sadd.s32 s21, s3  }
0x9d: {  	[timem:s7], [sflag:s22] =	dma.local [hbm:s5], s20  }
0x9e: {  	_ =	swait.ge [sflag:s22], s20  }
0x9f: {  	s4 =	ssub.s32 $0x0, s20;
	[sflag:s22] =	ssyncset.done $0x0  }
0xa0: {  	[sflag:s22] =	ssyncadd.s32 s4;
	_ =	sdelay $0x1  }
0xa1: {  	s23 =	simm.s32 $0x1B8B  }
0xa2: {  	_ =	swait.ge [sflag:s23], $0x1  }
0xa3: {  	[sflag:s23] =	ssyncset.done $0x0  }
0xa4: {  	s25 =	simm.s32 $0x1B8E;
	s24 =	sld [smem:$0x3FFE];
	[sflag:s23] =	ssyncadd.s32 $0xFFFFFFFF  }
0xa5: {  	s26 =	simm.s32 $execute0_lowered;
	[smem:$0x3FD2] =	sst s25  }
0xa6: {  	s5 =	sshll.u32 s26, $0x1;
	_ =	strace $0x80000046;
	[dreg:$0x1] =	wrdreg $0xFFFFFFFF  }
0xa7: {  	s28 =	simm.s32 $_size_execute0_lowered;
	s3 =	sadd.s32 s3, s5;
	[dreg:$0x0] =	wrdreg $0x0  }
0xa8: {  	s5 =	sshll.u32 s28, $0x1;
	[dreg:$0x2] =	wrdreg s3  }
0xa9: {  	[dreg:$0x3] =	wrdreg s5  }
0xaa: {  	[dreg:$0x4] =	wrdreg $0xC0  }
0xab: {  	_ =	task [dreg:s7], $0x5FFFF  }
0xac: {  	[dreg:$0x1] =	wrdreg $0xFFFFFFFF  }
0xad: {  	[dreg:$0x0] =	wrdreg $0x60  }
0xae: {  	[dreg:$0x2] =	wrdreg s24  }
0xaf: {  	[dreg:$0x3] =	wrdreg s2  }
0xb0: {  	[dreg:$0x4] =	wrdreg $0x1D8000  }
0xb1: {  	[dreg:$0x5] =	wrdreg $0x138000  }
0xb2: {  	[dreg:$0x6] =	wrdreg $0x9  }
0xb3: {  	_ =	task.clear_ibuf [dreg:s7], $0x7FFFF;
	_ =	strace $0x90000046  }
0xb4: {  	s29 =	simm.s32 $0x9;
	_ =	strace $0x80000048  }
0xb5: {  	_ =	swait.ge [sflag:s29], $0x1  }
0xb6: {  	[sflag:s29] =	ssyncadd.s32 $0xFFFFFFFF  }
0xb7: {  	_ =	strace $0x90000048  }
0xb8: {  	_ =	sfence  }
0xb9: {  	s30 =	sld [smem:$0x0];
	_ =	sdelay $0x2  }
0xba: {  	s31 =	sshll.u32 s1, $0xD;
	s1 =	sshrl.u32 s1, $0x2  }
0xbb: {  	s3 =	sand.u32 $0x4000, s31;
	s1 =	sadd.s32 s1, s30  }
0xbc: {  	s0 =	sor.u32 s3, s0;
	s1 =	sshll.u32 s1, $0x11  }
0xbd: {  	s0 =	sor.u32 s1, s0  }
0xbe: {  	s0 =	sadd.s32 $0x8F2B, s0  }
0xbf: {  	[sflag:s0] =	ssyncadd.remote.s32 $0x1  }
0xc0: {  	_ =	sfence.sel $0xFFFF  }
0xc1: {  	[dreg:$0x0] =	wrdreg $0xFFFFFFFF;
	(pc) =	sbr.abs _section_cstart, $3  }
0xc2: {  	[dreg:$0x1] =	wrdreg $0xFFFFFFFF  }
0xc3: {  	_ =	task.clear_ibuf [dreg:s7], $0x2FFFF;
	_ =	strace $0x9FFFFFFF  }
0xc4: {  	(tm) =	ssettm $0x7FFFFFFF  }
0xc5: {  	_ =	shalt  }
tec
execute0_lowered:
.L_overlay_start_1:
0x0: {  	(tag) =	ssettag $0x1  }
0x1: {  	s0 =	rddreg [dreg:$0x0]  }
0x2: {  	s1 =	rddreg [dreg:$0x1]  }
0x3: {  	s2 =	rddreg [dreg:$0x2]  }
0x4: {  	s3 =	rddreg [dreg:$0x3];
	s4 =	simm.s32 $0x0  }
0x5: {  	s11 =	stileid.u32;
	s17 =	srdreg.scid;
	s29 =	simm.s32 $0x11500  }
0x6: {  	s30 =	simm.s32 $0x80;
	s31 =	simm.s32 $0x13780;
	[smem:$0x7FF] =	sst s4  }
0x7: {  	s16 =	smul.u32 $0x4E80, s11;
	s5 =	sadd.s32 $0x1800, s0;
	s6 =	sadd.s32 $0x1200, s0  }
0x8: {  	s8 =	smul.u32 $0xA00, s11;
	_ =	strace $0x80000047;
	[dreg:$0x5] =	wrdreg s5  }
0x9: {  	s9 =	sadd.s32 $0x3CE00, s0;
	[dreg:$0x6] =	wrdreg s6;
	s5 =	sand.u32 $0x1, s17  }
0xa: {  	s17 =	smul.u32 $0xA000, s11;
	s18 =	sshrl.u32 s16, $0x3;
	s7 =	ssub.s32 $0x2, s5  }
0xb: {  	s8 =	sshrl.u32 s8, $0x2;
	p0 =	seq.s32 s5, $0x1;
	p1 =	seq.s32 s5, $0x0  }
0xc: {  	s6 =	sadd.s32 s18, s0;
	s10 =	sshrl.u32 s7, $0x1;
	s20 =	sadd.s32 s8, s2  }
0xd: {  	s21 =	sadd.s32 $0x2000, s17;
	s11 =	sadd.s32 s17, s3;
	s22 =	sadd.s32 $0x4000, s17  }
0xe: {  	s23 =	sadd.s32 $0x6000, s17;
	s18 =	sadd.s32 $0x8000, s17;
	s24 =	sshrl.u32 s17, $0x3  }
0xf: {  	s17 =	simm.s32 $0x1E00;
	s9 =	smov.u32 @p1 s1;
	s1 =	simm.s32 $0x1  }
0x10: {  	s7 =	ssub.s32 s7, s10;
	s19 =	sadd.s32 $0x33000, s6;
	s6 =	sadd.s32 $0x29200, s6  }
0x11: {  	[dreg:$0x9] =	wrdreg s20;
	s12 =	sadd.s32 s21, s3;
	s13 =	sadd.s32 s22, s3  }
0x12: {  	s14 =	sadd.s32 s23, s3;
	s15 =	sadd.s32 s18, s3;
	s8 =	sshrl.u32 s22, $0x3  }
0x13: {  	s10 =	sshrl.u32 s23, $0x3;
	s18 =	sshrl.u32 s18, $0x3;
	s17 =	simm.s32 @!p0 $0x15800  }
0x14: {  	v0 =	vimm.f32 $0.0e+00;
	v1 =	vimm.s32 $0x0;
	s28 =	sadd.s32 s9, s24;
	s23 =	simm.s32 $0x2;
	[dreg:$0x7] =	wrdreg s19  }
0x15: {  	v2 =	vimm.s32 $0x1;
	v3 =	vimm.s32 $0x2;
	v4 =	vimm.s32 $0x3;
	s24 =	simm.s32 $0x0;
	[dreg:$0x8] =	wrdreg s6;
	s6 =	sshrl.u32 s21, $0x3  }
0x16: {  	v5 =	vimm.s32 $0x4;
	v6 =	vimm.s32 $0x5;
	v7 =	vimm.s32 $0x6;
	s25 =	smax.u32 s7, $0x1;
	s26 =	sadd.s32 s9, s18;
	[dreg:$0xc] =	wrdreg s28  }
0x17: {  	v8 =	vimm.s32 $0x7;
	v9 =	vimm.s32 $0x8;
	v10 =	vimm.s32 $0x9;
	s18 =	sadd.s32 s17, s0;
	s21 =	sadd.s32 s9, s8;
	[dreg:$0xa] =	wrdreg s25  }
0x18: {  	v11 =	vimm.s32 $0xA;
	v12 =	vimm.s32 $0xB;
	v13 =	vimm.s32 $0xC;
	s22 =	sadd.s32 s9, s10;
	s0 =	simm.s32 $0xED00;
	[dreg:$0xb] =	wrdreg s26  }
0x19: {  	v14 =	vimm.s32 $0xD;
	v15 =	vimm.s32 $0xE;
	v16 =	vimm.s32 $0xF;
	s20 =	sadd.s32 s9, s6;
	s25 =	simm.s32 $0x9D00;
	s26 =	simm.s32 $0xC500  }
.LBB2_1:
0x1a: {  	s5 =	rddreg [dreg:$0x7]  }
0x1b: {  	[tilespmem:s4], [sflag:$0x2] =	stream.linear.gather [hbm4b:s5+s4], $0x4E80, $0x38;
	[tilespmem:$0x1DA80] =	vst v63  }
0x1c: {  	_ =	swait.ge [sflag:s23], $0x4E80  }
0x1d: {  	[sflag:s23] =	ssyncset.done $0x0  }
0x1e: {  	s6 =	simm.s32 $0x4E80;
	s17 =	rddreg [dreg:$0x8];
	[sflag:s23] =	ssyncadd.s32 $0xFFFFB180  }
0x1f: {  	[tilespmem:s6], [sflag:$0x2] =	stream.linear.gather [hbm4b:s17+s4], $0x4E80, $0x38;
	[tilespmem:$0x1DA80] =	vst v63  }
0x20: {  	_ =	swait.ge [sflag:s23], $0x4E80  }
0x21: {  	[sflag:s23] =	ssyncset.done $0x0  }
0x22: {  	s19 =	rddreg [dreg:$0x5];
	[sflag:s23] =	ssyncadd.s32 $0xFFFFB180  }
0x23: {  	[tilespmem:s25], [sflag:$0x2] =	stream.linear.gather [hbm4b:s19+s4], $0x2800, $0x38;
	[tilespmem:$0x1DA80] =	vst v63  }
0x24: {  	_ =	swait.ge [sflag:s23], $0x2800  }
0x25: {  	[sflag:s23] =	ssyncset.done $0x0  }
0x26: {  	s28 =	rddreg [dreg:$0x6];
	[sflag:s23] =	ssyncadd.s32 $0xFFFFD800  }
0x27: {  	[tilespmem:s26], [sflag:$0x2] =	stream.linear.gather [hbm4b:s28+s4], $0x2800, $0x38;
	[tilespmem:$0x1DA80] =	vst v63  }
0x28: {  	_ =	swait.ge [sflag:s23], $0x2800  }
0x29: {  	[sflag:s23] =	ssyncset.done $0x0  }
0x2a: {  	[sflag:s23] =	ssyncadd.s32 $0xFFFFD800  }
0x2b: {  	[tilespmem:$0x13500] =	vst v0  }
0x2c: {  	[tilespmem:$0x13510] =	vst v0  }
0x2d: {  	[tilespmem:$0x13520] =	vst v0  }
0x2e: {  	[tilespmem:$0x13530] =	vst v0  }
0x2f: {  	[tilespmem:$0x13540] =	vst v0  }
0x30: {  	[tilespmem:$0x13550] =	vst v0  }
0x31: {  	[tilespmem:$0x13560] =	vst v0  }
0x32: {  	[tilespmem:$0x13570] =	vst v0  }
0x33: {  	[tilespmem:$0x13580] =	vst v0  }
0x34: {  	[tilespmem:$0x13590] =	vst v0  }
0x35: {  	[tilespmem:$0x135A0] =	vst v0  }
0x36: {  	[tilespmem:$0x135B0] =	vst v0  }
0x37: {  	[tilespmem:$0x135C0] =	vst v0  }
0x38: {  	[tilespmem:$0x135D0] =	vst v0  }
0x39: {  	[tilespmem:$0x135E0] =	vst v0  }
0x3a: {  	[tilespmem:$0x135F0] =	vst v0  }
0x3b: {  	[tilespmem:$0x13600] =	vst v0  }
0x3c: {  	[tilespmem:$0x13610] =	vst v0  }
0x3d: {  	[tilespmem:$0x13620] =	vst v0  }
0x3e: {  	[tilespmem:$0x13630] =	vst v0  }
0x3f: {  	[tilespmem:$0x13640] =	vst v0  }
0x40: {  	[tilespmem:$0x13650] =	vst v0  }
0x41: {  	[tilespmem:$0x13660] =	vst v0  }
0x42: {  	[tilespmem:$0x13670] =	vst v0  }
0x43: {  	[tilespmem:$0x13680] =	vst v0  }
0x44: {  	[tilespmem:$0x13690] =	vst v0  }
0x45: {  	[tilespmem:$0x136A0] =	vst v0  }
0x46: {  	[tilespmem:$0x136B0] =	vst v0  }
0x47: {  	[tilespmem:$0x136C0] =	vst v0  }
0x48: {  	[tilespmem:$0x136D0] =	vst v0  }
0x49: {  	[tilespmem:$0x136E0] =	vst v0  }
0x4a: {  	[tilespmem:$0x136F0] =	vst v0  }
0x4b: {  	[tilespmem:$0x13700] =	vst v0  }
0x4c: {  	[tilespmem:$0x13710] =	vst v0  }
0x4d: {  	[tilespmem:$0x13720] =	vst v0  }
0x4e: {  	[tilespmem:$0x13730] =	vst v0  }
0x4f: {  	[tilespmem:$0x13740] =	vst v0  }
0x50: {  	[tilespmem:$0x13750] =	vst v0  }
0x51: {  	[tilespmem:$0x13760] =	vst v0  }
0x52: {  	s5 =	simm.s32 $0x0;
	s6 =	simm.s32 $0x100;
	[tilespmem:$0x13770] =	vst v0  }
.LBB2_2:
0x53: {  	p0 =	sne.s32 s6, $0x7F00;
	[tilespmem:s5+$0x11530] =	vst v0;
	s7 =	smov.u32 s6;
	s6 =	sadd.s32 $0x100, s6  }
.Ltmp0:
0x54: {  	[tilespmem:s5+$0x11520] =	vst v0;
	(pc) =	sbr.rel @p0 .LBB2_2-.Ltmp0, $3  }
0x55: {  	[tilespmem:s5+$0x11500] =	vst v0  }
0x56: {  	[tilespmem:s5+$0x11510] =	vst v0;
	_ =	sdelay $0x1  }
0x57: {  	s5 =	sshra.s32 s7, $0x2  }
0x58: {  	[tilespmem:s5+$0x11530] =	vst v0  }
0x59: {  	[tilespmem:s5+$0x11520] =	vst v0  }
0x5a: {  	[tilespmem:s5+$0x11500] =	vst v0  }
0x5b: {  	[tilespmem:s5+$0x11510] =	vst v0;
	s28 =	rddreg [dreg:$0x9];
	s6 =	simm.s32 $0x13500  }
0x5c: {  	[spmem:s28] =	stream.linear.scatter [tilespmem:s6], [sflag:$0x2], $0x280, $0x38;
	[tilespmem:$0x1DA80] =	vst v63  }
0x5d: {  	_ =	swait.ge [sflag:s23], $0x280  }
0x5e: {  	[sflag:s23] =	ssyncset.done $0x0  }
0x5f: {  	[sflag:s23] =	ssyncadd.s32 $0xFFFFFD80  }
0x60: {  	[spmem:s11] =	stream.linear.scatter [tilespmem:s29], [sflag:$0x2], $0x2000, $0x38;
	[tilespmem:$0x1DA80] =	vst v63  }
0x61: {  	_ =	swait.ge [sflag:s23], $0x2000  }
0x62: {  	[sflag:s23] =	ssyncset.done $0x0  }
0x63: {  	[sflag:s23] =	ssyncadd.s32 $0xFFFFE000  }
0x64: {  	[spmem:s12] =	stream.linear.scatter [tilespmem:s29], [sflag:$0x2], $0x2000, $0x38;
	[tilespmem:$0x1DA80] =	vst v63  }
0x65: {  	_ =	swait.ge [sflag:s23], $0x2000  }
0x66: {  	[sflag:s23] =	ssyncset.done $0x0  }
0x67: {  	[sflag:s23] =	ssyncadd.s32 $0xFFFFE000  }
0x68: {  	[spmem:s13] =	stream.linear.scatter [tilespmem:s29], [sflag:$0x2], $0x2000, $0x38;
	[tilespmem:$0x1DA80] =	vst v63  }
0x69: {  	_ =	swait.ge [sflag:s23], $0x2000  }
0x6a: {  	[sflag:s23] =	ssyncset.done $0x0  }
0x6b: {  	[sflag:s23] =	ssyncadd.s32 $0xFFFFE000  }
0x6c: {  	[spmem:s14] =	stream.linear.scatter [tilespmem:s29], [sflag:$0x2], $0x2000, $0x38;
	[tilespmem:$0x1DA80] =	vst v63  }
0x6d: {  	_ =	swait.ge [sflag:s23], $0x2000  }
0x6e: {  	[sflag:s23] =	ssyncset.done $0x0  }
0x6f: {  	[sflag:s23] =	ssyncadd.s32 $0xFFFFE000  }
0x70: {  	[spmem:s15] =	stream.linear.scatter [tilespmem:s29], [sflag:$0x2], $0x2000, $0x38;
	[tilespmem:$0x1DA80] =	vst v63  }
0x71: {  	_ =	swait.ge [sflag:s23], $0x2000  }
0x72: {  	[sflag:s23] =	ssyncset.done $0x0  }
0x73: {  	s5 =	simm.s32 $0x0;
	[sflag:s23] =	ssyncadd.s32 $0xFFFFE000  }
0x74: {  	s7 =	simm.s32 $0x0;
	s6 =	simm.s32 $0x4EC0;
	[bflag:$0x0] =	sbarrier.arrive $0xFFFF  }
.LBB2_4:
0x75: {  	v17 =	vld [tilespmem:s5+$0x0]  }
0x76: {  	v18 =	vld [tilespmem:s6+$0xFFFFFFC0];
	_ =	sdelay $0x6  }
0x77: {  	v17 =	vld.idx.msk [tilespmem:v17+s25+$0x0], $0xffff  }
0x78: {  	v18 =	vld.idx.msk [tilespmem:v18+s26+$0x0], $0xffff;
	_ =	sdelay $0x4  }
0x79: {  	v17 =	vadd.f32 v18, v17;
	_ =	sdelay $0x1  }
0x7a: {  	v18 =	vmul.f32 $2.000000030e-01, v17;
	_ =	sdelay $0x1  }
0x7b: {  	v17 =	vmax.f32 v17, v18  }
0x7c: {  	v17 =	vmul.f32 $1.442695020e+00, v17;
	_ =	sdelay $0x1  }
0x7d: {  	(erf) = vpow2.f32 v17;
	_ =	sdelay $0x7  }
0x7e: {  	s8 =	sadd.s32 s7, s16  }
0x7f: {  	p0 =	slt.u32 s8, $0x4E200;
	v17 =	vpop (erf)  }
0x80: {  	v17 =	vpsel !p0, $0x0, v17  }
0x81: {  	[tilespmem:$0x13780] =	vst v17  }
0x82: {  	v17 =	vld [tilespmem:s5+$0x10]  }
0x83: {  	v18 =	vld [tilespmem:s6+$0xFFFFFFD0];
	_ =	sdelay $0x6  }
0x84: {  	v17 =	vld.idx.msk [tilespmem:v17+s25+$0x0], $0xffff  }
0x85: {  	v18 =	vld.idx.msk [tilespmem:v18+s26+$0x0], $0xffff;
	_ =	sdelay $0x4  }
0x86: {  	v17 =	vadd.f32 v18, v17;
	_ =	sdelay $0x1  }
0x87: {  	v18 =	vmul.f32 $2.000000030e-01, v17;
	_ =	sdelay $0x1  }
0x88: {  	v17 =	vmax.f32 v17, v18  }
0x89: {  	v17 =	vmul.f32 $1.442695020e+00, v17;
	_ =	sdelay $0x1  }
0x8a: {  	(erf) = vpow2.f32 v17;
	_ =	sdelay $0x7  }
0x8b: {  	s9 =	sadd.s32 $0x10, s8  }
0x8c: {  	p6 =	slt.u32 s9, $0x4E200;
	v17 =	vpop (erf)  }
0x8d: {  	v17 =	vpsel !p6, $0x0, v17  }
0x8e: {  	[tilespmem:$0x13790] =	vst v17  }
0x8f: {  	v17 =	vld [tilespmem:s5+$0x20]  }
0x90: {  	v18 =	vld [tilespmem:s6+$0xFFFFFFE0];
	_ =	sdelay $0x6  }
0x91: {  	v17 =	vld.idx.msk [tilespmem:v17+s25+$0x0], $0xffff  }
0x92: {  	v18 =	vld.idx.msk [tilespmem:v18+s26+$0x0], $0xffff;
	_ =	sdelay $0x4  }
0x93: {  	v17 =	vadd.f32 v18, v17;
	_ =	sdelay $0x1  }
0x94: {  	v18 =	vmul.f32 $2.000000030e-01, v17;
	_ =	sdelay $0x1  }
0x95: {  	v17 =	vmax.f32 v17, v18  }
0x96: {  	v17 =	vmul.f32 $1.442695020e+00, v17;
	_ =	sdelay $0x1  }
0x97: {  	(erf) = vpow2.f32 v17;
	_ =	sdelay $0x7  }
0x98: {  	s28 =	sadd.s32 $0x20, s8  }
0x99: {  	p1 =	slt.u32 s28, $0x4E200;
	v17 =	vpop (erf)  }
0x9a: {  	v17 =	vpsel !p1, $0x0, v17  }
0x9b: {  	[tilespmem:$0x137A0] =	vst v17  }
0x9c: {  	v17 =	vld [tilespmem:s5+$0x30]  }
0x9d: {  	v18 =	vld [tilespmem:s6+$0xFFFFFFF0];
	_ =	sdelay $0x6  }
0x9e: {  	v17 =	vld.idx.msk [tilespmem:v17+s25+$0x0], $0xffff  }
0x9f: {  	v18 =	vld.idx.msk [tilespmem:v18+s26+$0x0], $0xffff;
	_ =	sdelay $0x4  }
0xa0: {  	v17 =	vadd.f32 v18, v17;
	_ =	sdelay $0x1  }
0xa1: {  	v18 =	vmul.f32 $2.000000030e-01, v17;
	_ =	sdelay $0x1  }
0xa2: {  	v17 =	vmax.f32 v17, v18  }
0xa3: {  	v17 =	vmul.f32 $1.442695020e+00, v17;
	_ =	sdelay $0x1  }
0xa4: {  	(erf) = vpow2.f32 v17;
	_ =	sdelay $0x7  }
0xa5: {  	s10 =	sadd.s32 $0x30, s8  }
0xa6: {  	p2 =	slt.u32 s10, $0x4E200;
	v17 =	vpop (erf)  }
0xa7: {  	v17 =	vpsel !p2, $0x0, v17  }
0xa8: {  	[tilespmem:$0x137B0] =	vst v17  }
0xa9: {  	v17 =	vld [tilespmem:s5+$0x40]  }
0xaa: {  	v18 =	vld [tilespmem:s6+$0x0];
	_ =	sdelay $0x6  }
0xab: {  	v17 =	vld.idx.msk [tilespmem:v17+s25+$0x0], $0xffff  }
0xac: {  	v18 =	vld.idx.msk [tilespmem:v18+s26+$0x0], $0xffff;
	_ =	sdelay $0x4  }
0xad: {  	v17 =	vadd.f32 v18, v17;
	_ =	sdelay $0x1  }
0xae: {  	v18 =	vmul.f32 $2.000000030e-01, v17;
	_ =	sdelay $0x1  }
0xaf: {  	v17 =	vmax.f32 v17, v18  }
0xb0: {  	v17 =	vmul.f32 $1.442695020e+00, v17;
	_ =	sdelay $0x1  }
0xb1: {  	(erf) = vpow2.f32 v17;
	_ =	sdelay $0x7  }
0xb2: {  	s17 =	sadd.s32 $0x40, s8  }
0xb3: {  	p3 =	slt.u32 s17, $0x4E200;
	v17 =	vpop (erf)  }
0xb4: {  	v17 =	vpsel !p3, $0x0, v17  }
0xb5: {  	[tilespmem:$0x137C0] =	vst v17  }
0xb6: {  	v17 =	vld [tilespmem:s5+$0x50]  }
0xb7: {  	v18 =	vld [tilespmem:s6+$0x10];
	_ =	sdelay $0x6  }
0xb8: {  	v17 =	vld.idx.msk [tilespmem:v17+s25+$0x0], $0xffff  }
0xb9: {  	v18 =	vld.idx.msk [tilespmem:v18+s26+$0x0], $0xffff;
	_ =	sdelay $0x4  }
0xba: {  	v17 =	vadd.f32 v18, v17;
	_ =	sdelay $0x1  }
0xbb: {  	v18 =	vmul.f32 $2.000000030e-01, v17;
	_ =	sdelay $0x1  }
0xbc: {  	v17 =	vmax.f32 v17, v18  }
0xbd: {  	v17 =	vmul.f32 $1.442695020e+00, v17;
	_ =	sdelay $0x1  }
0xbe: {  	(erf) = vpow2.f32 v17;
	_ =	sdelay $0x7  }
0xbf: {  	s19 =	sadd.s32 $0x50, s8  }
0xc0: {  	p4 =	slt.u32 s19, $0x4E200;
	v17 =	vpop (erf)  }
0xc1: {  	v17 =	vpsel !p4, $0x0, v17  }
0xc2: {  	[tilespmem:$0x137D0] =	vst v17  }
0xc3: {  	v17 =	vld [tilespmem:s5+$0x60]  }
0xc4: {  	v18 =	vld [tilespmem:s6+$0x20];
	_ =	sdelay $0x6  }
0xc5: {  	v17 =	vld.idx.msk [tilespmem:v17+s25+$0x0], $0xffff  }
0xc6: {  	v18 =	vld.idx.msk [tilespmem:v18+s26+$0x0], $0xffff;
	_ =	sdelay $0x4  }
0xc7: {  	v17 =	vadd.f32 v18, v17;
	_ =	sdelay $0x1  }
0xc8: {  	v18 =	vmul.f32 $2.000000030e-01, v17;
	_ =	sdelay $0x1  }
0xc9: {  	v17 =	vmax.f32 v17, v18  }
0xca: {  	v17 =	vmul.f32 $1.442695020e+00, v17;
	_ =	sdelay $0x1  }
0xcb: {  	(erf) = vpow2.f32 v17;
	_ =	sdelay $0x7  }
0xcc: {  	s28 =	sadd.s32 $0x60, s8  }
0xcd: {  	p5 =	slt.u32 s28, $0x4E200;
	v17 =	vpop (erf)  }
0xce: {  	v17 =	vpsel !p5, $0x0, v17  }
0xcf: {  	[tilespmem:$0x137E0] =	vst v17  }
0xd0: {  	v17 =	vld [tilespmem:s5+$0x70]  }
0xd1: {  	v18 =	vld [tilespmem:s6+$0x30];
	_ =	sdelay $0x6  }
0xd2: {  	v17 =	vld.idx.msk [tilespmem:v17+s25+$0x0], $0xffff  }
0xd3: {  	v18 =	vld.idx.msk [tilespmem:v18+s26+$0x0], $0xffff;
	_ =	sdelay $0x4  }
0xd4: {  	v17 =	vadd.f32 v18, v17;
	_ =	sdelay $0x1  }
0xd5: {  	v18 =	vmul.f32 $2.000000030e-01, v17;
	_ =	sdelay $0x1  }
0xd6: {  	v17 =	vmax.f32 v17, v18  }
0xd7: {  	v17 =	vmul.f32 $1.442695020e+00, v17;
	_ =	sdelay $0x1  }
0xd8: {  	(erf) = vpow2.f32 v17;
	_ =	sdelay $0x7  }
0xd9: {  	s8 =	sadd.s32 $0x70, s8  }
0xda: {  	p6 =	slt.u32 s8, $0x4E200;
	v17 =	vpop (erf)  }
0xdb: {  	p0 =	sne.s32 s7, $0x4E00;
	v17 =	vpsel !p6, $0x0, v17  }
.Ltmp1:
0xdc: {  	[tilespmem:$0x137F0] =	vst v17;
	(pc) =	sbr.rel @p0 .LBB2_4-.Ltmp1, $4  }
0xdd: {  	[spmem:s2] =	stream.indirect.scatter.add.f32 [tilespmem:s31], [sflag:$0x2], $0x1, s5, s30, $0xb8;
	[tilespmem:$0x1DA80] =	vst v63  }
0xde: {  	_ =	swait.ge [sflag:s23], $0x80  }
0xdf: {  	s7 =	sadd.s32 $0x80, s7;
	[sflag:s23] =	ssyncset.done $0x0  }
0xe0: {  	s6 =	sadd.s32 $0x80, s6;
	s5 =	sadd.s32 $0x80, s5;
	[sflag:s23] =	ssyncadd.s32 $0xFFFFFF80  }
0xe1: {  	[bflag:$0x0] =	sbarrier.arrive $0xFFFF  }
0xe2: {  	[tilespmem:s0], [sflag:$0x2] =	stream.linear.gather [spmem:s2], $0x2800, $0x38;
	[tilespmem:$0x1DA80] =	vst v63  }
0xe3: {  	_ =	swait.ge [sflag:s23], $0x2800  }
0xe4: {  	s28 =	simm.s32 $0x0;
	s6 =	simm.s32 $0x4E80;
	[sflag:s23] =	ssyncset.done $0x0  }
0xe5: {  	s7 =	smov.u32 s16;
	s8 =	simm.s32 $0x0;
	[sflag:s23] =	ssyncadd.s32 $0xFFFFD800  }
.LBB2_6:
0xe6: {  	s5 =	sshll.u32 s8, $0x9  }
0xe7: {  	s9 =	sshrl.u32 s5, $0x2  }
0xe8: {  	s5 =	sadd.s32 $0x4E80, s9  }
0xe9: {  	v17 =	vmov s28;
	[tilespmem:s29], [sflag:$0x1] =	stream.indirect.gather [hbm4b:s18+s30], $0x40, s5, s30, $0xb8;
	[tilespmem:$0x1DA80] =	vst v63  }
0xea: {  	v18 =	vmov s6;
	_ =	swait.ge [sflag:s1], $0x2000  }
0xeb: {  	s10 =	simm.s32 $0x11700;
	[sflag:s1] =	ssyncset.done $0x0  }
0xec: {  	s17 =	simm.s32 $0x0;
	s5 =	smov.u32 s7;
	[sflag:s1] =	ssyncadd.s32 $0xFFFFE000  }
.LBB2_7:
0xed: {  	s19 =	sshra.s32 s17, $0x2  }
0xee: {  	v19 =	vld.idx.msk [tilespmem:v17+s19+$0x0 ss:$0x1], $0xffff  }
0xef: {  	v20 =	vld.idx.msk [tilespmem:v18+s19+$0x0 ss:$0x1], $0xffff;
	_ =	sdelay $0x6  }
0xf0: {  	v21 =	vld.idx.msk [tilespmem:v19+s25+$0x0], $0xffff  }
0xf1: {  	v20 =	vld.idx.msk [tilespmem:v20+s26+$0x0], $0xffff;
	_ =	sdelay $0x4  }
0xf2: {  	v20 =	vadd.f32 v20, v21  }
0xf3: {  	v19 =	vld.idx.msk [tilespmem:v19+s0+$0x0], $0xffff  }
0xf4: {  	v21 =	vmul.f32 $2.000000030e-01, v20;
	_ =	sdelay $0x1  }
0xf5: {  	v20 =	vmax.f32 v20, v21  }
0xf6: {  	v20 =	vmul.f32 $1.442695020e+00, v20  }
0xf7: {  	v19 =	vadd.f32 $1.000000010e-10, v19  }
0xf8: {  	(erf) = vpow2.f32 v20  }
0xf9: {  	(erf) = vrcp.f32 v19;
	_ =	sdelay $0x7  }
0xfa: {  	p0 =	slt.u32 s5, $0x4E200;
	v19 =	vpop (erf)  }
0xfb: {  	v46 =	vld [tilespmem:s10+$0xFFFFFE00];
	v19 =	vpsel !p0, $0x0, v19;
	v20 =	vpop (erf)  }
0xfc: {  	v19 =	vmul.f32 v19, v20  }
0xfd: {  	v47 =	vld [tilespmem:s10+$0xFFFFFE10]  }
0xfe: {  	v48 =	vld [tilespmem:s10+$0xFFFFFE20];
	v20 =	vperm.xlane v19, v1  }
0xff: {  	v49 =	vld [tilespmem:s10+$0xFFFFFE30]  }
0x100: {  	v21 =	vmul.f32 v46, v20;
	_ =	sdelay $0x1  }
0x101: {  	[tilespmem:s10+$0xFFFFFE00] =	vst v21;
	v21 =	vmul.f32 v47, v20;
	_ =	sdelay $0x1  }
0x102: {  	[tilespmem:s10+$0xFFFFFE10] =	vst v21;
	v21 =	vmul.f32 v48, v20;
	v20 =	vmul.f32 v49, v20;
	_ =	sdelay $0x1  }
0x103: {  	[tilespmem:s10+$0xFFFFFE30] =	vst v20;
	v20 =	vld [tilespmem:s10+$0xFFFFFE40];
	_ =	sdelay $0x2  }
0x104: {  	v50 =	vperm.xlane v19, v2;
	_ =	sdelay $0x1  }
0x105: {  	v20 =	vmul.f32 v20, v50;
	_ =	sdelay $0x1  }
0x106: {  	[tilespmem:s10+$0xFFFFFE40] =	vst v20;
	v20 =	vld [tilespmem:s10+$0xFFFFFE50];
	_ =	sdelay $0x4  }
0x107: {  	v20 =	vmul.f32 v20, v50;
	_ =	sdelay $0x1  }
0x108: {  	[tilespmem:s10+$0xFFFFFE50] =	vst v20;
	v20 =	vld [tilespmem:s10+$0xFFFFFE60];
	_ =	sdelay $0x4  }
0x109: {  	v20 =	vmul.f32 v20, v50;
	_ =	sdelay $0x1  }
0x10a: {  	[tilespmem:s10+$0xFFFFFE60] =	vst v20;
	v20 =	vld [tilespmem:s10+$0xFFFFFE70];
	_ =	sdelay $0x4  }
0x10b: {  	v20 =	vmul.f32 v20, v50;
	_ =	sdelay $0x1  }
0x10c: {  	[tilespmem:s10+$0xFFFFFE70] =	vst v20;
	v20 =	vld [tilespmem:s10+$0xFFFFFE80];
	_ =	sdelay $0x2  }
0x10d: {  	v51 =	vperm.xlane v19, v3;
	_ =	sdelay $0x1  }
0x10e: {  	v20 =	vmul.f32 v20, v51;
	_ =	sdelay $0x1  }
0x10f: {  	[tilespmem:s10+$0xFFFFFE80] =	vst v20;
	v20 =	vld [tilespmem:s10+$0xFFFFFE90];
	_ =	sdelay $0x4  }
0x110: {  	v20 =	vmul.f32 v20, v51;
	_ =	sdelay $0x1  }
0x111: {  	[tilespmem:s10+$0xFFFFFE90] =	vst v20;
	v20 =	vld [tilespmem:s10+$0xFFFFFEA0];
	_ =	sdelay $0x4  }
0x112: {  	v20 =	vmul.f32 v20, v51;
	_ =	sdelay $0x1  }
0x113: {  	[tilespmem:s10+$0xFFFFFEA0] =	vst v20;
	v20 =	vld [tilespmem:s10+$0xFFFFFEB0];
	_ =	sdelay $0x4  }
0x114: {  	v20 =	vmul.f32 v20, v51;
	_ =	sdelay $0x1  }
0x115: {  	[tilespmem:s10+$0xFFFFFEB0] =	vst v20;
	v20 =	vld [tilespmem:s10+$0xFFFFFEC0];
	_ =	sdelay $0x2  }
0x116: {  	v52 =	vperm.xlane v19, v4;
	_ =	sdelay $0x1  }
0x117: {  	v20 =	vmul.f32 v20, v52;
	_ =	sdelay $0x1  }
0x118: {  	[tilespmem:s10+$0xFFFFFEC0] =	vst v20;
	v20 =	vld [tilespmem:s10+$0xFFFFFED0];
	_ =	sdelay $0x4  }
0x119: {  	v20 =	vmul.f32 v20, v52;
	_ =	sdelay $0x1  }
0x11a: {  	[tilespmem:s10+$0xFFFFFED0] =	vst v20;
	v20 =	vld [tilespmem:s10+$0xFFFFFEE0];
	_ =	sdelay $0x4  }
0x11b: {  	v20 =	vmul.f32 v20, v52;
	_ =	sdelay $0x1  }
0x11c: {  	[tilespmem:s10+$0xFFFFFEE0] =	vst v20;
	v20 =	vld [tilespmem:s10+$0xFFFFFEF0];
	_ =	sdelay $0x4  }
0x11d: {  	v20 =	vmul.f32 v20, v52;
	_ =	sdelay $0x1  }
0x11e: {  	[tilespmem:s10+$0xFFFFFEF0] =	vst v20;
	v20 =	vld [tilespmem:s10+$0xFFFFFF00];
	_ =	sdelay $0x2  }
0x11f: {  	v53 =	vperm.xlane v19, v5;
	_ =	sdelay $0x1  }
0x120: {  	v20 =	vmul.f32 v20, v53;
	_ =	sdelay $0x1  }
0x121: {  	[tilespmem:s10+$0xFFFFFF00] =	vst v20;
	v20 =	vld [tilespmem:s10+$0xFFFFFF10];
	_ =	sdelay $0x4  }
0x122: {  	v20 =	vmul.f32 v20, v53;
	_ =	sdelay $0x1  }
0x123: {  	[tilespmem:s10+$0xFFFFFF10] =	vst v20;
	v20 =	vld [tilespmem:s10+$0xFFFFFF20];
	_ =	sdelay $0x4  }
0x124: {  	v20 =	vmul.f32 v20, v53;
	_ =	sdelay $0x1  }
0x125: {  	[tilespmem:s10+$0xFFFFFF20] =	vst v20;
	v20 =	vld [tilespmem:s10+$0xFFFFFF30];
	_ =	sdelay $0x4  }
0x126: {  	v20 =	vmul.f32 v20, v53;
	_ =	sdelay $0x1  }
0x127: {  	[tilespmem:s10+$0xFFFFFF30] =	vst v20;
	v20 =	vld [tilespmem:s10+$0xFFFFFF40];
	_ =	sdelay $0x2  }
0x128: {  	v54 =	vperm.xlane v19, v6;
	_ =	sdelay $0x1  }
0x129: {  	v20 =	vmul.f32 v20, v54;
	_ =	sdelay $0x1  }
0x12a: {  	[tilespmem:s10+$0xFFFFFF40] =	vst v20;
	v20 =	vld [tilespmem:s10+$0xFFFFFF50];
	_ =	sdelay $0x4  }
0x12b: {  	v20 =	vmul.f32 v20, v54;
	_ =	sdelay $0x1  }
0x12c: {  	[tilespmem:s10+$0xFFFFFF50] =	vst v20;
	v20 =	vld [tilespmem:s10+$0xFFFFFF60];
	_ =	sdelay $0x4  }
0x12d: {  	v20 =	vmul.f32 v20, v54;
	_ =	sdelay $0x1  }
0x12e: {  	[tilespmem:s10+$0xFFFFFF60] =	vst v20;
	v20 =	vld [tilespmem:s10+$0xFFFFFF70];
	_ =	sdelay $0x4  }
0x12f: {  	v20 =	vmul.f32 v20, v54;
	_ =	sdelay $0x1  }
0x130: {  	[tilespmem:s10+$0xFFFFFF70] =	vst v20;
	v20 =	vld [tilespmem:s10+$0xFFFFFF80];
	_ =	sdelay $0x2  }
0x131: {  	v55 =	vperm.xlane v19, v7;
	_ =	sdelay $0x1  }
0x132: {  	v20 =	vmul.f32 v20, v55;
	_ =	sdelay $0x1  }
0x133: {  	[tilespmem:s10+$0xFFFFFF80] =	vst v20;
	v20 =	vld [tilespmem:s10+$0xFFFFFF90];
	_ =	sdelay $0x4  }
0x134: {  	v20 =	vmul.f32 v20, v55;
	_ =	sdelay $0x1  }
0x135: {  	[tilespmem:s10+$0xFFFFFF90] =	vst v20;
	v20 =	vld [tilespmem:s10+$0xFFFFFFA0];
	_ =	sdelay $0x4  }
0x136: {  	v20 =	vmul.f32 v20, v55;
	_ =	sdelay $0x1  }
0x137: {  	[tilespmem:s10+$0xFFFFFFA0] =	vst v20;
	v20 =	vld [tilespmem:s10+$0xFFFFFFB0];
	_ =	sdelay $0x4  }
0x138: {  	v20 =	vmul.f32 v20, v55;
	_ =	sdelay $0x1  }
0x139: {  	[tilespmem:s10+$0xFFFFFFB0] =	vst v20;
	v20 =	vld [tilespmem:s10+$0xFFFFFFC0];
	_ =	sdelay $0x2  }
0x13a: {  	v56 =	vperm.xlane v19, v8;
	_ =	sdelay $0x1  }
0x13b: {  	v20 =	vmul.f32 v20, v56;
	_ =	sdelay $0x1  }
0x13c: {  	[tilespmem:s10+$0xFFFFFFC0] =	vst v20;
	v20 =	vld [tilespmem:s10+$0xFFFFFFD0];
	_ =	sdelay $0x4  }
0x13d: {  	v20 =	vmul.f32 v20, v56;
	_ =	sdelay $0x1  }
0x13e: {  	[tilespmem:s10+$0xFFFFFFD0] =	vst v20;
	v20 =	vld [tilespmem:s10+$0xFFFFFFE0];
	_ =	sdelay $0x4  }
0x13f: {  	v20 =	vmul.f32 v20, v56;
	_ =	sdelay $0x1  }
0x140: {  	[tilespmem:s10+$0xFFFFFFE0] =	vst v20;
	v20 =	vld [tilespmem:s10+$0xFFFFFFF0];
	_ =	sdelay $0x4  }
0x141: {  	v20 =	vmul.f32 v20, v56;
	_ =	sdelay $0x1  }
0x142: {  	[tilespmem:s10+$0xFFFFFFF0] =	vst v20;
	v20 =	vld [tilespmem:s10+$0x0];
	_ =	sdelay $0x2  }
0x143: {  	v57 =	vperm.xlane v19, v9;
	_ =	sdelay $0x1  }
0x144: {  	v20 =	vmul.f32 v20, v57;
	_ =	sdelay $0x1  }
0x145: {  	[tilespmem:s10+$0x0] =	vst v20;
	v20 =	vld [tilespmem:s10+$0x10];
	_ =	sdelay $0x4  }
0x146: {  	v20 =	vmul.f32 v20, v57;
	_ =	sdelay $0x1  }
0x147: {  	[tilespmem:s10+$0x10] =	vst v20;
	v20 =	vld [tilespmem:s10+$0x20];
	_ =	sdelay $0x4  }
0x148: {  	v20 =	vmul.f32 v20, v57;
	_ =	sdelay $0x1  }
0x149: {  	[tilespmem:s10+$0x20] =	vst v20;
	v20 =	vld [tilespmem:s10+$0x30];
	_ =	sdelay $0x4  }
0x14a: {  	v20 =	vmul.f32 v20, v57;
	_ =	sdelay $0x1  }
0x14b: {  	[tilespmem:s10+$0x30] =	vst v20;
	v20 =	vld [tilespmem:s10+$0x40];
	_ =	sdelay $0x2  }
0x14c: {  	v58 =	vperm.xlane v19, v10;
	_ =	sdelay $0x1  }
0x14d: {  	v20 =	vmul.f32 v20, v58;
	_ =	sdelay $0x1  }
0x14e: {  	[tilespmem:s10+$0x40] =	vst v20;
	v20 =	vld [tilespmem:s10+$0x50];
	_ =	sdelay $0x4  }
0x14f: {  	v20 =	vmul.f32 v20, v58;
	_ =	sdelay $0x1  }
0x150: {  	[tilespmem:s10+$0x50] =	vst v20;
	v20 =	vld [tilespmem:s10+$0x60];
	_ =	sdelay $0x4  }
0x151: {  	v20 =	vmul.f32 v20, v58;
	_ =	sdelay $0x1  }
0x152: {  	[tilespmem:s10+$0x60] =	vst v20;
	v20 =	vld [tilespmem:s10+$0x70];
	_ =	sdelay $0x4  }
0x153: {  	v20 =	vmul.f32 v20, v58;
	_ =	sdelay $0x1  }
0x154: {  	[tilespmem:s10+$0x70] =	vst v20;
	v20 =	vld [tilespmem:s10+$0x80];
	_ =	sdelay $0x2  }
0x155: {  	v59 =	vperm.xlane v19, v11;
	_ =	sdelay $0x1  }
0x156: {  	v20 =	vmul.f32 v20, v59;
	_ =	sdelay $0x1  }
0x157: {  	[tilespmem:s10+$0x80] =	vst v20;
	v20 =	vld [tilespmem:s10+$0x90];
	_ =	sdelay $0x4  }
0x158: {  	v20 =	vmul.f32 v20, v59;
	_ =	sdelay $0x1  }
0x159: {  	[tilespmem:s10+$0x90] =	vst v20;
	v20 =	vld [tilespmem:s10+$0xA0];
	_ =	sdelay $0x4  }
0x15a: {  	v20 =	vmul.f32 v20, v59;
	_ =	sdelay $0x1  }
0x15b: {  	[tilespmem:s10+$0xA0] =	vst v20;
	v20 =	vld [tilespmem:s10+$0xB0];
	_ =	sdelay $0x4  }
0x15c: {  	v20 =	vmul.f32 v20, v59;
	_ =	sdelay $0x1  }
0x15d: {  	[tilespmem:s10+$0xB0] =	vst v20;
	v20 =	vld [tilespmem:s10+$0xC0];
	_ =	sdelay $0x2  }
0x15e: {  	v60 =	vperm.xlane v19, v12;
	_ =	sdelay $0x1  }
0x15f: {  	v20 =	vmul.f32 v20, v60;
	_ =	sdelay $0x1  }
0x160: {  	[tilespmem:s10+$0xC0] =	vst v20;
	v20 =	vld [tilespmem:s10+$0xD0];
	_ =	sdelay $0x4  }
0x161: {  	v20 =	vmul.f32 v20, v60;
	_ =	sdelay $0x1  }
0x162: {  	[tilespmem:s10+$0xD0] =	vst v20;
	v20 =	vld [tilespmem:s10+$0xE0];
	_ =	sdelay $0x4  }
0x163: {  	v20 =	vmul.f32 v20, v60;
	_ =	sdelay $0x1  }
0x164: {  	[tilespmem:s10+$0xE0] =	vst v20;
	v20 =	vld [tilespmem:s10+$0xF0];
	_ =	sdelay $0x4  }
0x165: {  	v20 =	vmul.f32 v20, v60;
	_ =	sdelay $0x1  }
0x166: {  	[tilespmem:s10+$0xF0] =	vst v20;
	v20 =	vld [tilespmem:s10+$0x100];
	_ =	sdelay $0x2  }
0x167: {  	v61 =	vperm.xlane v19, v13;
	_ =	sdelay $0x1  }
0x168: {  	v20 =	vmul.f32 v20, v61;
	_ =	sdelay $0x1  }
0x169: {  	[tilespmem:s10+$0x100] =	vst v20;
	v20 =	vld [tilespmem:s10+$0x110];
	_ =	sdelay $0x4  }
0x16a: {  	v20 =	vmul.f32 v20, v61;
	_ =	sdelay $0x1  }
0x16b: {  	[tilespmem:s10+$0x110] =	vst v20;
	v20 =	vld [tilespmem:s10+$0x120];
	_ =	sdelay $0x4  }
0x16c: {  	v20 =	vmul.f32 v20, v61;
	_ =	sdelay $0x1  }
0x16d: {  	[tilespmem:s10+$0x120] =	vst v20;
	v20 =	vld [tilespmem:s10+$0x130];
	_ =	sdelay $0x4  }
0x16e: {  	v20 =	vmul.f32 v20, v61;
	_ =	sdelay $0x1  }
0x16f: {  	[tilespmem:s10+$0x130] =	vst v20;
	v20 =	vld [tilespmem:s10+$0x140];
	_ =	sdelay $0x2  }
0x170: {  	v62 =	vperm.xlane v19, v14;
	_ =	sdelay $0x1  }
0x171: {  	v20 =	vmul.f32 v20, v62;
	_ =	sdelay $0x1  }
0x172: {  	[tilespmem:s10+$0x140] =	vst v20;
	v20 =	vld [tilespmem:s10+$0x150];
	_ =	sdelay $0x4  }
0x173: {  	v20 =	vmul.f32 v20, v62;
	_ =	sdelay $0x1  }
0x174: {  	[tilespmem:s10+$0x150] =	vst v20;
	v20 =	vld [tilespmem:s10+$0x160];
	_ =	sdelay $0x4  }
0x175: {  	v20 =	vmul.f32 v20, v62;
	_ =	sdelay $0x1  }
0x176: {  	[tilespmem:s10+$0x160] =	vst v20;
	v20 =	vld [tilespmem:s10+$0x170];
	_ =	sdelay $0x4  }
0x177: {  	v20 =	vmul.f32 v20, v62;
	_ =	sdelay $0x1  }
0x178: {  	[tilespmem:s10+$0x170] =	vst v20;
	v20 =	vld [tilespmem:s10+$0x180];
	_ =	sdelay $0x2  }
0x179: {  	v63 =	vperm.xlane v19, v15;
	_ =	sdelay $0x1  }
0x17a: {  	v20 =	vmul.f32 v20, v63;
	_ =	sdelay $0x1  }
0x17b: {  	[tilespmem:s10+$0x180] =	vst v20;
	v20 =	vld [tilespmem:s10+$0x190];
	_ =	sdelay $0x4  }
0x17c: {  	v20 =	vmul.f32 v20, v63;
	_ =	sdelay $0x1  }
0x17d: {  	[tilespmem:s10+$0x190] =	vst v20;
	v20 =	vld [tilespmem:s10+$0x1A0];
	_ =	sdelay $0x4  }
0x17e: {  	v20 =	vmul.f32 v20, v63;
	_ =	sdelay $0x1  }
0x17f: {  	[tilespmem:s10+$0x1A0] =	vst v20;
	v20 =	vld [tilespmem:s10+$0x1B0];
	_ =	sdelay $0x4  }
0x180: {  	v20 =	vmul.f32 v20, v63;
	_ =	sdelay $0x1  }
0x181: {  	[tilespmem:s10+$0x1B0] =	vst v20;
	v20 =	vld [tilespmem:s10+$0x1C0];
	_ =	sdelay $0x2  }
0x182: {  	v19 =	vperm.xlane v19, v16;
	_ =	sdelay $0x1  }
0x183: {  	v20 =	vmul.f32 v20, v19;
	_ =	sdelay $0x1  }
0x184: {  	[tilespmem:s10+$0x1C0] =	vst v20;
	v20 =	vld [tilespmem:s10+$0x1D0];
	_ =	sdelay $0x4  }
0x185: {  	v20 =	vmul.f32 v20, v19;
	_ =	sdelay $0x1  }
0x186: {  	[tilespmem:s10+$0x1D0] =	vst v20;
	v20 =	vld [tilespmem:s10+$0x1E0];
	_ =	sdelay $0x4  }
0x187: {  	v20 =	vmul.f32 v20, v19;
	_ =	sdelay $0x1  }
0x188: {  	[tilespmem:s10+$0x1E0] =	vst v20;
	v20 =	vld [tilespmem:s10+$0x1F0];
	_ =	sdelay $0x1  }
0x189: {  	p0 =	sne.s32 s17, $0x1C0  }
.Ltmp2:
0x18a: {  	_ = 	snop;
	(pc) =	sbr.rel @p0 .LBB2_7-.Ltmp2, $4  }
0x18b: {  	_ = 	snop  }
0x18c: {  	v19 =	vmul.f32 v20, v19  }
0x18d: {  	[tilespmem:s10+$0xFFFFFE20] =	vst v21  }
0x18e: {  	s5 =	sadd.s32 $0x10, s5;
	s17 =	sadd.s32 $0x40, s17;
	[tilespmem:s10+$0x1F0] =	vst v19;
	s10 =	sadd.s32 $0x400, s10  }
0x18f: {  	s8 =	sadd.s32 $0x1, s8  }
0x190: {  	p0 =	sne.s32 s8, $0x9D  }
.Ltmp3:
0x191: {  	_ = 	snop;
	(pc) =	sbr.rel @p0 .LBB2_6-.Ltmp3, $4  }
0x192: {  	[spmem:s3] =	stream.indirect.scatter.add.f32 [tilespmem:s29], [sflag:$0x2], $0x40, s9, s30, $0xb8;
	[tilespmem:$0x1DA80] =	vst v63  }
0x193: {  	_ =	swait.ge [sflag:s23], $0x2000  }
0x194: {  	s7 =	sadd.s32 $0x80, s7;
	[sflag:s23] =	ssyncset.done $0x0  }
0x195: {  	s6 =	sadd.s32 $0x80, s6;
	s28 =	sadd.s32 $0x80, s28;
	[sflag:s23] =	ssyncadd.s32 $0xFFFFE000  }
0x196: {  	[bflag:$0x0] =	sbarrier.arrive $0xFFFF  }
0x197: {  	[tilespmem:s29], [sflag:$0x2] =	stream.linear.gather [spmem:s11], $0x2000, $0x38;
	[tilespmem:$0x1DA80] =	vst v63  }
0x198: {  	_ =	swait.ge [sflag:s23], $0x2000  }
0x199: {  	[sflag:s23] =	ssyncset.done $0x0  }
0x19a: {  	s5 =	simm.s32 $0x0;
	[sflag:s23] =	ssyncadd.s32 $0xFFFFE000  }
0x19b: {  	v19 =	vld [tilespmem:s5+$0x11500]  }
0x19c: {  	v18 =	vld [tilespmem:s5+$0x11510]  }
0x19d: {  	s6 =	simm.s32 $0x100;
	v17 =	vld [tilespmem:s5+$0x11520]  }
.LBB2_10:
0x19e: {  	p0 =	sne.s32 s6, $0x7F00;
	v20 =	vld [tilespmem:s5+$0x11530];
	_ =	sdelay $0x1  }
0x19f: {  	v21 =	vmul.f32 $1.442695020e+00, v19  }
0x1a0: {  	v22 =	vmul.f32 $1.442695020e+00, v18  }
0x1a1: {  	v23 =	vmul.f32 $1.442695020e+00, v17;
	(erf) = vpow2.f32 v21  }
0x1a2: {  	v21 =	vmul.f32 $1.442695020e+00, v20;
	(erf) = vpow2.f32 v22  }
0x1a3: {  	(erf) = vpow2.f32 v23  }
0x1a4: {  	(erf) = vpow2.f32 v21;
	_ =	sdelay $0x5  }
0x1a5: {  	v21 =	vpop (erf)  }
0x1a6: {  	v21 =	vadd.f32 $-1.000000000e+00, v21;
	v22 =	vpop (erf)  }
0x1a7: {  	vm0 =	vgt.f32 v19, $0.0e+00;
	v22 =	vadd.f32 $-1.000000000e+00, v22;
	v23 =	vpop (erf)  }
.Ltmp4:
0x1a8: {  	v19 =	vsel vm0, v19, v21;
	vm0 =	vgt.f32 v18, $0.0e+00;
	v21 =	vadd.f32 $-1.000000000e+00, v23;
	v23 =	vpop (erf);
	(pc) =	sbr.rel @p0 .LBB2_10-.Ltmp4, $4  }
0x1a9: {  	s7 =	sshra.s32 s6, $0x2;
	[tilespmem:s5+$0x11500] =	vst v19;
	v18 =	vsel vm0, v18, v22;
	vm0 =	vgt.f32 v17, $0.0e+00;
	v22 =	vadd.f32 $-1.000000000e+00, v23  }
0x1aa: {  	v19 =	vld [tilespmem:s7+$0x11500];
	[tilespmem:s5+$0x11510] =	vst v18;
	v17 =	vsel vm0, v17, v21;
	vm0 =	vgt.f32 v20, $0.0e+00  }
0x1ab: {  	v18 =	vld [tilespmem:s7+$0x11510];
	[tilespmem:s5+$0x11520] =	vst v17;
	v20 =	vsel vm0, v20, v22  }
0x1ac: {  	s6 =	sadd.s32 $0x100, s6;
	v17 =	vld [tilespmem:s7+$0x11520];
	[tilespmem:s5+$0x11530] =	vst v20;
	s5 =	smov.u32 s7  }
0x1ad: {  	v20 =	vld [tilespmem:s5+$0x11530];
	_ =	sdelay $0x1  }
0x1ae: {  	v21 =	vmul.f32 $1.442695020e+00, v19  }
0x1af: {  	v22 =	vmul.f32 $1.442695020e+00, v18  }
0x1b0: {  	v23 =	vmul.f32 $1.442695020e+00, v17;
	(erf) = vpow2.f32 v21  }
0x1b1: {  	v60 =	vmul.f32 $1.442695020e+00, v20;
	(erf) = vpow2.f32 v22  }
0x1b2: {  	(erf) = vpow2.f32 v23  }
0x1b3: {  	(erf) = vpow2.f32 v60;
	_ =	sdelay $0x5  }
0x1b4: {  	v61 =	vpop (erf)  }
0x1b5: {  	v21 =	vadd.f32 $-1.000000000e+00, v61;
	v22 =	vpop (erf)  }
0x1b6: {  	vm0 =	vgt.f32 v19, $0.0e+00;
	v22 =	vadd.f32 $-1.000000000e+00, v22;
	v23 =	vpop (erf)  }
0x1b7: {  	vm13 =	vgt.f32 v18, $0.0e+00;
	v19 =	vsel vm0, v19, v21;
	v62 =	vadd.f32 $-1.000000000e+00, v23;
	v63 =	vpop (erf)  }
0x1b8: {  	vm14 =	vgt.f32 v17, $0.0e+00;
	[tilespmem:s5+$0x11500] =	vst v19;
	v18 =	vsel vm13, v18, v22;
	v19 =	vadd.f32 $-1.000000000e+00, v63  }
0x1b9: {  	vm15 =	vgt.f32 v20, $0.0e+00;
	[tilespmem:s5+$0x11510] =	vst v18;
	v17 =	vsel vm14, v17, v62  }
0x1ba: {  	[tilespmem:s5+$0x11520] =	vst v17;
	v17 =	vsel vm15, v20, v19  }
0x1bb: {  	s28 =	simm.s32 $0x0;
	s6 =	rddreg [dreg:$0xc];
	[tilespmem:s5+$0x11530] =	vst v17  }
0x1bc: {  	[hbm4b:s6+s28] =	stream.linear.scatter [tilespmem:s29], [sflag:$0x2], $0x2000, $0x38;
	[tilespmem:$0x1DA80] =	vst v63  }
0x1bd: {  	_ =	swait.ge [sflag:s23], $0x2000  }
0x1be: {  	[sflag:s23] =	ssyncset.done $0x0  }
0x1bf: {  	[sflag:s23] =	ssyncadd.s32 $0xFFFFE000  }
0x1c0: {  	[tilespmem:s29], [sflag:$0x2] =	stream.linear.gather [spmem:s12], $0x2000, $0x38;
	[tilespmem:$0x1DA80] =	vst v63  }
0x1c1: {  	_ =	swait.ge [sflag:s23], $0x2000  }
0x1c2: {  	[sflag:s23] =	ssyncset.done $0x0  }
0x1c3: {  	s5 =	simm.s32 $0x0;
	[sflag:s23] =	ssyncadd.s32 $0xFFFFE000  }
0x1c4: {  	v19 =	vld [tilespmem:s5+$0x11500]  }
0x1c5: {  	v18 =	vld [tilespmem:s5+$0x11510]  }
0x1c6: {  	s6 =	simm.s32 $0x100;
	v17 =	vld [tilespmem:s5+$0x11520]  }
.LBB2_12:
0x1c7: {  	p0 =	sne.s32 s6, $0x7F00;
	v20 =	vld [tilespmem:s5+$0x11530];
	_ =	sdelay $0x1  }
0x1c8: {  	v21 =	vmul.f32 $1.442695020e+00, v19  }
0x1c9: {  	v22 =	vmul.f32 $1.442695020e+00, v18  }
0x1ca: {  	v23 =	vmul.f32 $1.442695020e+00, v17;
	(erf) = vpow2.f32 v21  }
0x1cb: {  	v21 =	vmul.f32 $1.442695020e+00, v20;
	(erf) = vpow2.f32 v22  }
0x1cc: {  	(erf) = vpow2.f32 v23  }
0x1cd: {  	(erf) = vpow2.f32 v21;
	_ =	sdelay $0x5  }
0x1ce: {  	v21 =	vpop (erf)  }
0x1cf: {  	v21 =	vadd.f32 $-1.000000000e+00, v21;
	v22 =	vpop (erf)  }
0x1d0: {  	vm0 =	vgt.f32 v19, $0.0e+00;
	v22 =	vadd.f32 $-1.000000000e+00, v22;
	v23 =	vpop (erf)  }
.Ltmp5:
0x1d1: {  	v19 =	vsel vm0, v19, v21;
	vm0 =	vgt.f32 v18, $0.0e+00;
	v21 =	vadd.f32 $-1.000000000e+00, v23;
	v23 =	vpop (erf);
	(pc) =	sbr.rel @p0 .LBB2_12-.Ltmp5, $4  }
0x1d2: {  	s7 =	sshra.s32 s6, $0x2;
	[tilespmem:s5+$0x11500] =	vst v19;
	v18 =	vsel vm0, v18, v22;
	vm0 =	vgt.f32 v17, $0.0e+00;
	v22 =	vadd.f32 $-1.000000000e+00, v23  }
0x1d3: {  	v19 =	vld [tilespmem:s7+$0x11500];
	[tilespmem:s5+$0x11510] =	vst v18;
	v17 =	vsel vm0, v17, v21;
	vm0 =	vgt.f32 v20, $0.0e+00  }
0x1d4: {  	v18 =	vld [tilespmem:s7+$0x11510];
	[tilespmem:s5+$0x11520] =	vst v17;
	v20 =	vsel vm0, v20, v22  }
0x1d5: {  	s6 =	sadd.s32 $0x100, s6;
	v17 =	vld [tilespmem:s7+$0x11520];
	[tilespmem:s5+$0x11530] =	vst v20;
	s5 =	smov.u32 s7  }
0x1d6: {  	v20 =	vld [tilespmem:s5+$0x11530];
	_ =	sdelay $0x1  }
0x1d7: {  	v21 =	vmul.f32 $1.442695020e+00, v19  }
0x1d8: {  	v22 =	vmul.f32 $1.442695020e+00, v18  }
0x1d9: {  	v23 =	vmul.f32 $1.442695020e+00, v17;
	(erf) = vpow2.f32 v21  }
0x1da: {  	v60 =	vmul.f32 $1.442695020e+00, v20;
	(erf) = vpow2.f32 v22  }
0x1db: {  	(erf) = vpow2.f32 v23  }
0x1dc: {  	(erf) = vpow2.f32 v60;
	_ =	sdelay $0x5  }
0x1dd: {  	v61 =	vpop (erf)  }
0x1de: {  	v21 =	vadd.f32 $-1.000000000e+00, v61;
	v22 =	vpop (erf)  }
0x1df: {  	vm0 =	vgt.f32 v19, $0.0e+00;
	v22 =	vadd.f32 $-1.000000000e+00, v22;
	v23 =	vpop (erf)  }
0x1e0: {  	vm13 =	vgt.f32 v18, $0.0e+00;
	v19 =	vsel vm0, v19, v21;
	v62 =	vadd.f32 $-1.000000000e+00, v23;
	v63 =	vpop (erf)  }
0x1e1: {  	vm14 =	vgt.f32 v17, $0.0e+00;
	[tilespmem:s5+$0x11500] =	vst v19;
	v18 =	vsel vm13, v18, v22;
	v19 =	vadd.f32 $-1.000000000e+00, v63  }
0x1e2: {  	vm15 =	vgt.f32 v20, $0.0e+00;
	[tilespmem:s5+$0x11510] =	vst v18;
	v17 =	vsel vm14, v17, v62  }
0x1e3: {  	[tilespmem:s5+$0x11520] =	vst v17;
	v17 =	vsel vm15, v20, v19  }
0x1e4: {  	s28 =	simm.s32 $0x0;
	[tilespmem:s5+$0x11530] =	vst v17  }
0x1e5: {  	[hbm4b:s20+s28] =	stream.linear.scatter [tilespmem:s29], [sflag:$0x2], $0x2000, $0x38;
	[tilespmem:$0x1DA80] =	vst v63  }
0x1e6: {  	_ =	swait.ge [sflag:s23], $0x2000  }
0x1e7: {  	[sflag:s23] =	ssyncset.done $0x0  }
0x1e8: {  	[sflag:s23] =	ssyncadd.s32 $0xFFFFE000  }
0x1e9: {  	[tilespmem:s29], [sflag:$0x2] =	stream.linear.gather [spmem:s13], $0x2000, $0x38;
	[tilespmem:$0x1DA80] =	vst v63  }
0x1ea: {  	_ =	swait.ge [sflag:s23], $0x2000  }
0x1eb: {  	[sflag:s23] =	ssyncset.done $0x0  }
0x1ec: {  	s5 =	simm.s32 $0x0;
	[sflag:s23] =	ssyncadd.s32 $0xFFFFE000  }
0x1ed: {  	v19 =	vld [tilespmem:s5+$0x11500]  }
0x1ee: {  	v18 =	vld [tilespmem:s5+$0x11510]  }
0x1ef: {  	s6 =	simm.s32 $0x100;
	v17 =	vld [tilespmem:s5+$0x11520]  }
.LBB2_14:
0x1f0: {  	p0 =	sne.s32 s6, $0x7F00;
	v20 =	vld [tilespmem:s5+$0x11530];
	_ =	sdelay $0x1  }
0x1f1: {  	v21 =	vmul.f32 $1.442695020e+00, v19  }
0x1f2: {  	v22 =	vmul.f32 $1.442695020e+00, v18  }
0x1f3: {  	v23 =	vmul.f32 $1.442695020e+00, v17;
	(erf) = vpow2.f32 v21  }
0x1f4: {  	v21 =	vmul.f32 $1.442695020e+00, v20;
	(erf) = vpow2.f32 v22  }
0x1f5: {  	(erf) = vpow2.f32 v23  }
0x1f6: {  	(erf) = vpow2.f32 v21;
	_ =	sdelay $0x5  }
0x1f7: {  	v21 =	vpop (erf)  }
0x1f8: {  	v21 =	vadd.f32 $-1.000000000e+00, v21;
	v22 =	vpop (erf)  }
0x1f9: {  	vm0 =	vgt.f32 v19, $0.0e+00;
	v22 =	vadd.f32 $-1.000000000e+00, v22;
	v23 =	vpop (erf)  }
.Ltmp6:
0x1fa: {  	v19 =	vsel vm0, v19, v21;
	vm0 =	vgt.f32 v18, $0.0e+00;
	v21 =	vadd.f32 $-1.000000000e+00, v23;
	v23 =	vpop (erf);
	(pc) =	sbr.rel @p0 .LBB2_14-.Ltmp6, $4  }
0x1fb: {  	s7 =	sshra.s32 s6, $0x2;
	[tilespmem:s5+$0x11500] =	vst v19;
	v18 =	vsel vm0, v18, v22;
	vm0 =	vgt.f32 v17, $0.0e+00;
	v22 =	vadd.f32 $-1.000000000e+00, v23  }
0x1fc: {  	v19 =	vld [tilespmem:s7+$0x11500];
	[tilespmem:s5+$0x11510] =	vst v18;
	v17 =	vsel vm0, v17, v21;
	vm0 =	vgt.f32 v20, $0.0e+00  }
0x1fd: {  	v18 =	vld [tilespmem:s7+$0x11510];
	[tilespmem:s5+$0x11520] =	vst v17;
	v20 =	vsel vm0, v20, v22  }
0x1fe: {  	s6 =	sadd.s32 $0x100, s6;
	v17 =	vld [tilespmem:s7+$0x11520];
	[tilespmem:s5+$0x11530] =	vst v20;
	s5 =	smov.u32 s7  }
0x1ff: {  	v20 =	vld [tilespmem:s5+$0x11530];
	_ =	sdelay $0x1  }
0x200: {  	v21 =	vmul.f32 $1.442695020e+00, v19  }
0x201: {  	v22 =	vmul.f32 $1.442695020e+00, v18  }
0x202: {  	v23 =	vmul.f32 $1.442695020e+00, v17;
	(erf) = vpow2.f32 v21  }
0x203: {  	v60 =	vmul.f32 $1.442695020e+00, v20;
	(erf) = vpow2.f32 v22  }
0x204: {  	(erf) = vpow2.f32 v23  }
0x205: {  	(erf) = vpow2.f32 v60;
	_ =	sdelay $0x5  }
0x206: {  	v61 =	vpop (erf)  }
0x207: {  	v21 =	vadd.f32 $-1.000000000e+00, v61;
	v22 =	vpop (erf)  }
0x208: {  	vm0 =	vgt.f32 v19, $0.0e+00;
	v22 =	vadd.f32 $-1.000000000e+00, v22;
	v23 =	vpop (erf)  }
0x209: {  	vm13 =	vgt.f32 v18, $0.0e+00;
	v19 =	vsel vm0, v19, v21;
	v62 =	vadd.f32 $-1.000000000e+00, v23;
	v63 =	vpop (erf)  }
0x20a: {  	vm14 =	vgt.f32 v17, $0.0e+00;
	[tilespmem:s5+$0x11500] =	vst v19;
	v18 =	vsel vm13, v18, v22;
	v19 =	vadd.f32 $-1.000000000e+00, v63  }
0x20b: {  	vm15 =	vgt.f32 v20, $0.0e+00;
	[tilespmem:s5+$0x11510] =	vst v18;
	v17 =	vsel vm14, v17, v62  }
0x20c: {  	[tilespmem:s5+$0x11520] =	vst v17;
	v17 =	vsel vm15, v20, v19  }
0x20d: {  	s28 =	simm.s32 $0x0;
	[tilespmem:s5+$0x11530] =	vst v17  }
0x20e: {  	[hbm4b:s21+s28] =	stream.linear.scatter [tilespmem:s29], [sflag:$0x2], $0x2000, $0x38;
	[tilespmem:$0x1DA80] =	vst v63  }
0x20f: {  	_ =	swait.ge [sflag:s23], $0x2000  }
0x210: {  	[sflag:s23] =	ssyncset.done $0x0  }
0x211: {  	[sflag:s23] =	ssyncadd.s32 $0xFFFFE000  }
0x212: {  	[tilespmem:s29], [sflag:$0x2] =	stream.linear.gather [spmem:s14], $0x2000, $0x38;
	[tilespmem:$0x1DA80] =	vst v63  }
0x213: {  	_ =	swait.ge [sflag:s23], $0x2000  }
0x214: {  	[sflag:s23] =	ssyncset.done $0x0  }
0x215: {  	s5 =	simm.s32 $0x0;
	[sflag:s23] =	ssyncadd.s32 $0xFFFFE000  }
0x216: {  	v19 =	vld [tilespmem:s5+$0x11500]  }
0x217: {  	v18 =	vld [tilespmem:s5+$0x11510]  }
0x218: {  	s6 =	simm.s32 $0x100;
	v17 =	vld [tilespmem:s5+$0x11520]  }
.LBB2_16:
0x219: {  	p0 =	sne.s32 s6, $0x7F00;
	v20 =	vld [tilespmem:s5+$0x11530];
	_ =	sdelay $0x1  }
0x21a: {  	v21 =	vmul.f32 $1.442695020e+00, v19  }
0x21b: {  	v22 =	vmul.f32 $1.442695020e+00, v18  }
0x21c: {  	v23 =	vmul.f32 $1.442695020e+00, v17;
	(erf) = vpow2.f32 v21  }
0x21d: {  	v21 =	vmul.f32 $1.442695020e+00, v20;
	(erf) = vpow2.f32 v22  }
0x21e: {  	(erf) = vpow2.f32 v23  }
0x21f: {  	(erf) = vpow2.f32 v21;
	_ =	sdelay $0x5  }
0x220: {  	v21 =	vpop (erf)  }
0x221: {  	v21 =	vadd.f32 $-1.000000000e+00, v21;
	v22 =	vpop (erf)  }
0x222: {  	vm0 =	vgt.f32 v19, $0.0e+00;
	v22 =	vadd.f32 $-1.000000000e+00, v22;
	v23 =	vpop (erf)  }
.Ltmp7:
0x223: {  	v19 =	vsel vm0, v19, v21;
	vm0 =	vgt.f32 v18, $0.0e+00;
	v21 =	vadd.f32 $-1.000000000e+00, v23;
	v23 =	vpop (erf);
	(pc) =	sbr.rel @p0 .LBB2_16-.Ltmp7, $4  }
0x224: {  	s7 =	sshra.s32 s6, $0x2;
	[tilespmem:s5+$0x11500] =	vst v19;
	v18 =	vsel vm0, v18, v22;
	vm0 =	vgt.f32 v17, $0.0e+00;
	v22 =	vadd.f32 $-1.000000000e+00, v23  }
0x225: {  	v19 =	vld [tilespmem:s7+$0x11500];
	[tilespmem:s5+$0x11510] =	vst v18;
	v17 =	vsel vm0, v17, v21;
	vm0 =	vgt.f32 v20, $0.0e+00  }
0x226: {  	v18 =	vld [tilespmem:s7+$0x11510];
	[tilespmem:s5+$0x11520] =	vst v17;
	v20 =	vsel vm0, v20, v22  }
0x227: {  	s6 =	sadd.s32 $0x100, s6;
	v17 =	vld [tilespmem:s7+$0x11520];
	[tilespmem:s5+$0x11530] =	vst v20;
	s5 =	smov.u32 s7  }
0x228: {  	v20 =	vld [tilespmem:s5+$0x11530];
	_ =	sdelay $0x1  }
0x229: {  	v21 =	vmul.f32 $1.442695020e+00, v19  }
0x22a: {  	v22 =	vmul.f32 $1.442695020e+00, v18  }
0x22b: {  	v23 =	vmul.f32 $1.442695020e+00, v17;
	(erf) = vpow2.f32 v21  }
0x22c: {  	v60 =	vmul.f32 $1.442695020e+00, v20;
	(erf) = vpow2.f32 v22  }
0x22d: {  	(erf) = vpow2.f32 v23  }
0x22e: {  	(erf) = vpow2.f32 v60;
	_ =	sdelay $0x5  }
0x22f: {  	v61 =	vpop (erf)  }
0x230: {  	v21 =	vadd.f32 $-1.000000000e+00, v61;
	v22 =	vpop (erf)  }
0x231: {  	vm0 =	vgt.f32 v19, $0.0e+00;
	v22 =	vadd.f32 $-1.000000000e+00, v22;
	v23 =	vpop (erf)  }
0x232: {  	vm13 =	vgt.f32 v18, $0.0e+00;
	v19 =	vsel vm0, v19, v21;
	v62 =	vadd.f32 $-1.000000000e+00, v23;
	v63 =	vpop (erf)  }
0x233: {  	vm14 =	vgt.f32 v17, $0.0e+00;
	[tilespmem:s5+$0x11500] =	vst v19;
	v18 =	vsel vm13, v18, v22;
	v19 =	vadd.f32 $-1.000000000e+00, v63  }
0x234: {  	vm15 =	vgt.f32 v20, $0.0e+00;
	[tilespmem:s5+$0x11510] =	vst v18;
	v17 =	vsel vm14, v17, v62  }
0x235: {  	[tilespmem:s5+$0x11520] =	vst v17;
	v17 =	vsel vm15, v20, v19  }
0x236: {  	s28 =	simm.s32 $0x0;
	[tilespmem:s5+$0x11530] =	vst v17  }
0x237: {  	[hbm4b:s22+s28] =	stream.linear.scatter [tilespmem:s29], [sflag:$0x2], $0x2000, $0x38;
	[tilespmem:$0x1DA80] =	vst v63  }
0x238: {  	_ =	swait.ge [sflag:s23], $0x2000  }
0x239: {  	[sflag:s23] =	ssyncset.done $0x0  }
0x23a: {  	[sflag:s23] =	ssyncadd.s32 $0xFFFFE000  }
0x23b: {  	[tilespmem:s29], [sflag:$0x2] =	stream.linear.gather [spmem:s15], $0x2000, $0x38;
	[tilespmem:$0x1DA80] =	vst v63  }
0x23c: {  	_ =	swait.ge [sflag:s23], $0x2000  }
0x23d: {  	[sflag:s23] =	ssyncset.done $0x0  }
0x23e: {  	s5 =	simm.s32 $0x0;
	[sflag:s23] =	ssyncadd.s32 $0xFFFFE000  }
0x23f: {  	v19 =	vld [tilespmem:s5+$0x11500]  }
0x240: {  	v18 =	vld [tilespmem:s5+$0x11510]  }
0x241: {  	s6 =	simm.s32 $0x100;
	v17 =	vld [tilespmem:s5+$0x11520]  }
.LBB2_18:
0x242: {  	p0 =	sne.s32 s6, $0x7F00;
	v20 =	vld [tilespmem:s5+$0x11530];
	_ =	sdelay $0x1  }
0x243: {  	v21 =	vmul.f32 $1.442695020e+00, v19  }
0x244: {  	v22 =	vmul.f32 $1.442695020e+00, v18  }
0x245: {  	v23 =	vmul.f32 $1.442695020e+00, v17;
	(erf) = vpow2.f32 v21  }
0x246: {  	v21 =	vmul.f32 $1.442695020e+00, v20;
	(erf) = vpow2.f32 v22  }
0x247: {  	(erf) = vpow2.f32 v23  }
0x248: {  	(erf) = vpow2.f32 v21;
	_ =	sdelay $0x5  }
0x249: {  	v21 =	vpop (erf)  }
0x24a: {  	v21 =	vadd.f32 $-1.000000000e+00, v21;
	v22 =	vpop (erf)  }
0x24b: {  	vm0 =	vgt.f32 v19, $0.0e+00;
	v22 =	vadd.f32 $-1.000000000e+00, v22;
	v23 =	vpop (erf)  }
.Ltmp8:
0x24c: {  	v19 =	vsel vm0, v19, v21;
	vm0 =	vgt.f32 v18, $0.0e+00;
	v21 =	vadd.f32 $-1.000000000e+00, v23;
	v23 =	vpop (erf);
	(pc) =	sbr.rel @p0 .LBB2_18-.Ltmp8, $4  }
0x24d: {  	s7 =	sshra.s32 s6, $0x2;
	[tilespmem:s5+$0x11500] =	vst v19;
	v18 =	vsel vm0, v18, v22;
	vm0 =	vgt.f32 v17, $0.0e+00;
	v22 =	vadd.f32 $-1.000000000e+00, v23  }
0x24e: {  	v19 =	vld [tilespmem:s7+$0x11500];
	[tilespmem:s5+$0x11510] =	vst v18;
	v17 =	vsel vm0, v17, v21;
	vm0 =	vgt.f32 v20, $0.0e+00  }
0x24f: {  	v18 =	vld [tilespmem:s7+$0x11510];
	[tilespmem:s5+$0x11520] =	vst v17;
	v20 =	vsel vm0, v20, v22  }
0x250: {  	s6 =	sadd.s32 $0x100, s6;
	v17 =	vld [tilespmem:s7+$0x11520];
	[tilespmem:s5+$0x11530] =	vst v20;
	s5 =	smov.u32 s7  }
0x251: {  	v20 =	vld [tilespmem:s5+$0x11530];
	_ =	sdelay $0x1  }
0x252: {  	v21 =	vmul.f32 $1.442695020e+00, v19  }
0x253: {  	v22 =	vmul.f32 $1.442695020e+00, v18  }
0x254: {  	v23 =	vmul.f32 $1.442695020e+00, v17;
	(erf) = vpow2.f32 v21  }
0x255: {  	v60 =	vmul.f32 $1.442695020e+00, v20;
	(erf) = vpow2.f32 v22  }
0x256: {  	(erf) = vpow2.f32 v23  }
0x257: {  	(erf) = vpow2.f32 v60;
	_ =	sdelay $0x5  }
0x258: {  	v61 =	vpop (erf)  }
0x259: {  	v21 =	vadd.f32 $-1.000000000e+00, v61;
	v22 =	vpop (erf)  }
0x25a: {  	vm0 =	vgt.f32 v19, $0.0e+00;
	v22 =	vadd.f32 $-1.000000000e+00, v22;
	v23 =	vpop (erf)  }
0x25b: {  	vm13 =	vgt.f32 v18, $0.0e+00;
	v19 =	vsel vm0, v19, v21;
	v62 =	vadd.f32 $-1.000000000e+00, v23;
	v63 =	vpop (erf)  }
0x25c: {  	vm14 =	vgt.f32 v17, $0.0e+00;
	[tilespmem:s5+$0x11500] =	vst v19;
	v18 =	vsel vm13, v18, v22;
	v19 =	vadd.f32 $-1.000000000e+00, v63  }
0x25d: {  	vm15 =	vgt.f32 v20, $0.0e+00;
	[tilespmem:s5+$0x11510] =	vst v18;
	v17 =	vsel vm14, v17, v62  }
0x25e: {  	[tilespmem:s5+$0x11520] =	vst v17;
	v17 =	vsel vm15, v20, v19  }
0x25f: {  	s19 =	rddreg [dreg:$0xb];
	[tilespmem:s5+$0x11530] =	vst v17  }
0x260: {  	[hbm4b:s19+s4] =	stream.linear.scatter [tilespmem:s29], [sflag:$0x2], $0x2000, $0x38;
	[tilespmem:$0x1DA80] =	vst v63  }
0x261: {  	_ =	swait.ge [sflag:s23], $0x2000  }
0x262: {  	s24 =	sadd.s32 $0x1, s24;
	s28 =	rddreg [dreg:$0xa]  }
0x263: {  	p0 =	sne.s32 s24, s28  }
.Ltmp9:
0x264: {  	_ = 	snop;
	(pc) =	sbr.rel @p0 .LBB2_1-.Ltmp9, $3  }
0x265: {  	_ =	sdelay $0x1  }
0x266: {  	[sflag:s23] =	ssyncset.done $0x0  }
0x267: {  	[sflag:s23] =	ssyncadd.s32 $0xFFFFE000  }
0x268: {  	_ =	sfence.sel $0x180000  }
0x269: {  	[bflag:$0x0] =	sbarrier.arrive $0xFFFF  }
0x26a: {  	_ =	strace $0x90000047  }
0x26b: {  	s0 =	stileid.u32;
	[bflag:$0x2] =	sbarrier.arrive $0xFFFF  }
0x26c: {  	p0 =	sne.s32 s0, $0x0;
	s0 =	rddreg [dreg:$0x4]  }
0x26d: {  	s0 =	sadd.s32 @!p0 $0x100000, s0  }
0x26e: {  	[sflag:s0] =	ssyncadd.tile.s32 @!p0 $0x1;
	_ =	shalt  }
.Lfunc_end2:
_tile_overlayer_lowered:
.L_overlay_start_2:
0x26f: {  	(tag) =	ssettag $0x2  }
0x270: {  	s0 =	rddreg [dreg:$0x0];
	s2 =	stileid.u32  }
0x271: {  	s1 =	rddreg [dreg:$0x1];
	p0 =	sne.s32 s2, $0x0  }
0x272: {  	s3 =	rddreg [dreg:$0x2];
	[bflag:$0x3] =	sbarrier.arrive $0xFFFF;
	s2 =	simm.s32 @!p0 $0x1C02  }
0x273: {  	[timem:s3], [sflag:s2] =	dma.local @!p0 [hbm:s0], s1  }
0x274: {  	s0 =	simm.s32 @!p0 $0x2  }
0x275: {  	_ =	swait.ge @!p0 [sflag:s0], s1  }
0x276: {  	s1 =	ssub.s32 @!p0 $0x0, s1;
	[sflag:s0] =	ssyncset.done @!p0 $0x0  }
0x277: {  	[sflag:s0] =	ssyncadd.s32 @!p0 s1  }
0x278: {  	[bflag:$0x3] =	sbarrier.arrive $0xFFFF  }
0x279: {  	_ =	shalt  }

</sc_bundles>
